<compile_context>
chip_gen: v7x
topology: tpu7x:2x2x1
jax: 0.10.2.dev20260603
libtpu: 0.0.44.dev20260713+nightly
codegen_flags: <defaults>
</compile_context>

<pallas_src>
import functools

import jax
import jax.numpy as jnp
from jax import lax
from jax.experimental import pallas as pl
from jax.experimental.pallas import tpu as pltpu
from jax.experimental.pallas import tpu_sc as plsc

_N = 10000
_E = 160000
_D = 256
_G = 64
_NC = 2
_NS = 16
_LANE = 128
_EPW = 10240
_EPAD = _NS * _EPW
_NCHUNK = _EPW // _LANE
_ACCROWS = 10240
_DUMMY = _N
_ZROWS = _ACCROWS // _NS
_OROWS = _ACCROWS // _NS
_R = 400
_NB = _N // _R
_EPS = 1e-5



def _sc_segment_sum(u2, gidx, dsts, zrows):
    mesh = plsc.VectorSubcoreMesh(core_axis_name="c", subcore_axis_name="s")

    @functools.partial(
        pl.kernel,
        out_type=jax.ShapeDtypeStruct((_NC, _ACCROWS, _LANE), jnp.float32),
        mesh=mesh,
        scratch_types=[
            pltpu.VMEM((_NCHUNK, _LANE), jnp.int32),
            pltpu.VMEM((_NCHUNK, _LANE), jnp.int32),
            pltpu.VMEM((_LANE, _LANE), jnp.float32),
            pltpu.VMEM_SHARED((_ACCROWS, _LANE), jnp.float32),
            pltpu.SemaphoreType.DMA,
        ],
    )
    def k(u_hbm, gidx_hbm, dst_hbm, z_hbm, out_hbm, idx_v, dst_v, rows_v,
          acc, sem):
        c = lax.axis_index("c")
        s = lax.axis_index("s")
        pltpu.sync_copy(gidx_hbm.at[c, s], idx_v)
        pltpu.sync_copy(dst_hbm.at[s], dst_v)
        pltpu.sync_copy(z_hbm, acc.at[pl.ds(s * _ZROWS, _ZROWS)])
        plsc.subcore_barrier()

        def chunk(j, carry):
            pltpu.async_copy(u_hbm.at[idx_v.at[j]], rows_v, sem).wait()
            pltpu.sync_copy(rows_v, acc.at[dst_v.at[j]], add=True)
            return carry

        lax.fori_loop(0, _NCHUNK, chunk, 0)
        plsc.subcore_barrier()
        pltpu.sync_copy(acc.at[pl.ds(s * _OROWS, _OROWS)],
                        out_hbm.at[c, pl.ds(s * _OROWS, _OROWS)])

    return k(u2, gidx, dsts, zrows)



def _tc_layer1(x, W, deg_col):

    def body(x_ref, w_ref, deg_ref, hw_ref, u_ref, dinv_ref):
        hw = jnp.dot(x_ref[...], w_ref[...],
                     preferred_element_type=jnp.float32)
        dinv = lax.rsqrt(deg_ref[...] + 1.0)
        hw_ref[...] = hw
        u_ref[...] = hw * dinv
        dinv_ref[...] = dinv

    return pl.pallas_call(
        body,
        grid=(_NB,),
        in_specs=[
            pl.BlockSpec((_R, _D), lambda i: (i, 0)),
            pl.BlockSpec((_D, _D), lambda i: (0, 0)),
            pl.BlockSpec((_R, 1), lambda i: (i, 0)),
        ],
        out_specs=[
            pl.BlockSpec((_R, _D), lambda i: (i, 0)),
            pl.BlockSpec((_R, _D), lambda i: (i, 0)),
            pl.BlockSpec((_R, 1), lambda i: (i, 0)),
        ],
        out_shape=[
            jax.ShapeDtypeStruct((_N, _D), jnp.float32),
            jax.ShapeDtypeStruct((_N, _D), jnp.float32),
            jax.ShapeDtypeStruct((_N, 1), jnp.float32),
        ],
    )(x, W, deg_col)


def _pre_block(s_ref, hw_ref, dinv, b_ref):
    sb = jnp.concatenate([s_ref[0], s_ref[1]], axis=1)
    return dinv * sb + (dinv * dinv) * hw_ref[...] + b_ref[...][None, :]


def _tc_stats(sagg, hw, dinv, b):

    def body(s_ref, hw_ref, dinv_ref, b_ref, st_ref):
        i = pl.program_id(0)
        pre = _pre_block(s_ref, hw_ref, dinv_ref[...], b_ref)

        @pl.when(i == 0)
        def _():
            st_ref[...] = jnp.zeros_like(st_ref)

        st_ref[...] += jnp.concatenate(
            [jnp.sum(pre, axis=0)[None, :],
             jnp.sum(pre * pre, axis=0)[None, :]], axis=0)

    return pl.pallas_call(
        body,
        grid=(_NB,),
        in_specs=[
            pl.BlockSpec((_NC, _R, _LANE), lambda i: (0, i, 0)),
            pl.BlockSpec((_R, _D), lambda i: (i, 0)),
            pl.BlockSpec((_R, 1), lambda i: (i, 0)),
            pl.BlockSpec((_D,), lambda i: (0,)),
        ],
        out_specs=pl.BlockSpec((2, _D), lambda i: (0, 0)),
        out_shape=jax.ShapeDtypeStruct((2, _D), jnp.float32),
    )(sagg, hw, dinv, b)


def _tc_main(sagg, hw, dinv, st, b, g, be, batch_col, W_next):
    has_next = W_next is not None

    def body(s_ref, hw_ref, dinv_ref, st_ref, b_ref, g_ref, be_ref, bc_ref,
             *rest):
        if has_next:
            w_ref, hwn_ref, un_ref, psum_ref, pmax_ref, cnt_ref = rest
        else:
            psum_ref, pmax_ref, cnt_ref = rest
        i = pl.program_id(0)
        dinv = dinv_ref[...]
        pre = _pre_block(s_ref, hw_ref, dinv, b_ref)
        m = st_ref[0, :] * (1.0 / _N)
        v = st_ref[1, :] * (1.0 / _N) - m * m
        h = jnp.maximum(
            (pre - m[None, :]) * lax.rsqrt(v + _EPS)[None, :]
            * g_ref[...][None, :] + be_ref[...][None, :], 0.0)
        if has_next:
            hwn = jnp.dot(h, w_ref[...], preferred_element_type=jnp.float32)
            hwn_ref[...] = hwn
            un_ref[...] = hwn * dinv

        @pl.when(i == 0)
        def _():
            psum_ref[...] = jnp.zeros_like(psum_ref)
            pmax_ref[...] = jnp.full_like(pmax_ref, -jnp.inf)
            cnt_ref[...] = jnp.zeros_like(cnt_ref)

        bcol = bc_ref[...]
        gr = lax.broadcasted_iota(jnp.int32, (1, _G), 1)
        maskT = (bcol == gr).astype(jnp.float32)
        psum_ref[...] += lax.dot_general(
            maskT, h, (((0,), (0,)), ((), ())),
            preferred_element_type=jnp.float32)
        cnt_ref[...] += lax.dot_general(
            maskT, jnp.ones((_R, 1), jnp.float32), (((0,), (0,)), ((), ())),
            preferred_element_type=jnp.float32)

        glo = bc_ref[0, 0]
        ghi = bc_ref[_R - 1, 0]

        def gbody(gid, carry):
            rm = bcol == gid
            hm = jnp.where(rm, h, -jnp.inf)
            gmax = jnp.max(hm, axis=0)[None, :]
            cur = pmax_ref[pl.ds(gid, 1), :]
            pmax_ref[pl.ds(gid, 1), :] = jnp.maximum(cur, gmax)
            return carry

        lax.fori_loop(glo, ghi + 1, gbody, 0)

    in_specs = [
        pl.BlockSpec((_NC, _R, _LANE), lambda i: (0, i, 0)),
        pl.BlockSpec((_R, _D), lambda i: (i, 0)),
        pl.BlockSpec((_R, 1), lambda i: (i, 0)),
        pl.BlockSpec((2, _D), lambda i: (0, 0)),
        pl.BlockSpec((_D,), lambda i: (0,)),
        pl.BlockSpec((_D,), lambda i: (0,)),
        pl.BlockSpec((_D,), lambda i: (0,)),
        pl.BlockSpec((_R, 1), lambda i: (i, 0)),
    ]
    out_specs = [
        pl.BlockSpec((_G, _D), lambda i: (0, 0)),
        pl.BlockSpec((_G, _D), lambda i: (0, 0)),
        pl.BlockSpec((_G, 1), lambda i: (0, 0)),
    ]
    out_shape = [
        jax.ShapeDtypeStruct((_G, _D), jnp.float32),
        jax.ShapeDtypeStruct((_G, _D), jnp.float32),
        jax.ShapeDtypeStruct((_G, 1), jnp.float32),
    ]
    args = [sagg, hw, dinv, st, b, g, be, batch_col]
    if has_next:
        in_specs.append(pl.BlockSpec((_D, _D), lambda i: (0, 0)))
        out_specs = [
            pl.BlockSpec((_R, _D), lambda i: (i, 0)),
            pl.BlockSpec((_R, _D), lambda i: (i, 0)),
        ] + out_specs
        out_shape = [
            jax.ShapeDtypeStruct((_N, _D), jnp.float32),
            jax.ShapeDtypeStruct((_N, _D), jnp.float32),
        ] + out_shape
        args.append(W_next)

    return pl.pallas_call(
        body,
        grid=(_NB,),
        in_specs=in_specs,
        out_specs=out_specs,
        out_shape=out_shape,
    )(*args)


def _tc_head(psums, pmaxs, cnt, lw1, lb1, lw2, lb2, lw3, lb3):

    def body(ps_ref, pm_ref, cnt_ref, lw1_ref, lb1_ref, lw2_ref, lb2_ref,
             lw3_ref, lb3_ref, o_ref):
        mx = pm_ref[0] + pm_ref[1] + pm_ref[2] + pm_ref[3]
        sm = ps_ref[0] + ps_ref[1] + ps_ref[2] + ps_ref[3]
        mean = sm / jnp.maximum(cnt_ref[...], 1.0)
        z1 = jnp.maximum(
            jnp.dot(mx, lw1_ref[0:_D, :], preferred_element_type=jnp.float32)
            + jnp.dot(mean, lw1_ref[_D:2 * _D, :],
                      preferred_element_type=jnp.float32)
            + lb1_ref[...][None, :], 0.0)
        z2 = jnp.maximum(
            jnp.dot(z1, lw2_ref[...], preferred_element_type=jnp.float32)
            + lb2_ref[...][None, :], 0.0)
        o_ref[...] = (jnp.dot(z2, lw3_ref[...],
                              preferred_element_type=jnp.float32)
                      + lb3_ref[...][None, :])

    return pl.pallas_call(
        body,
        out_shape=jax.ShapeDtypeStruct((_G, 128), jnp.float32),
    )(psums, pmaxs, cnt, lw1, lb1, lw2, lb2, lw3, lb3)



def kernel(x, edge_index, batch, W1, b1, W2, b2, W3, b3, W4, b4,
           g1, be1, g2, be2, g3, be3, g4, be4,
           lw1, lb1, lw2, lb2, lw3, lb3):
    src = edge_index[0]
    dst = edge_index[1]
    pad = _EPAD - _E
    src_p = jnp.concatenate([src, jnp.zeros((pad,), jnp.int32)])
    dst_p = jnp.concatenate([dst, jnp.full((pad,), _DUMMY, jnp.int32)])
    gidx = jnp.stack([src_p * 2, src_p * 2 + 1]).reshape(
        _NC, _NS, _NCHUNK, _LANE)
    dsts = dst_p.reshape(_NS, _NCHUNK, _LANE)
    zrows = jnp.zeros((_ZROWS, _LANE), jnp.float32)

    ones_u = jnp.ones((2 * _N, _LANE), jnp.float32)
    degt = _sc_segment_sum(ones_u, gidx, dsts, zrows)
    deg_col = degt[0, :_N, 0:1]

    hw, u, dinv = _tc_layer1(x, W1, deg_col)
    batch_col = batch[:, None]

    bs = [b1, b2, b3, b4]
    gs = [g1, g2, g3, g4]
    bes = [be1, be2, be3, be4]
    Ws = [W2, W3, W4, None]
    psums, pmaxs, cnt = [], [], None
    for l in range(4):
        sagg = _sc_segment_sum(u.reshape(2 * _N, _LANE), gidx, dsts,
                               zrows)[:, :_N, :]
        st = _tc_stats(sagg, hw, dinv, bs[l])
        if Ws[l] is not None:
            hw_n, u_n, ps, pm, c0 = _tc_main(sagg, hw, dinv, st, bs[l],
                                             gs[l], bes[l], batch_col, Ws[l])
            hw, u = hw_n, u_n
        else:
            ps, pm, c0 = _tc_main(sagg, hw, dinv, st, bs[l], gs[l], bes[l],
                                  batch_col, None)
        if cnt is None:
            cnt = c0
        psums.append(ps)
        pmaxs.append(pm)

    return _tc_head(jnp.stack(psums), jnp.stack(pmaxs), cnt,
                    lw1, lb1, lw2, lb2, lw3, lb3)

# --- scband reference (transcript-rebuilt; emitter-appended) ---
"""Pipeline reference for scband-gcn-4layer-66571993088586 (READ-ONLY COPY).

The authoritative reference and input builder live on the scoring server;
editing this copy changes nothing except your own understanding.
"""

import jax, jax.numpy as jnp
import numpy as np

N = 10000
E = 160000
D = 256
H = 256
G = 64
OUT = 128


def setup_inputs(seed: int = 0) -> dict:
    key = jax.random.key(seed)
    ks = jax.random.split(key, 16)

    def w(k, shape):
        return jax.random.normal(k, shape, dtype=jnp.float32) * 0.05

    inp = {}
    inp['x'] = jax.random.normal(ks[0], (N, D), dtype=jnp.float32)
    inp['edge_index'] = jax.random.randint(ks[1], (2, E), 0, N, dtype=jnp.int32)
    inp['batch'] = jnp.sort(jax.random.randint(ks[2], (N,), 0, G, dtype=jnp.int32))
    # GCNConv weights
    inp['W1'] = w(ks[3], (D, H)); inp['b1'] = jnp.zeros((H,), jnp.float32)
    inp['W2'] = w(ks[4], (H, H)); inp['b2'] = jnp.zeros((H,), jnp.float32)
    inp['W3'] = w(ks[5], (H, H)); inp['b3'] = jnp.zeros((H,), jnp.float32)
    inp['W4'] = w(ks[6], (H, H)); inp['b4'] = jnp.zeros((H,), jnp.float32)
    # BatchNorm affine params
    for i in range(1, 5):
        inp['g%d' % i] = jnp.ones((H,), jnp.float32)
        inp['be%d' % i] = jnp.zeros((H,), jnp.float32)
    # MLP head
    inp['lw1'] = w(ks[7], (2 * H, H)); inp['lb1'] = jnp.zeros((H,), jnp.float32)
    inp['lw2'] = w(ks[8], (H, H // 2)); inp['lb2'] = jnp.zeros((H // 2,), jnp.float32)
    inp['lw3'] = w(ks[9], (H // 2, OUT)); inp['lb3'] = jnp.zeros((OUT,), jnp.float32)
    return inp


def _gcn_conv(x, W, b, src, dst, n):
    h = x @ W
    sl = jnp.arange(n, dtype=src.dtype)
    src_sl = jnp.concatenate([src, sl])
    dst_sl = jnp.concatenate([dst, sl])
    deg = jax.ops.segment_sum(jnp.ones_like(dst_sl, dtype=h.dtype), dst_sl, num_segments=n)
    dinv = jax.lax.rsqrt(jnp.maximum(deg, 1.0))
    norm = dinv[src_sl] * dinv[dst_sl]
    out = jax.ops.segment_sum(norm[:, None] * jnp.take(h, src_sl, axis=0), dst_sl, num_segments=n)
    return out + b


def _bn(x, g, b, eps=1e-5):
    m = jnp.mean(x, axis=0)
    v = jnp.var(x, axis=0)
    return (x - m) * jax.lax.rsqrt(v + eps) * g + b


def _pool(x, batch, num_graphs):
    mx = jax.ops.segment_max(x, batch, num_segments=num_graphs)
    s = jax.ops.segment_sum(x, batch, num_segments=num_graphs)
    cnt = jax.ops.segment_sum(jnp.ones((x.shape[0],), x.dtype), batch, num_segments=num_graphs)
    mean = s / jnp.maximum(cnt, 1.0)[:, None]
    return jnp.concatenate([mx, mean], axis=1)


def reference(x, edge_index, batch, W1, b1, W2, b2, W3, b3, W4, b4,
              g1, be1, g2, be2, g3, be3, g4, be4,
              lw1, lb1, lw2, lb2, lw3, lb3):
    src = edge_index[0]
    dst = edge_index[1]
    n = x.shape[0]
    h = jax.nn.relu(_bn(_gcn_conv(x, W1, b1, src, dst, n), g1, be1))
    x1 = _pool(h, batch, G)
    h = jax.nn.relu(_bn(_gcn_conv(h, W2, b2, src, dst, n), g2, be2))
    x2 = _pool(h, batch, G)
    h = jax.nn.relu(_bn(_gcn_conv(h, W3, b3, src, dst, n), g3, be3))
    x3 = _pool(h, batch, G)
    h = jax.nn.relu(_bn(_gcn_conv(h, W4, b4, src, dst, n), g4, be4))
    x4 = _pool(h, batch, G)
    z = x1 + x2 + x3 + x4
    z = jax.nn.relu(z @ lw1 + lb1)
    # dropout p=0.5 is identity in eval mode
    z = jax.nn.relu(z @ lw2 + lb2)
    y = z @ lw3 + lb3
    return jnp.squeeze(y, axis=1) if y.shape[1] == 1 else y

if __name__ == "__main__":
    import jax
    _d = setup_inputs()
    print(jax.jit(kernel)(*tuple(_d.values())))

</pallas_src>

<mosaic_0001>
#map = affine_map<(d0, d1) -> (0, 0)>
#map1 = affine_map<(d0, d1) -> (0, 0, 0, 0)>
#map2 = affine_map<(d0, d1) -> (0, 0, 0)>
module attributes {stable_mosaic.version = 14 : i64} {
  func.func @k(%arg0: i32, %arg1: i32, %arg2: memref<20000x128xf32, #tpu.memory_space<hbm>>, %arg3: memref<2x16x80x128xi32, #tpu.memory_space<hbm>>, %arg4: memref<16x80x128xi32, #tpu.memory_space<hbm>>, %arg5: memref<640x128xf32, #tpu.memory_space<hbm>>, %arg6: memref<2x10240x128xf32, #tpu.memory_space<hbm>>, %arg7: memref<80x128xi32, #tpu.memory_space<vmem>>, %arg8: memref<80x128xi32, #tpu.memory_space<vmem>>, %arg9: memref<128x128xf32, #tpu.memory_space<vmem>>, %arg10: memref<10240x128xf32, #tpu.memory_space<vmem_shared>>, %arg11: memref<!tpu.dma_semaphore, #tpu.memory_space<semaphore_mem>>) attributes {dimension_semantics = [#tpu.dimension_semantics<core_parallel>, #tpu.dimension_semantics<subcore_parallel>], iteration_bounds = array<i64: 2, 16>, scalar_prefetch = 0 : i64, scratch_operands = 5 : i64, tpu.core_type = #tpu.core_type<sc_vector_subcore>, window_params = [{transform_indices = #map}, {transform_indices = #map1}, {transform_indices = #map2}, {transform_indices = #map}, {transform_indices = #map2}]} {
    "tpu.region"() ({
      %run_scoped3A = tpu.sem_alloc : memref<!tpu.dma_semaphore, #tpu.memory_space<semaphore_mem>>
      %dma_start3A = arith.constant 0 : i32
      %dma_start3A_11 = arith.constant 0 : i32
      %dma_start3A_12 = tpu.memref_slice %arg3[%arg0, %arg1, %dma_start3A, %dma_start3A_11] : memref<2x16x80x128xi32, #tpu.memory_space<hbm>> -> memref<1x1x80x128xi32, #tpu.memory_space<hbm>>
      %dma_start3A_13 = tpu.memref_squeeze %dma_start3A_12 : memref<1x1x80x128xi32, #tpu.memory_space<hbm>> -> memref<80x128xi32, #tpu.memory_space<hbm>>
      %dma_start3A_14 = arith.constant 0 : i32
      %dma_start3A_15 = arith.constant 0 : i32
      %dma_start3A_16 = tpu.memref_slice %arg3[%arg0, %arg1, %dma_start3A_14, %dma_start3A_15] : memref<2x16x80x128xi32, #tpu.memory_space<hbm>> -> memref<1x1x80x128xi32, #tpu.memory_space<hbm>>
      %dma_start3A_17 = tpu.memref_squeeze %dma_start3A_16 : memref<1x1x80x128xi32, #tpu.memory_space<hbm>> -> memref<80x128xi32, #tpu.memory_space<hbm>>
      tpu.enqueue_dma source(%dma_start3A_17 : memref<80x128xi32, #tpu.memory_space<hbm>>) target(%arg7 : memref<80x128xi32, #tpu.memory_space<vmem>>) target_semaphore(%run_scoped3A : memref<!tpu.dma_semaphore, #tpu.memory_space<semaphore_mem>>)
      %dma_wait3A = arith.constant 0 : i32
      %dma_wait3A_18 = arith.constant 0 : i32
      %dma_wait3A_19 = tpu.memref_slice %arg3[%arg0, %arg1, %dma_wait3A, %dma_wait3A_18] : memref<2x16x80x128xi32, #tpu.memory_space<hbm>> -> memref<1x1x80x128xi32, #tpu.memory_space<hbm>>
      %dma_wait3A_20 = tpu.memref_squeeze %dma_wait3A_19 : memref<1x1x80x128xi32, #tpu.memory_space<hbm>> -> memref<80x128xi32, #tpu.memory_space<hbm>>
      %dma_wait3A_21 = arith.constant 0 : i32
      %dma_wait3A_22 = arith.constant 0 : i32
      %dma_wait3A_23 = tpu.memref_slice %arg3[%arg0, %arg1, %dma_wait3A_21, %dma_wait3A_22] : memref<2x16x80x128xi32, #tpu.memory_space<hbm>> -> memref<1x1x80x128xi32, #tpu.memory_space<hbm>>
      %dma_wait3A_24 = tpu.memref_squeeze %dma_wait3A_23 : memref<1x1x80x128xi32, #tpu.memory_space<hbm>> -> memref<80x128xi32, #tpu.memory_space<hbm>>
      tpu.wait_dma2 semaphore(%run_scoped3A : memref<!tpu.dma_semaphore, #tpu.memory_space<semaphore_mem>>) src(%dma_wait3A_24 : memref<80x128xi32, #tpu.memory_space<hbm>>) dst(%arg7 : memref<80x128xi32, #tpu.memory_space<vmem>>)
      tpu.yield
    }) : () -> ()
    "tpu.region"() ({
      %run_scoped3A = tpu.sem_alloc : memref<!tpu.dma_semaphore, #tpu.memory_space<semaphore_mem>>
      %dma_start3A = arith.constant 0 : i32
      %dma_start3A_11 = arith.constant 0 : i32
      %dma_start3A_12 = tpu.memref_slice %arg4[%arg1, %dma_start3A, %dma_start3A_11] : memref<16x80x128xi32, #tpu.memory_space<hbm>> -> memref<1x80x128xi32, #tpu.memory_space<hbm>>
      %dma_start3A_13 = tpu.memref_squeeze %dma_start3A_12 : memref<1x80x128xi32, #tpu.memory_space<hbm>> -> memref<80x128xi32, #tpu.memory_space<hbm>>
      %dma_start3A_14 = arith.constant 0 : i32
      %dma_start3A_15 = arith.constant 0 : i32
      %dma_start3A_16 = tpu.memref_slice %arg4[%arg1, %dma_start3A_14, %dma_start3A_15] : memref<16x80x128xi32, #tpu.memory_space<hbm>> -> memref<1x80x128xi32, #tpu.memory_space<hbm>>
      %dma_start3A_17 = tpu.memref_squeeze %dma_start3A_16 : memref<1x80x128xi32, #tpu.memory_space<hbm>> -> memref<80x128xi32, #tpu.memory_space<hbm>>
      tpu.enqueue_dma source(%dma_start3A_17 : memref<80x128xi32, #tpu.memory_space<hbm>>) target(%arg8 : memref<80x128xi32, #tpu.memory_space<vmem>>) target_semaphore(%run_scoped3A : memref<!tpu.dma_semaphore, #tpu.memory_space<semaphore_mem>>)
      %dma_wait3A = arith.constant 0 : i32
      %dma_wait3A_18 = arith.constant 0 : i32
      %dma_wait3A_19 = tpu.memref_slice %arg4[%arg1, %dma_wait3A, %dma_wait3A_18] : memref<16x80x128xi32, #tpu.memory_space<hbm>> -> memref<1x80x128xi32, #tpu.memory_space<hbm>>
      %dma_wait3A_20 = tpu.memref_squeeze %dma_wait3A_19 : memref<1x80x128xi32, #tpu.memory_space<hbm>> -> memref<80x128xi32, #tpu.memory_space<hbm>>
      %dma_wait3A_21 = arith.constant 0 : i32
      %dma_wait3A_22 = arith.constant 0 : i32
      %dma_wait3A_23 = tpu.memref_slice %arg4[%arg1, %dma_wait3A_21, %dma_wait3A_22] : memref<16x80x128xi32, #tpu.memory_space<hbm>> -> memref<1x80x128xi32, #tpu.memory_space<hbm>>
      %dma_wait3A_24 = tpu.memref_squeeze %dma_wait3A_23 : memref<1x80x128xi32, #tpu.memory_space<hbm>> -> memref<80x128xi32, #tpu.memory_space<hbm>>
      tpu.wait_dma2 semaphore(%run_scoped3A : memref<!tpu.dma_semaphore, #tpu.memory_space<semaphore_mem>>) src(%dma_wait3A_24 : memref<80x128xi32, #tpu.memory_space<hbm>>) dst(%arg8 : memref<80x128xi32, #tpu.memory_space<vmem>>)
      tpu.yield
    }) : () -> ()
    %mul3A = arith.constant 640 : i32
    %mul3A_0 = arith.muli %arg1, %mul3A : i32
    "tpu.region"() ({
      %run_scoped3A = tpu.sem_alloc : memref<!tpu.dma_semaphore, #tpu.memory_space<semaphore_mem>>
      %dma_start3A = arith.constant 0 : i32
      %dma_start3A_11 = tpu.memref_slice %arg10[%mul3A_0, %dma_start3A] : memref<10240x128xf32, #tpu.memory_space<vmem_shared>> -> memref<640x128xf32, #tpu.memory_space<vmem_shared>>
      tpu.enqueue_dma source(%arg5 : memref<640x128xf32, #tpu.memory_space<hbm>>) target(%dma_start3A_11 : memref<640x128xf32, #tpu.memory_space<vmem_shared>>) target_semaphore(%run_scoped3A : memref<!tpu.dma_semaphore, #tpu.memory_space<semaphore_mem>>)
      %dma_wait3A = arith.constant 0 : i32
      %dma_wait3A_12 = tpu.memref_slice %arg10[%mul3A_0, %dma_wait3A] : memref<10240x128xf32, #tpu.memory_space<vmem_shared>> -> memref<640x128xf32, #tpu.memory_space<vmem_shared>>
      tpu.wait_dma2 semaphore(%run_scoped3A : memref<!tpu.dma_semaphore, #tpu.memory_space<semaphore_mem>>) src(%arg5 : memref<640x128xf32, #tpu.memory_space<hbm>>) dst(%dma_wait3A_12 : memref<640x128xf32, #tpu.memory_space<vmem_shared>>)
      tpu.yield
    }) : () -> ()
    %barrier3A = arith.constant 0 : index
    tpu.barrier barrier_id(%barrier3A)
    %scan3A = arith.constant 0 : i32
    %scan3A_1 = arith.constant 0 : i32
    %scan3A_2 = arith.constant 80 : i32
    %scan3A_3 = arith.addi %scan3A_1, %scan3A_2 : i32
    %scan3A_4 = arith.constant 1 : i32
    scf.for %scan3A_11 = %scan3A_1 to %scan3A_3 step %scan3A_4  : i32 {
      %dma_start3A = arith.constant 0 : i32
      %dma_start3A_12 = tpu.memref_slice %arg7[%scan3A_11, %dma_start3A] : memref<80x128xi32, #tpu.memory_space<vmem>> -> memref<1x128xi32, #tpu.memory_space<vmem>>
      %dma_start3A_13 = tpu.memref_squeeze %dma_start3A_12 : memref<1x128xi32, #tpu.memory_space<vmem>> -> memref<128xi32, #tpu.memory_space<vmem>>
      %dma_start3A_14 = arith.constant 0 : i32
      %dma_start3A_15 = arith.constant 0 : i32
      %dma_start3A_16 = tpu.memref_slice %arg2[%dma_start3A_14, %dma_start3A_15] : memref<20000x128xf32, #tpu.memory_space<hbm>> -> memref<20000x128xf32, #tpu.memory_space<hbm>>
      tpu.enqueue_indirect_dma source(%dma_start3A_16 : memref<20000x128xf32, #tpu.memory_space<hbm>>) target(%arg9 : memref<128x128xf32, #tpu.memory_space<vmem>>) offsets(%dma_start3A_13 : memref<128xi32, #tpu.memory_space<vmem>>) semaphore(%arg11 : memref<!tpu.dma_semaphore, #tpu.memory_space<semaphore_mem>>)
      %dma_wait3A = arith.constant 0 : i32
      %dma_wait3A_17 = tpu.memref_slice %arg7[%scan3A_11, %dma_wait3A] : memref<80x128xi32, #tpu.memory_space<vmem>> -> memref<1x128xi32, #tpu.memory_space<vmem>>
      %dma_wait3A_18 = tpu.memref_squeeze %dma_wait3A_17 : memref<1x128xi32, #tpu.memory_space<vmem>> -> memref<128xi32, #tpu.memory_space<vmem>>
      %dma_wait3A_19 = arith.constant 0 : i32
      %dma_wait3A_20 = arith.constant 0 : i32
      %dma_wait3A_21 = tpu.memref_slice %arg2[%dma_wait3A_19, %dma_wait3A_20] : memref<20000x128xf32, #tpu.memory_space<hbm>> -> memref<20000x128xf32, #tpu.memory_space<hbm>>
      tpu.wait_indirect_dma semaphore(%arg11 : memref<!tpu.dma_semaphore, #tpu.memory_space<semaphore_mem>>) src(%dma_wait3A_21 : memref<20000x128xf32, #tpu.memory_space<hbm>>) dst(%arg9 : memref<128x128xf32, #tpu.memory_space<vmem>>)
      "tpu.region"() ({
        %run_scoped3A = tpu.sem_alloc : memref<!tpu.dma_semaphore, #tpu.memory_space<semaphore_mem>>
        %dma_start3A_22 = arith.constant 0 : i32
        %dma_start3A_23 = tpu.memref_slice %arg8[%scan3A_11, %dma_start3A_22] : memref<80x128xi32, #tpu.memory_space<vmem>> -> memref<1x128xi32, #tpu.memory_space<vmem>>
        %dma_start3A_24 = tpu.memref_squeeze %dma_start3A_23 : memref<1x128xi32, #tpu.memory_space<vmem>> -> memref<128xi32, #tpu.memory_space<vmem>>
        %dma_start3A_25 = arith.constant 0 : i32
        %dma_start3A_26 = arith.constant 0 : i32
        %dma_start3A_27 = tpu.memref_slice %arg10[%dma_start3A_25, %dma_start3A_26] : memref<10240x128xf32, #tpu.memory_space<vmem_shared>> -> memref<10240x128xf32, #tpu.memory_space<vmem_shared>>
        tpu.enqueue_indirect_dma source(%arg9 : memref<128x128xf32, #tpu.memory_space<vmem>>) target(%dma_start3A_27 : memref<10240x128xf32, #tpu.memory_space<vmem_shared>>) offsets(%dma_start3A_24 : memref<128xi32, #tpu.memory_space<vmem>>) semaphore(%run_scoped3A : memref<!tpu.dma_semaphore, #tpu.memory_space<semaphore_mem>>) {add = true}
        %dma_wait3A_28 = arith.constant 0 : i32
        %dma_wait3A_29 = tpu.memref_slice %arg8[%scan3A_11, %dma_wait3A_28] : memref<80x128xi32, #tpu.memory_space<vmem>> -> memref<1x128xi32, #tpu.memory_space<vmem>>
        %dma_wait3A_30 = tpu.memref_squeeze %dma_wait3A_29 : memref<1x128xi32, #tpu.memory_space<vmem>> -> memref<128xi32, #tpu.memory_space<vmem>>
        %dma_wait3A_31 = arith.constant 0 : i32
        %dma_wait3A_32 = arith.constant 0 : i32
        %dma_wait3A_33 = tpu.memref_slice %arg10[%dma_wait3A_31, %dma_wait3A_32] : memref<10240x128xf32, #tpu.memory_space<vmem_shared>> -> memref<10240x128xf32, #tpu.memory_space<vmem_shared>>
        tpu.wait_indirect_dma semaphore(%run_scoped3A : memref<!tpu.dma_semaphore, #tpu.memory_space<semaphore_mem>>) src(%arg9 : memref<128x128xf32, #tpu.memory_space<vmem>>) dst(%dma_wait3A_33 : memref<10240x128xf32, #tpu.memory_space<vmem_shared>>)
        tpu.yield
      }) : () -> ()
    }
    %scan3A_5 = arith.constant 80 : i32
    %barrier3A_6 = arith.constant 0 : index
    tpu.barrier barrier_id(%barrier3A_6)
    %mul3A_7 = arith.constant 640 : i32
    %mul3A_8 = arith.muli %arg1, %mul3A_7 : i32
    %mul3A_9 = arith.constant 640 : i32
    %mul3A_10 = arith.muli %arg1, %mul3A_9 : i32
    "tpu.region"() ({
      %run_scoped3A = tpu.sem_alloc : memref<!tpu.dma_semaphore, #tpu.memory_space<semaphore_mem>>
      %dma_start3A = arith.constant 0 : i32
      %dma_start3A_11 = tpu.memref_slice %arg6[%arg0, %mul3A_10, %dma_start3A] : memref<2x10240x128xf32, #tpu.memory_space<hbm>> -> memref<1x640x128xf32, #tpu.memory_space<hbm>>
      %dma_start3A_12 = tpu.memref_squeeze %dma_start3A_11 : memref<1x640x128xf32, #tpu.memory_space<hbm>> -> memref<640x128xf32, #tpu.memory_space<hbm>>
      %dma_start3A_13 = arith.constant 0 : i32
      %dma_start3A_14 = tpu.memref_slice %arg10[%mul3A_8, %dma_start3A_13] : memref<10240x128xf32, #tpu.memory_space<vmem_shared>> -> memref<640x128xf32, #tpu.memory_space<vmem_shared>>
      tpu.enqueue_dma source(%dma_start3A_14 : memref<640x128xf32, #tpu.memory_space<vmem_shared>>) target(%dma_start3A_12 : memref<640x128xf32, #tpu.memory_space<hbm>>) target_semaphore(%run_scoped3A : memref<!tpu.dma_semaphore, #tpu.memory_space<semaphore_mem>>)
      %dma_wait3A = arith.constant 0 : i32
      %dma_wait3A_15 = tpu.memref_slice %arg6[%arg0, %mul3A_10, %dma_wait3A] : memref<2x10240x128xf32, #tpu.memory_space<hbm>> -> memref<1x640x128xf32, #tpu.memory_space<hbm>>
      %dma_wait3A_16 = tpu.memref_squeeze %dma_wait3A_15 : memref<1x640x128xf32, #tpu.memory_space<hbm>> -> memref<640x128xf32, #tpu.memory_space<hbm>>
      %dma_wait3A_17 = arith.constant 0 : i32
      %dma_wait3A_18 = tpu.memref_slice %arg10[%mul3A_8, %dma_wait3A_17] : memref<10240x128xf32, #tpu.memory_space<vmem_shared>> -> memref<640x128xf32, #tpu.memory_space<vmem_shared>>
      tpu.wait_dma2 semaphore(%run_scoped3A : memref<!tpu.dma_semaphore, #tpu.memory_space<semaphore_mem>>) src(%dma_wait3A_18 : memref<640x128xf32, #tpu.memory_space<vmem_shared>>) dst(%dma_wait3A_16 : memref<640x128xf32, #tpu.memory_space<hbm>>)
      tpu.yield
    }) : () -> ()
    return
  }
}

#map = affine_map<(d0, d1) -> (0, 0)>
#map1 = affine_map<(d0, d1) -> (0, 0, 0, 0)>
#map2 = affine_map<(d0, d1) -> (0, 0, 0)>
module attributes {stable_mosaic.version = 14 : i64} {
  func.func @k(%arg0: i32, %arg1: i32, %arg2: memref<20000x128xf32, #tpu.memory_space<hbm>>, %arg3: memref<2x16x80x128xi32, #tpu.memory_space<hbm>>, %arg4: memref<16x80x128xi32, #tpu.memory_space<hbm>>, %arg5: memref<640x128xf32, #tpu.memory_space<hbm>>, %arg6: memref<2x10240x128xf32, #tpu.memory_space<hbm>>, %arg7: memref<80x128xi32, #tpu.memory_space<vmem>>, %arg8: memref<80x128xi32, #tpu.memory_space<vmem>>, %arg9: memref<128x128xf32, #tpu.memory_space<vmem>>, %arg10: memref<10240x128xf32, #tpu.memory_space<vmem_shared>>, %arg11: memref<!tpu.dma_semaphore, #tpu.memory_space<semaphore_mem>>) attributes {dimension_semantics = [#tpu.dimension_semantics<core_parallel>, #tpu.dimension_semantics<subcore_parallel>], iteration_bounds = array<i64: 2, 16>, scalar_prefetch = 0 : i64, scratch_operands = 5 : i64, tpu.core_type = #tpu.core_type<sc_vector_subcore>, window_params = [{transform_indices = #map}, {transform_indices = #map1}, {transform_indices = #map2}, {transform_indices = #map}, {transform_indices = #map2}]} {
    "tpu.region"() ({
      %run_scoped3A = tpu.sem_alloc : memref<!tpu.dma_semaphore, #tpu.memory_space<semaphore_mem>>
      %dma_start3A = arith.constant 0 : i32
      %dma_start3A_11 = arith.constant 0 : i32
      %dma_start3A_12 = tpu.memref_slice %arg3[%arg0, %arg1, %dma_start3A, %dma_start3A_11] : memref<2x16x80x128xi32, #tpu.memory_space<hbm>> -> memref<1x1x80x128xi32, #tpu.memory_space<hbm>>
      %dma_start3A_13 = tpu.memref_squeeze %dma_start3A_12 : memref<1x1x80x128xi32, #tpu.memory_space<hbm>> -> memref<80x128xi32, #tpu.memory_space<hbm>>
      %dma_start3A_14 = arith.constant 0 : i32
      %dma_start3A_15 = arith.constant 0 : i32
      %dma_start3A_16 = tpu.memref_slice %arg3[%arg0, %arg1, %dma_start3A_14, %dma_start3A_15] : memref<2x16x80x128xi32, #tpu.memory_space<hbm>> -> memref<1x1x80x128xi32, #tpu.memory_space<hbm>>
      %dma_start3A_17 = tpu.memref_squeeze %dma_start3A_16 : memref<1x1x80x128xi32, #tpu.memory_space<hbm>> -> memref<80x128xi32, #tpu.memory_space<hbm>>
      tpu.enqueue_dma source(%dma_start3A_17 : memref<80x128xi32, #tpu.memory_space<hbm>>) target(%arg7 : memref<80x128xi32, #tpu.memory_space<vmem>>) target_semaphore(%run_scoped3A : memref<!tpu.dma_semaphore, #tpu.memory_space<semaphore_mem>>)
      %dma_wait3A = arith.constant 0 : i32
      %dma_wait3A_18 = arith.constant 0 : i32
      %dma_wait3A_19 = tpu.memref_slice %arg3[%arg0, %arg1, %dma_wait3A, %dma_wait3A_18] : memref<2x16x80x128xi32, #tpu.memory_space<hbm>> -> memref<1x1x80x128xi32, #tpu.memory_space<hbm>>
      %dma_wait3A_20 = tpu.memref_squeeze %dma_wait3A_19 : memref<1x1x80x128xi32, #tpu.memory_space<hbm>> -> memref<80x128xi32, #tpu.memory_space<hbm>>
      %dma_wait3A_21 = arith.constant 0 : i32
      %dma_wait3A_22 = arith.constant 0 : i32
      %dma_wait3A_23 = tpu.memref_slice %arg3[%arg0, %arg1, %dma_wait3A_21, %dma_wait3A_22] : memref<2x16x80x128xi32, #tpu.memory_space<hbm>> -> memref<1x1x80x128xi32, #tpu.memory_space<hbm>>
      %dma_wait3A_24 = tpu.memref_squeeze %dma_wait3A_23 : memref<1x1x80x128xi32, #tpu.memory_space<hbm>> -> memref<80x128xi32, #tpu.memory_space<hbm>>
      tpu.wait_dma2 semaphore(%run_scoped3A : memref<!tpu.dma_semaphore, #tpu.memory_space<semaphore_mem>>) src(%dma_wait3A_24 : memref<80x128xi32, #tpu.memory_space<hbm>>) dst(%arg7 : memref<80x128xi32, #tpu.memory_space<vmem>>)
      tpu.yield
    }) : () -> ()
    "tpu.region"() ({
      %run_scoped3A = tpu.sem_alloc : memref<!tpu.dma_semaphore, #tpu.memory_space<semaphore_mem>>
      %dma_start3A = arith.constant 0 : i32
      %dma_start3A_11 = arith.constant 0 : i32
      %dma_start3A_12 = tpu.memref_slice %arg4[%arg1, %dma_start3A, %dma_start3A_11] : memref<16x80x128xi32, #tpu.memory_space<hbm>> -> memref<1x80x128xi32, #tpu.memory_space<hbm>>
      %dma_start3A_13 = tpu.memref_squeeze %dma_start3A_12 : memref<1x80x128xi32, #tpu.memory_space<hbm>> -> memref<80x128xi32, #tpu.memory_space<hbm>>
      %dma_start3A_14 = arith.constant 0 : i32
      %dma_start3A_15 = arith.constant 0 : i32
      %dma_start3A_16 = tpu.memref_slice %arg4[%arg1, %dma_start3A_14, %dma_start3A_15] : memref<16x80x128xi32, #tpu.memory_space<hbm>> -> memref<1x80x128xi32, #tpu.memory_space<hbm>>
      %dma_start3A_17 = tpu.memref_squeeze %dma_start3A_16 : memref<1x80x128xi32, #tpu.memory_space<hbm>> -> memref<80x128xi32, #tpu.memory_space<hbm>>
      tpu.enqueue_dma source(%dma_start3A_17 : memref<80x128xi32, #tpu.memory_space<hbm>>) target(%arg8 : memref<80x128xi32, #tpu.memory_space<vmem>>) target_semaphore(%run_scoped3A : memref<!tpu.dma_semaphore, #tpu.memory_space<semaphore_mem>>)
      %dma_wait3A = arith.constant 0 : i32
      %dma_wait3A_18 = arith.constant 0 : i32
      %dma_wait3A_19 = tpu.memref_slice %arg4[%arg1, %dma_wait3A, %dma_wait3A_18] : memref<16x80x128xi32, #tpu.memory_space<hbm>> -> memref<1x80x128xi32, #tpu.memory_space<hbm>>
      %dma_wait3A_20 = tpu.memref_squeeze %dma_wait3A_19 : memref<1x80x128xi32, #tpu.memory_space<hbm>> -> memref<80x128xi32, #tpu.memory_space<hbm>>
      %dma_wait3A_21 = arith.constant 0 : i32
      %dma_wait3A_22 = arith.constant 0 : i32
      %dma_wait3A_23 = tpu.memref_slice %arg4[%arg1, %dma_wait3A_21, %dma_wait3A_22] : memref<16x80x128xi32, #tpu.memory_space<hbm>> -> memref<1x80x128xi32, #tpu.memory_space<hbm>>
      %dma_wait3A_24 = tpu.memref_squeeze %dma_wait3A_23 : memref<1x80x128xi32, #tpu.memory_space<hbm>> -> memref<80x128xi32, #tpu.memory_space<hbm>>
      tpu.wait_dma2 semaphore(%run_scoped3A : memref<!tpu.dma_semaphore, #tpu.memory_space<semaphore_mem>>) src(%dma_wait3A_24 : memref<80x128xi32, #tpu.memory_space<hbm>>) dst(%arg8 : memref<80x128xi32, #tpu.memory_space<vmem>>)
      tpu.yield
    }) : () -> ()
    %mul3A = arith.constant 640 : i32
    %mul3A_0 = arith.muli %arg1, %mul3A : i32
    "tpu.region"() ({
      %run_scoped3A = tpu.sem_alloc : memref<!tpu.dma_semaphore, #tpu.memory_space<semaphore_mem>>
      %dma_start3A = arith.constant 0 : i32
      %dma_start3A_11 = tpu.memref_slice %arg10[%mul3A_0, %dma_start3A] : memref<10240x128xf32, #tpu.memory_space<vmem_shared>> -> memref<640x128xf32, #tpu.memory_space<vmem_shared>>
      tpu.enqueue_dma source(%arg5 : memref<640x128xf32, #tpu.memory_space<hbm>>) target(%dma_start3A_11 : memref<640x128xf32, #tpu.memory_space<vmem_shared>>) target_semaphore(%run_scoped3A : memref<!tpu.dma_semaphore, #tpu.memory_space<semaphore_mem>>)
      %dma_wait3A = arith.constant 0 : i32
      %dma_wait3A_12 = tpu.memref_slice %arg10[%mul3A_0, %dma_wait3A] : memref<10240x128xf32, #tpu.memory_space<vmem_shared>> -> memref<640x128xf32, #tpu.memory_space<vmem_shared>>
      tpu.wait_dma2 semaphore(%run_scoped3A : memref<!tpu.dma_semaphore, #tpu.memory_space<semaphore_mem>>) src(%arg5 : memref<640x128xf32, #tpu.memory_space<hbm>>) dst(%dma_wait3A_12 : memref<640x128xf32, #tpu.memory_space<vmem_shared>>)
      tpu.yield
    }) : () -> ()
    %barrier3A = arith.constant 0 : index
    tpu.barrier barrier_id(%barrier3A)
    %scan3A = arith.constant 0 : i32
    %scan3A_1 = arith.constant 0 : i32
    %scan3A_2 = arith.constant 80 : i32
    %scan3A_3 = arith.addi %scan3A_1, %scan3A_2 : i32
    %scan3A_4 = arith.constant 1 : i32
    scf.for %scan3A_11 = %scan3A_1 to %scan3A_3 step %scan3A_4  : i32 {
      %dma_start3A = arith.constant 0 : i32
      %dma_start3A_12 = tpu.memref_slice %arg7[%scan3A_11, %dma_start3A] : memref<80x128xi32, #tpu.memory_space<vmem>> -> memref<1x128xi32, #tpu.memory_space<vmem>>
      %dma_start3A_13 = tpu.memref_squeeze %dma_start3A_12 : memref<1x128xi32, #tpu.memory_space<vmem>> -> memref<128xi32, #tpu.memory_space<vmem>>
      %dma_start3A_14 = arith.constant 0 : i32
      %dma_start3A_15 = arith.constant 0 : i32
      %dma_start3A_16 = tpu.memref_slice %arg2[%dma_start3A_14, %dma_start3A_15] : memref<20000x128xf32, #tpu.memory_space<hbm>> -> memref<20000x128xf32, #tpu.memory_space<hbm>>
      tpu.enqueue_indirect_dma source(%dma_start3A_16 : memref<20000x128xf32, #tpu.memory_space<hbm>>) target(%arg9 : memref<128x128xf32, #tpu.memory_space<vmem>>) offsets(%dma_start3A_13 : memref<128xi32, #tpu.memory_space<vmem>>) semaphore(%arg11 : memref<!tpu.dma_semaphore, #tpu.memory_space<semaphore_mem>>)
      %dma_wait3A = arith.constant 0 : i32
      %dma_wait3A_17 = tpu.memref_slice %arg7[%scan3A_11, %dma_wait3A] : memref<80x128xi32, #tpu.memory_space<vmem>> -> memref<1x128xi32, #tpu.memory_space<vmem>>
      %dma_wait3A_18 = tpu.memref_squeeze %dma_wait3A_17 : memref<1x128xi32, #tpu.memory_space<vmem>> -> memref<128xi32, #tpu.memory_space<vmem>>
      %dma_wait3A_19 = arith.constant 0 : i32
      %dma_wait3A_20 = arith.constant 0 : i32
      %dma_wait3A_21 = tpu.memref_slice %arg2[%dma_wait3A_19, %dma_wait3A_20] : memref<20000x128xf32, #tpu.memory_space<hbm>> -> memref<20000x128xf32, #tpu.memory_space<hbm>>
      tpu.wait_indirect_dma semaphore(%arg11 : memref<!tpu.dma_semaphore, #tpu.memory_space<semaphore_mem>>) src(%dma_wait3A_21 : memref<20000x128xf32, #tpu.memory_space<hbm>>) dst(%arg9 : memref<128x128xf32, #tpu.memory_space<vmem>>)
      "tpu.region"() ({
        %run_scoped3A = tpu.sem_alloc : memref<!tpu.dma_semaphore, #tpu.memory_space<semaphore_mem>>
        %dma_start3A_22 = arith.constant 0 : i32
        %dma_start3A_23 = tpu.memref_slice %arg8[%scan3A_11, %dma_start3A_22] : memref<80x128xi32, #tpu.memory_space<vmem>> -> memref<1x128xi32, #tpu.memory_space<vmem>>
        %dma_start3A_24 = tpu.memref_squeeze %dma_start3A_23 : memref<1x128xi32, #tpu.memory_space<vmem>> -> memref<128xi32, #tpu.memory_space<vmem>>
        %dma_start3A_25 = arith.constant 0 : i32
        %dma_start3A_26 = arith.constant 0 : i32
        %dma_start3A_27 = tpu.memref_slice %arg10[%dma_start3A_25, %dma_start3A_26] : memref<10240x128xf32, #tpu.memory_space<vmem_shared>> -> memref<10240x128xf32, #tpu.memory_space<vmem_shared>>
        tpu.enqueue_indirect_dma source(%arg9 : memref<128x128xf32, #tpu.memory_space<vmem>>) target(%dma_start3A_27 : memref<10240x128xf32, #tpu.memory_space<vmem_shared>>) offsets(%dma_start3A_24 : memref<128xi32, #tpu.memory_space<vmem>>) semaphore(%run_scoped3A : memref<!tpu.dma_semaphore, #tpu.memory_space<semaphore_mem>>) {add = true}
        %dma_wait3A_28 = arith.constant 0 : i32
        %dma_wait3A_29 = tpu.memref_slice %arg8[%scan3A_11, %dma_wait3A_28] : memref<80x128xi32, #tpu.memory_space<vmem>> -> memref<1x128xi32, #tpu.memory_space<vmem>>
        %dma_wait3A_30 = tpu.memref_squeeze %dma_wait3A_29 : memref<1x128xi32, #tpu.memory_space<vmem>> -> memref<128xi32, #tpu.memory_space<vmem>>
        %dma_wait3A_31 = arith.constant 0 : i32
        %dma_wait3A_32 = arith.constant 0 : i32
        %dma_wait3A_33 = tpu.memref_slice %arg10[%dma_wait3A_31, %dma_wait3A_32] : memref<10240x128xf32, #tpu.memory_space<vmem_shared>> -> memref<10240x128xf32, #tpu.memory_space<vmem_shared>>
        tpu.wait_indirect_dma semaphore(%run_scoped3A : memref<!tpu.dma_semaphore, #tpu.memory_space<semaphore_mem>>) src(%arg9 : memref<128x128xf32, #tpu.memory_space<vmem>>) dst(%dma_wait3A_33 : memref<10240x128xf32, #tpu.memory_space<vmem_shared>>)
        tpu.yield
      }) : () -> ()
    }
    %scan3A_5 = arith.constant 80 : i32
    %barrier3A_6 = arith.constant 0 : index
    tpu.barrier barrier_id(%barrier3A_6)
    %mul3A_7 = arith.constant 640 : i32
    %mul3A_8 = arith.muli %arg1, %mul3A_7 : i32
    %mul3A_9 = arith.constant 640 : i32
    %mul3A_10 = arith.muli %arg1, %mul3A_9 : i32
    "tpu.region"() ({
      %run_scoped3A = tpu.sem_alloc : memref<!tpu.dma_semaphore, #tpu.memory_space<semaphore_mem>>
      %dma_start3A = arith.constant 0 : i32
      %dma_start3A_11 = tpu.memref_slice %arg6[%arg0, %mul3A_10, %dma_start3A] : memref<2x10240x128xf32, #tpu.memory_space<hbm>> -> memref<1x640x128xf32, #tpu.memory_space<hbm>>
      %dma_start3A_12 = tpu.memref_squeeze %dma_start3A_11 : memref<1x640x128xf32, #tpu.memory_space<hbm>> -> memref<640x128xf32, #tpu.memory_space<hbm>>
      %dma_start3A_13 = arith.constant 0 : i32
      %dma_start3A_14 = tpu.memref_slice %arg10[%mul3A_8, %dma_start3A_13] : memref<10240x128xf32, #tpu.memory_space<vmem_shared>> -> memref<640x128xf32, #tpu.memory_space<vmem_shared>>
      tpu.enqueue_dma source(%dma_start3A_14 : memref<640x128xf32, #tpu.memory_space<vmem_shared>>) target(%dma_start3A_12 : memref<640x128xf32, #tpu.memory_space<hbm>>) target_semaphore(%run_scoped3A : memref<!tpu.dma_semaphore, #tpu.memory_space<semaphore_mem>>)
      %dma_wait3A = arith.constant 0 : i32
      %dma_wait3A_15 = tpu.memref_slice %arg6[%arg0, %mul3A_10, %dma_wait3A] : memref<2x10240x128xf32, #tpu.memory_space<hbm>> -> memref<1x640x128xf32, #tpu.memory_space<hbm>>
      %dma_wait3A_16 = tpu.memref_squeeze %dma_wait3A_15 : memref<1x640x128xf32, #tpu.memory_space<hbm>> -> memref<640x128xf32, #tpu.memory_space<hbm>>
      %dma_wait3A_17 = arith.constant 0 : i32
      %dma_wait3A_18 = tpu.memref_slice %arg10[%mul3A_8, %dma_wait3A_17] : memref<10240x128xf32, #tpu.memory_space<vmem_shared>> -> memref<640x128xf32, #tpu.memory_space<vmem_shared>>
      tpu.wait_dma2 semaphore(%run_scoped3A : memref<!tpu.dma_semaphore, #tpu.memory_space<semaphore_mem>>) src(%dma_wait3A_18 : memref<640x128xf32, #tpu.memory_space<vmem_shared>>) dst(%dma_wait3A_16 : memref<640x128xf32, #tpu.memory_space<hbm>>)
      tpu.yield
    }) : () -> ()
    return
  }
}

#map = affine_map<(d0, d1) -> (0, 0)>
#map1 = affine_map<(d0, d1) -> (0, 0, 0, 0)>
#map2 = affine_map<(d0, d1) -> (0, 0, 0)>
module attributes {stable_mosaic.version = 14 : i64} {
  func.func @k(%arg0: i32, %arg1: i32, %arg2: memref<20000x128xf32, #tpu.memory_space<hbm>>, %arg3: memref<2x16x80x128xi32, #tpu.memory_space<hbm>>, %arg4: memref<16x80x128xi32, #tpu.memory_space<hbm>>, %arg5: memref<640x128xf32, #tpu.memory_space<hbm>>, %arg6: memref<2x10240x128xf32, #tpu.memory_space<hbm>>, %arg7: memref<80x128xi32, #tpu.memory_space<vmem>>, %arg8: memref<80x128xi32, #tpu.memory_space<vmem>>, %arg9: memref<128x128xf32, #tpu.memory_space<vmem>>, %arg10: memref<10240x128xf32, #tpu.memory_space<vmem_shared>>, %arg11: memref<!tpu.dma_semaphore, #tpu.memory_space<semaphore_mem>>) attributes {dimension_semantics = [#tpu.dimension_semantics<core_parallel>, #tpu.dimension_semantics<subcore_parallel>], iteration_bounds = array<i64: 2, 16>, scalar_prefetch = 0 : i64, scratch_operands = 5 : i64, tpu.core_type = #tpu.core_type<sc_vector_subcore>, window_params = [{transform_indices = #map}, {transform_indices = #map1}, {transform_indices = #map2}, {transform_indices = #map}, {transform_indices = #map2}]} {
    "tpu.region"() ({
      %run_scoped3A = tpu.sem_alloc : memref<!tpu.dma_semaphore, #tpu.memory_space<semaphore_mem>>
      %dma_start3A = arith.constant 0 : i32
      %dma_start3A_11 = arith.constant 0 : i32
      %dma_start3A_12 = tpu.memref_slice %arg3[%arg0, %arg1, %dma_start3A, %dma_start3A_11] : memref<2x16x80x128xi32, #tpu.memory_space<hbm>> -> memref<1x1x80x128xi32, #tpu.memory_space<hbm>>
      %dma_start3A_13 = tpu.memref_squeeze %dma_start3A_12 : memref<1x1x80x128xi32, #tpu.memory_space<hbm>> -> memref<80x128xi32, #tpu.memory_space<hbm>>
      %dma_start3A_14 = arith.constant 0 : i32
      %dma_start3A_15 = arith.constant 0 : i32
      %dma_start3A_16 = tpu.memref_slice %arg3[%arg0, %arg1, %dma_start3A_14, %dma_start3A_15] : memref<2x16x80x128xi32, #tpu.memory_space<hbm>> -> memref<1x1x80x128xi32, #tpu.memory_space<hbm>>
      %dma_start3A_17 = tpu.memref_squeeze %dma_start3A_16 : memref<1x1x80x128xi32, #tpu.memory_space<hbm>> -> memref<80x128xi32, #tpu.memory_space<hbm>>
      tpu.enqueue_dma source(%dma_start3A_17 : memref<80x128xi32, #tpu.memory_space<hbm>>) target(%arg7 : memref<80x128xi32, #tpu.memory_space<vmem>>) target_semaphore(%run_scoped3A : memref<!tpu.dma_semaphore, #tpu.memory_space<semaphore_mem>>)
      %dma_wait3A = arith.constant 0 : i32
      %dma_wait3A_18 = arith.constant 0 : i32
      %dma_wait3A_19 = tpu.memref_slice %arg3[%arg0, %arg1, %dma_wait3A, %dma_wait3A_18] : memref<2x16x80x128xi32, #tpu.memory_space<hbm>> -> memref<1x1x80x128xi32, #tpu.memory_space<hbm>>
      %dma_wait3A_20 = tpu.memref_squeeze %dma_wait3A_19 : memref<1x1x80x128xi32, #tpu.memory_space<hbm>> -> memref<80x128xi32, #tpu.memory_space<hbm>>
      %dma_wait3A_21 = arith.constant 0 : i32
      %dma_wait3A_22 = arith.constant 0 : i32
      %dma_wait3A_23 = tpu.memref_slice %arg3[%arg0, %arg1, %dma_wait3A_21, %dma_wait3A_22] : memref<2x16x80x128xi32, #tpu.memory_space<hbm>> -> memref<1x1x80x128xi32, #tpu.memory_space<hbm>>
      %dma_wait3A_24 = tpu.memref_squeeze %dma_wait3A_23 : memref<1x1x80x128xi32, #tpu.memory_space<hbm>> -> memref<80x128xi32, #tpu.memory_space<hbm>>
      tpu.wait_dma2 semaphore(%run_scoped3A : memref<!tpu.dma_semaphore, #tpu.memory_space<semaphore_mem>>) src(%dma_wait3A_24 : memref<80x128xi32, #tpu.memory_space<hbm>>) dst(%arg7 : memref<80x128xi32, #tpu.memory_space<vmem>>)
      tpu.yield
    }) : () -> ()
    "tpu.region"() ({
      %run_scoped3A = tpu.sem_alloc : memref<!tpu.dma_semaphore, #tpu.memory_space<semaphore_mem>>
      %dma_start3A = arith.constant 0 : i32
      %dma_start3A_11 = arith.constant 0 : i32
      %dma_start3A_12 = tpu.memref_slice %arg4[%arg1, %dma_start3A, %dma_start3A_11] : memref<16x80x128xi32, #tpu.memory_space<hbm>> -> memref<1x80x128xi32, #tpu.memory_space<hbm>>
      %dma_start3A_13 = tpu.memref_squeeze %dma_start3A_12 : memref<1x80x128xi32, #tpu.memory_space<hbm>> -> memref<80x128xi32, #tpu.memory_space<hbm>>
      %dma_start3A_14 = arith.constant 0 : i32
      %dma_start3A_15 = arith.constant 0 : i32
      %dma_start3A_16 = tpu.memref_slice %arg4[%arg1, %dma_start3A_14, %dma_start3A_15] : memref<16x80x128xi32, #tpu.memory_space<hbm>> -> memref<1x80x128xi32, #tpu.memory_space<hbm>>
      %dma_start3A_17 = tpu.memref_squeeze %dma_start3A_16 : memref<1x80x128xi32, #tpu.memory_space<hbm>> -> memref<80x128xi32, #tpu.memory_space<hbm>>
      tpu.enqueue_dma source(%dma_start3A_17 : memref<80x128xi32, #tpu.memory_space<hbm>>) target(%arg8 : memref<80x128xi32, #tpu.memory_space<vmem>>) target_semaphore(%run_scoped3A : memref<!tpu.dma_semaphore, #tpu.memory_space<semaphore_mem>>)
      %dma_wait3A = arith.constant 0 : i32
      %dma_wait3A_18 = arith.constant 0 : i32
      %dma_wait3A_19 = tpu.memref_slice %arg4[%arg1, %dma_wait3A, %dma_wait3A_18] : memref<16x80x128xi32, #tpu.memory_space<hbm>> -> memref<1x80x128xi32, #tpu.memory_space<hbm>>
      %dma_wait3A_20 = tpu.memref_squeeze %dma_wait3A_19 : memref<1x80x128xi32, #tpu.memory_space<hbm>> -> memref<80x128xi32, #tpu.memory_space<hbm>>
      %dma_wait3A_21 = arith.constant 0 : i32
      %dma_wait3A_22 = arith.constant 0 : i32
      %dma_wait3A_23 = tpu.memref_slice %arg4[%arg1, %dma_wait3A_21, %dma_wait3A_22] : memref<16x80x128xi32, #tpu.memory_space<hbm>> -> memref<1x80x128xi32, #tpu.memory_space<hbm>>
      %dma_wait3A_24 = tpu.memref_squeeze %dma_wait3A_23 : memref<1x80x128xi32, #tpu.memory_space<hbm>> -> memref<80x128xi32, #tpu.memory_space<hbm>>
      tpu.wait_dma2 semaphore(%run_scoped3A : memref<!tpu.dma_semaphore, #tpu.memory_space<semaphore_mem>>) src(%dma_wait3A_24 : memref<80x128xi32, #tpu.memory_space<hbm>>) dst(%arg8 : memref<80x128xi32, #tpu.memory_space<vmem>>)
      tpu.yield
    }) : () -> ()
    %mul3A = arith.constant 640 : i32
    %mul3A_0 = arith.muli %arg1, %mul3A : i32
    "tpu.region"() ({
      %run_scoped3A = tpu.sem_alloc : memref<!tpu.dma_semaphore, #tpu.memory_space<semaphore_mem>>
      %dma_start3A = arith.constant 0 : i32
      %dma_start3A_11 = tpu.memref_slice %arg10[%mul3A_0, %dma_start3A] : memref<10240x128xf32, #tpu.memory_space<vmem_shared>> -> memref<640x128xf32, #tpu.memory_space<vmem_shared>>
      tpu.enqueue_dma source(%arg5 : memref<640x128xf32, #tpu.memory_space<hbm>>) target(%dma_start3A_11 : memref<640x128xf32, #tpu.memory_space<vmem_shared>>) target_semaphore(%run_scoped3A : memref<!tpu.dma_semaphore, #tpu.memory_space<semaphore_mem>>)
      %dma_wait3A = arith.constant 0 : i32
      %dma_wait3A_12 = tpu.memref_slice %arg10[%mul3A_0, %dma_wait3A] : memref<10240x128xf32, #tpu.memory_space<vmem_shared>> -> memref<640x128xf32, #tpu.memory_space<vmem_shared>>
      tpu.wait_dma2 semaphore(%run_scoped3A : memref<!tpu.dma_semaphore, #tpu.memory_space<semaphore_mem>>) src(%arg5 : memref<640x128xf32, #tpu.memory_space<hbm>>) dst(%dma_wait3A_12 : memref<640x128xf32, #tpu.memory_space<vmem_shared>>)
      tpu.yield
    }) : () -> ()
    %barrier3A = arith.constant 0 : index
    tpu.barrier barrier_id(%barrier3A)
    %scan3A = arith.constant 0 : i32
    %scan3A_1 = arith.constant 0 : i32
    %scan3A_2 = arith.constant 80 : i32
    %scan3A_3 = arith.addi %scan3A_1, %scan3A_2 : i32
    %scan3A_4 = arith.constant 1 : i32
    scf.for %scan3A_11 = %scan3A_1 to %scan3A_3 step %scan3A_4  : i32 {
      %dma_start3A = arith.constant 0 : i32
      %dma_start3A_12 = tpu.memref_slice %arg7[%scan3A_11, %dma_start3A] : memref<80x128xi32, #tpu.memory_space<vmem>> -> memref<1x128xi32, #tpu.memory_space<vmem>>
      %dma_start3A_13 = tpu.memref_squeeze %dma_start3A_12 : memref<1x128xi32, #tpu.memory_space<vmem>> -> memref<128xi32, #tpu.memory_space<vmem>>
      %dma_start3A_14 = arith.constant 0 : i32
      %dma_start3A_15 = arith.constant 0 : i32
      %dma_start3A_16 = tpu.memref_slice %arg2[%dma_start3A_14, %dma_start3A_15] : memref<20000x128xf32, #tpu.memory_space<hbm>> -> memref<20000x128xf32, #tpu.memory_space<hbm>>
      tpu.enqueue_indirect_dma source(%dma_start3A_16 : memref<20000x128xf32, #tpu.memory_space<hbm>>) target(%arg9 : memref<128x128xf32, #tpu.memory_space<vmem>>) offsets(%dma_start3A_13 : memref<128xi32, #tpu.memory_space<vmem>>) semaphore(%arg11 : memref<!tpu.dma_semaphore, #tpu.memory_space<semaphore_mem>>)
      %dma_wait3A = arith.constant 0 : i32
      %dma_wait3A_17 = tpu.memref_slice %arg7[%scan3A_11, %dma_wait3A] : memref<80x128xi32, #tpu.memory_space<vmem>> -> memref<1x128xi32, #tpu.memory_space<vmem>>
      %dma_wait3A_18 = tpu.memref_squeeze %dma_wait3A_17 : memref<1x128xi32, #tpu.memory_space<vmem>> -> memref<128xi32, #tpu.memory_space<vmem>>
      %dma_wait3A_19 = arith.constant 0 : i32
      %dma_wait3A_20 = arith.constant 0 : i32
      %dma_wait3A_21 = tpu.memref_slice %arg2[%dma_wait3A_19, %dma_wait3A_20] : memref<20000x128xf32, #tpu.memory_space<hbm>> -> memref<20000x128xf32, #tpu.memory_space<hbm>>
      tpu.wait_indirect_dma semaphore(%arg11 : memref<!tpu.dma_semaphore, #tpu.memory_space<semaphore_mem>>) src(%dma_wait3A_21 : memref<20000x128xf32, #tpu.memory_space<hbm>>) dst(%arg9 : memref<128x128xf32, #tpu.memory_space<vmem>>)
      "tpu.region"() ({
        %run_scoped3A = tpu.sem_alloc : memref<!tpu.dma_semaphore, #tpu.memory_space<semaphore_mem>>
        %dma_start3A_22 = arith.constant 0 : i32
        %dma_start3A_23 = tpu.memref_slice %arg8[%scan3A_11, %dma_start3A_22] : memref<80x128xi32, #tpu.memory_space<vmem>> -> memref<1x128xi32, #tpu.memory_space<vmem>>
        %dma_start3A_24 = tpu.memref_squeeze %dma_start3A_23 : memref<1x128xi32, #tpu.memory_space<vmem>> -> memref<128xi32, #tpu.memory_space<vmem>>
        %dma_start3A_25 = arith.constant 0 : i32
        %dma_start3A_26 = arith.constant 0 : i32
        %dma_start3A_27 = tpu.memref_slice %arg10[%dma_start3A_25, %dma_start3A_26] : memref<10240x128xf32, #tpu.memory_space<vmem_shared>> -> memref<10240x128xf32, #tpu.memory_space<vmem_shared>>
        tpu.enqueue_indirect_dma source(%arg9 : memref<128x128xf32, #tpu.memory_space<vmem>>) target(%dma_start3A_27 : memref<10240x128xf32, #tpu.memory_space<vmem_shared>>) offsets(%dma_start3A_24 : memref<128xi32, #tpu.memory_space<vmem>>) semaphore(%run_scoped3A : memref<!tpu.dma_semaphore, #tpu.memory_space<semaphore_mem>>) {add = true}
        %dma_wait3A_28 = arith.constant 0 : i32
        %dma_wait3A_29 = tpu.memref_slice %arg8[%scan3A_11, %dma_wait3A_28] : memref<80x128xi32, #tpu.memory_space<vmem>> -> memref<1x128xi32, #tpu.memory_space<vmem>>
        %dma_wait3A_30 = tpu.memref_squeeze %dma_wait3A_29 : memref<1x128xi32, #tpu.memory_space<vmem>> -> memref<128xi32, #tpu.memory_space<vmem>>
        %dma_wait3A_31 = arith.constant 0 : i32
        %dma_wait3A_32 = arith.constant 0 : i32
        %dma_wait3A_33 = tpu.memref_slice %arg10[%dma_wait3A_31, %dma_wait3A_32] : memref<10240x128xf32, #tpu.memory_space<vmem_shared>> -> memref<10240x128xf32, #tpu.memory_space<vmem_shared>>
        tpu.wait_indirect_dma semaphore(%run_scoped3A : memref<!tpu.dma_semaphore, #tpu.memory_space<semaphore_mem>>) src(%arg9 : memref<128x128xf32, #tpu.memory_space<vmem>>) dst(%dma_wait3A_33 : memref<10240x128xf32, #tpu.memory_space<vmem_shared>>)
        tpu.yield
      }) : () -> ()
    }
    %scan3A_5 = arith.constant 80 : i32
    %barrier3A_6 = arith.constant 0 : index
    tpu.barrier barrier_id(%barrier3A_6)
    %mul3A_7 = arith.constant 640 : i32
    %mul3A_8 = arith.muli %arg1, %mul3A_7 : i32
    %mul3A_9 = arith.constant 640 : i32
    %mul3A_10 = arith.muli %arg1, %mul3A_9 : i32
    "tpu.region"() ({
      %run_scoped3A = tpu.sem_alloc : memref<!tpu.dma_semaphore, #tpu.memory_space<semaphore_mem>>
      %dma_start3A = arith.constant 0 : i32
      %dma_start3A_11 = tpu.memref_slice %arg6[%arg0, %mul3A_10, %dma_start3A] : memref<2x10240x128xf32, #tpu.memory_space<hbm>> -> memref<1x640x128xf32, #tpu.memory_space<hbm>>
      %dma_start3A_12 = tpu.memref_squeeze %dma_start3A_11 : memref<1x640x128xf32, #tpu.memory_space<hbm>> -> memref<640x128xf32, #tpu.memory_space<hbm>>
      %dma_start3A_13 = arith.constant 0 : i32
      %dma_start3A_14 = tpu.memref_slice %arg10[%mul3A_8, %dma_start3A_13] : memref<10240x128xf32, #tpu.memory_space<vmem_shared>> -> memref<640x128xf32, #tpu.memory_space<vmem_shared>>
      tpu.enqueue_dma source(%dma_start3A_14 : memref<640x128xf32, #tpu.memory_space<vmem_shared>>) target(%dma_start3A_12 : memref<640x128xf32, #tpu.memory_space<hbm>>) target_semaphore(%run_scoped3A : memref<!tpu.dma_semaphore, #tpu.memory_space<semaphore_mem>>)
      %dma_wait3A = arith.constant 0 : i32
      %dma_wait3A_15 = tpu.memref_slice %arg6[%arg0, %mul3A_10, %dma_wait3A] : memref<2x10240x128xf32, #tpu.memory_space<hbm>> -> memref<1x640x128xf32, #tpu.memory_space<hbm>>
      %dma_wait3A_16 = tpu.memref_squeeze %dma_wait3A_15 : memref<1x640x128xf32, #tpu.memory_space<hbm>> -> memref<640x128xf32, #tpu.memory_space<hbm>>
      %dma_wait3A_17 = arith.constant 0 : i32
      %dma_wait3A_18 = tpu.memref_slice %arg10[%mul3A_8, %dma_wait3A_17] : memref<10240x128xf32, #tpu.memory_space<vmem_shared>> -> memref<640x128xf32, #tpu.memory_space<vmem_shared>>
      tpu.wait_dma2 semaphore(%run_scoped3A : memref<!tpu.dma_semaphore, #tpu.memory_space<semaphore_mem>>) src(%dma_wait3A_18 : memref<640x128xf32, #tpu.memory_space<vmem_shared>>) dst(%dma_wait3A_16 : memref<640x128xf32, #tpu.memory_space<hbm>>)
      tpu.yield
    }) : () -> ()
    return
  }
}

#map = affine_map<(d0, d1) -> (0, 0)>
#map1 = affine_map<(d0, d1) -> (0, 0, 0, 0)>
#map2 = affine_map<(d0, d1) -> (0, 0, 0)>
module attributes {stable_mosaic.version = 14 : i64} {
  func.func @k(%arg0: i32, %arg1: i32, %arg2: memref<20000x128xf32, #tpu.memory_space<hbm>>, %arg3: memref<2x16x80x128xi32, #tpu.memory_space<hbm>>, %arg4: memref<16x80x128xi32, #tpu.memory_space<hbm>>, %arg5: memref<640x128xf32, #tpu.memory_space<hbm>>, %arg6: memref<2x10240x128xf32, #tpu.memory_space<hbm>>, %arg7: memref<80x128xi32, #tpu.memory_space<vmem>>, %arg8: memref<80x128xi32, #tpu.memory_space<vmem>>, %arg9: memref<128x128xf32, #tpu.memory_space<vmem>>, %arg10: memref<10240x128xf32, #tpu.memory_space<vmem_shared>>, %arg11: memref<!tpu.dma_semaphore, #tpu.memory_space<semaphore_mem>>) attributes {dimension_semantics = [#tpu.dimension_semantics<core_parallel>, #tpu.dimension_semantics<subcore_parallel>], iteration_bounds = array<i64: 2, 16>, scalar_prefetch = 0 : i64, scratch_operands = 5 : i64, tpu.core_type = #tpu.core_type<sc_vector_subcore>, window_params = [{transform_indices = #map}, {transform_indices = #map1}, {transform_indices = #map2}, {transform_indices = #map}, {transform_indices = #map2}]} {
    "tpu.region"() ({
      %run_scoped3A = tpu.sem_alloc : memref<!tpu.dma_semaphore, #tpu.memory_space<semaphore_mem>>
      %dma_start3A = arith.constant 0 : i32
      %dma_start3A_11 = arith.constant 0 : i32
      %dma_start3A_12 = tpu.memref_slice %arg3[%arg0, %arg1, %dma_start3A, %dma_start3A_11] : memref<2x16x80x128xi32, #tpu.memory_space<hbm>> -> memref<1x1x80x128xi32, #tpu.memory_space<hbm>>
      %dma_start3A_13 = tpu.memref_squeeze %dma_start3A_12 : memref<1x1x80x128xi32, #tpu.memory_space<hbm>> -> memref<80x128xi32, #tpu.memory_space<hbm>>
      %dma_start3A_14 = arith.constant 0 : i32
      %dma_start3A_15 = arith.constant 0 : i32
      %dma_start3A_16 = tpu.memref_slice %arg3[%arg0, %arg1, %dma_start3A_14, %dma_start3A_15] : memref<2x16x80x128xi32, #tpu.memory_space<hbm>> -> memref<1x1x80x128xi32, #tpu.memory_space<hbm>>
      %dma_start3A_17 = tpu.memref_squeeze %dma_start3A_16 : memref<1x1x80x128xi32, #tpu.memory_space<hbm>> -> memref<80x128xi32, #tpu.memory_space<hbm>>
      tpu.enqueue_dma source(%dma_start3A_17 : memref<80x128xi32, #tpu.memory_space<hbm>>) target(%arg7 : memref<80x128xi32, #tpu.memory_space<vmem>>) target_semaphore(%run_scoped3A : memref<!tpu.dma_semaphore, #tpu.memory_space<semaphore_mem>>)
      %dma_wait3A = arith.constant 0 : i32
      %dma_wait3A_18 = arith.constant 0 : i32
      %dma_wait3A_19 = tpu.memref_slice %arg3[%arg0, %arg1, %dma_wait3A, %dma_wait3A_18] : memref<2x16x80x128xi32, #tpu.memory_space<hbm>> -> memref<1x1x80x128xi32, #tpu.memory_space<hbm>>
      %dma_wait3A_20 = tpu.memref_squeeze %dma_wait3A_19 : memref<1x1x80x128xi32, #tpu.memory_space<hbm>> -> memref<80x128xi32, #tpu.memory_space<hbm>>
      %dma_wait3A_21 = arith.constant 0 : i32
      %dma_wait3A_22 = arith.constant 0 : i32
      %dma_wait3A_23 = tpu.memref_slice %arg3[%arg0, %arg1, %dma_wait3A_21, %dma_wait3A_22] : memref<2x16x80x128xi32, #tpu.memory_space<hbm>> -> memref<1x1x80x128xi32, #tpu.memory_space<hbm>>
      %dma_wait3A_24 = tpu.memref_squeeze %dma_wait3A_23 : memref<1x1x80x128xi32, #tpu.memory_space<hbm>> -> memref<80x128xi32, #tpu.memory_space<hbm>>
      tpu.wait_dma2 semaphore(%run_scoped3A : memref<!tpu.dma_semaphore, #tpu.memory_space<semaphore_mem>>) src(%dma_wait3A_24 : memref<80x128xi32, #tpu.memory_space<hbm>>) dst(%arg7 : memref<80x128xi32, #tpu.memory_space<vmem>>)
      tpu.yield
    }) : () -> ()
    "tpu.region"() ({
      %run_scoped3A = tpu.sem_alloc : memref<!tpu.dma_semaphore, #tpu.memory_space<semaphore_mem>>
      %dma_start3A = arith.constant 0 : i32
      %dma_start3A_11 = arith.constant 0 : i32
      %dma_start3A_12 = tpu.memref_slice %arg4[%arg1, %dma_start3A, %dma_start3A_11] : memref<16x80x128xi32, #tpu.memory_space<hbm>> -> memref<1x80x128xi32, #tpu.memory_space<hbm>>
      %dma_start3A_13 = tpu.memref_squeeze %dma_start3A_12 : memref<1x80x128xi32, #tpu.memory_space<hbm>> -> memref<80x128xi32, #tpu.memory_space<hbm>>
      %dma_start3A_14 = arith.constant 0 : i32
      %dma_start3A_15 = arith.constant 0 : i32
      %dma_start3A_16 = tpu.memref_slice %arg4[%arg1, %dma_start3A_14, %dma_start3A_15] : memref<16x80x128xi32, #tpu.memory_space<hbm>> -> memref<1x80x128xi32, #tpu.memory_space<hbm>>
      %dma_start3A_17 = tpu.memref_squeeze %dma_start3A_16 : memref<1x80x128xi32, #tpu.memory_space<hbm>> -> memref<80x128xi32, #tpu.memory_space<hbm>>
      tpu.enqueue_dma source(%dma_start3A_17 : memref<80x128xi32, #tpu.memory_space<hbm>>) target(%arg8 : memref<80x128xi32, #tpu.memory_space<vmem>>) target_semaphore(%run_scoped3A : memref<!tpu.dma_semaphore, #tpu.memory_space<semaphore_mem>>)
      %dma_wait3A = arith.constant 0 : i32
      %dma_wait3A_18 = arith.constant 0 : i32
      %dma_wait3A_19 = tpu.memref_slice %arg4[%arg1, %dma_wait3A, %dma_wait3A_18] : memref<16x80x128xi32, #tpu.memory_space<hbm>> -> memref<1x80x128xi32, #tpu.memory_space<hbm>>
      %dma_wait3A_20 = tpu.memref_squeeze %dma_wait3A_19 : memref<1x80x128xi32, #tpu.memory_space<hbm>> -> memref<80x128xi32, #tpu.memory_space<hbm>>
      %dma_wait3A_21 = arith.constant 0 : i32
      %dma_wait3A_22 = arith.constant 0 : i32
      %dma_wait3A_23 = tpu.memref_slice %arg4[%arg1, %dma_wait3A_21, %dma_wait3A_22] : memref<16x80x128xi32, #tpu.memory_space<hbm>> -> memref<1x80x128xi32, #tpu.memory_space<hbm>>
      %dma_wait3A_24 = tpu.memref_squeeze %dma_wait3A_23 : memref<1x80x128xi32, #tpu.memory_space<hbm>> -> memref<80x128xi32, #tpu.memory_space<hbm>>
      tpu.wait_dma2 semaphore(%run_scoped3A : memref<!tpu.dma_semaphore, #tpu.memory_space<semaphore_mem>>) src(%dma_wait3A_24 : memref<80x128xi32, #tpu.memory_space<hbm>>) dst(%arg8 : memref<80x128xi32, #tpu.memory_space<vmem>>)
      tpu.yield
    }) : () -> ()
    %mul3A = arith.constant 640 : i32
    %mul3A_0 = arith.muli %arg1, %mul3A : i32
    "tpu.region"() ({
      %run_scoped3A = tpu.sem_alloc : memref<!tpu.dma_semaphore, #tpu.memory_space<semaphore_mem>>
      %dma_start3A = arith.constant 0 : i32
      %dma_start3A_11 = tpu.memref_slice %arg10[%mul3A_0, %dma_start3A] : memref<10240x128xf32, #tpu.memory_space<vmem_shared>> -> memref<640x128xf32, #tpu.memory_space<vmem_shared>>
      tpu.enqueue_dma source(%arg5 : memref<640x128xf32, #tpu.memory_space<hbm>>) target(%dma_start3A_11 : memref<640x128xf32, #tpu.memory_space<vmem_shared>>) target_semaphore(%run_scoped3A : memref<!tpu.dma_semaphore, #tpu.memory_space<semaphore_mem>>)
      %dma_wait3A = arith.constant 0 : i32
      %dma_wait3A_12 = tpu.memref_slice %arg10[%mul3A_0, %dma_wait3A] : memref<10240x128xf32, #tpu.memory_space<vmem_shared>> -> memref<640x128xf32, #tpu.memory_space<vmem_shared>>
      tpu.wait_dma2 semaphore(%run_scoped3A : memref<!tpu.dma_semaphore, #tpu.memory_space<semaphore_mem>>) src(%arg5 : memref<640x128xf32, #tpu.memory_space<hbm>>) dst(%dma_wait3A_12 : memref<640x128xf32, #tpu.memory_space<vmem_shared>>)
      tpu.yield
    }) : () -> ()
    %barrier3A = arith.constant 0 : index
    tpu.barrier barrier_id(%barrier3A)
    %scan3A = arith.constant 0 : i32
    %scan3A_1 = arith.constant 0 : i32
    %scan3A_2 = arith.constant 80 : i32
    %scan3A_3 = arith.addi %scan3A_1, %scan3A_2 : i32
    %scan3A_4 = arith.constant 1 : i32
    scf.for %scan3A_11 = %scan3A_1 to %scan3A_3 step %scan3A_4  : i32 {
      %dma_start3A = arith.constant 0 : i32
      %dma_start3A_12 = tpu.memref_slice %arg7[%scan3A_11, %dma_start3A] : memref<80x128xi32, #tpu.memory_space<vmem>> -> memref<1x128xi32, #tpu.memory_space<vmem>>
      %dma_start3A_13 = tpu.memref_squeeze %dma_start3A_12 : memref<1x128xi32, #tpu.memory_space<vmem>> -> memref<128xi32, #tpu.memory_space<vmem>>
      %dma_start3A_14 = arith.constant 0 : i32
      %dma_start3A_15 = arith.constant 0 : i32
      %dma_start3A_16 = tpu.memref_slice %arg2[%dma_start3A_14, %dma_start3A_15] : memref<20000x128xf32, #tpu.memory_space<hbm>> -> memref<20000x128xf32, #tpu.memory_space<hbm>>
      tpu.enqueue_indirect_dma source(%dma_start3A_16 : memref<20000x128xf32, #tpu.memory_space<hbm>>) target(%arg9 : memref<128x128xf32, #tpu.memory_space<vmem>>) offsets(%dma_start3A_13 : memref<128xi32, #tpu.memory_space<vmem>>) semaphore(%arg11 : memref<!tpu.dma_semaphore, #tpu.memory_space<semaphore_mem>>)
      %dma_wait3A = arith.constant 0 : i32
      %dma_wait3A_17 = tpu.memref_slice %arg7[%scan3A_11, %dma_wait3A] : memref<80x128xi32, #tpu.memory_space<vmem>> -> memref<1x128xi32, #tpu.memory_space<vmem>>
      %dma_wait3A_18 = tpu.memref_squeeze %dma_wait3A_17 : memref<1x128xi32, #tpu.memory_space<vmem>> -> memref<128xi32, #tpu.memory_space<vmem>>
      %dma_wait3A_19 = arith.constant 0 : i32
      %dma_wait3A_20 = arith.constant 0 : i32
      %dma_wait3A_21 = tpu.memref_slice %arg2[%dma_wait3A_19, %dma_wait3A_20] : memref<20000x128xf32, #tpu.memory_space<hbm>> -> memref<20000x128xf32, #tpu.memory_space<hbm>>
      tpu.wait_indirect_dma semaphore(%arg11 : memref<!tpu.dma_semaphore, #tpu.memory_space<semaphore_mem>>) src(%dma_wait3A_21 : memref<20000x128xf32, #tpu.memory_space<hbm>>) dst(%arg9 : memref<128x128xf32, #tpu.memory_space<vmem>>)
      "tpu.region"() ({
        %run_scoped3A = tpu.sem_alloc : memref<!tpu.dma_semaphore, #tpu.memory_space<semaphore_mem>>
        %dma_start3A_22 = arith.constant 0 : i32
        %dma_start3A_23 = tpu.memref_slice %arg8[%scan3A_11, %dma_start3A_22] : memref<80x128xi32, #tpu.memory_space<vmem>> -> memref<1x128xi32, #tpu.memory_space<vmem>>
        %dma_start3A_24 = tpu.memref_squeeze %dma_start3A_23 : memref<1x128xi32, #tpu.memory_space<vmem>> -> memref<128xi32, #tpu.memory_space<vmem>>
        %dma_start3A_25 = arith.constant 0 : i32
        %dma_start3A_26 = arith.constant 0 : i32
        %dma_start3A_27 = tpu.memref_slice %arg10[%dma_start3A_25, %dma_start3A_26] : memref<10240x128xf32, #tpu.memory_space<vmem_shared>> -> memref<10240x128xf32, #tpu.memory_space<vmem_shared>>
        tpu.enqueue_indirect_dma source(%arg9 : memref<128x128xf32, #tpu.memory_space<vmem>>) target(%dma_start3A_27 : memref<10240x128xf32, #tpu.memory_space<vmem_shared>>) offsets(%dma_start3A_24 : memref<128xi32, #tpu.memory_space<vmem>>) semaphore(%run_scoped3A : memref<!tpu.dma_semaphore, #tpu.memory_space<semaphore_mem>>) {add = true}
        %dma_wait3A_28 = arith.constant 0 : i32
        %dma_wait3A_29 = tpu.memref_slice %arg8[%scan3A_11, %dma_wait3A_28] : memref<80x128xi32, #tpu.memory_space<vmem>> -> memref<1x128xi32, #tpu.memory_space<vmem>>
        %dma_wait3A_30 = tpu.memref_squeeze %dma_wait3A_29 : memref<1x128xi32, #tpu.memory_space<vmem>> -> memref<128xi32, #tpu.memory_space<vmem>>
        %dma_wait3A_31 = arith.constant 0 : i32
        %dma_wait3A_32 = arith.constant 0 : i32
        %dma_wait3A_33 = tpu.memref_slice %arg10[%dma_wait3A_31, %dma_wait3A_32] : memref<10240x128xf32, #tpu.memory_space<vmem_shared>> -> memref<10240x128xf32, #tpu.memory_space<vmem_shared>>
        tpu.wait_indirect_dma semaphore(%run_scoped3A : memref<!tpu.dma_semaphore, #tpu.memory_space<semaphore_mem>>) src(%arg9 : memref<128x128xf32, #tpu.memory_space<vmem>>) dst(%dma_wait3A_33 : memref<10240x128xf32, #tpu.memory_space<vmem_shared>>)
        tpu.yield
      }) : () -> ()
    }
    %scan3A_5 = arith.constant 80 : i32
    %barrier3A_6 = arith.constant 0 : index
    tpu.barrier barrier_id(%barrier3A_6)
    %mul3A_7 = arith.constant 640 : i32
    %mul3A_8 = arith.muli %arg1, %mul3A_7 : i32
    %mul3A_9 = arith.constant 640 : i32
    %mul3A_10 = arith.muli %arg1, %mul3A_9 : i32
    "tpu.region"() ({
      %run_scoped3A = tpu.sem_alloc : memref<!tpu.dma_semaphore, #tpu.memory_space<semaphore_mem>>
      %dma_start3A = arith.constant 0 : i32
      %dma_start3A_11 = tpu.memref_slice %arg6[%arg0, %mul3A_10, %dma_start3A] : memref<2x10240x128xf32, #tpu.memory_space<hbm>> -> memref<1x640x128xf32, #tpu.memory_space<hbm>>
      %dma_start3A_12 = tpu.memref_squeeze %dma_start3A_11 : memref<1x640x128xf32, #tpu.memory_space<hbm>> -> memref<640x128xf32, #tpu.memory_space<hbm>>
      %dma_start3A_13 = arith.constant 0 : i32
      %dma_start3A_14 = tpu.memref_slice %arg10[%mul3A_8, %dma_start3A_13] : memref<10240x128xf32, #tpu.memory_space<vmem_shared>> -> memref<640x128xf32, #tpu.memory_space<vmem_shared>>
      tpu.enqueue_dma source(%dma_start3A_14 : memref<640x128xf32, #tpu.memory_space<vmem_shared>>) target(%dma_start3A_12 : memref<640x128xf32, #tpu.memory_space<hbm>>) target_semaphore(%run_scoped3A : memref<!tpu.dma_semaphore, #tpu.memory_space<semaphore_mem>>)
      %dma_wait3A = arith.constant 0 : i32
      %dma_wait3A_15 = tpu.memref_slice %arg6[%arg0, %mul3A_10, %dma_wait3A] : memref<2x10240x128xf32, #tpu.memory_space<hbm>> -> memref<1x640x128xf32, #tpu.memory_space<hbm>>
      %dma_wait3A_16 = tpu.memref_squeeze %dma_wait3A_15 : memref<1x640x128xf32, #tpu.memory_space<hbm>> -> memref<640x128xf32, #tpu.memory_space<hbm>>
      %dma_wait3A_17 = arith.constant 0 : i32
      %dma_wait3A_18 = tpu.memref_slice %arg10[%mul3A_8, %dma_wait3A_17] : memref<10240x128xf32, #tpu.memory_space<vmem_shared>> -> memref<640x128xf32, #tpu.memory_space<vmem_shared>>
      tpu.wait_dma2 semaphore(%run_scoped3A : memref<!tpu.dma_semaphore, #tpu.memory_space<semaphore_mem>>) src(%dma_wait3A_18 : memref<640x128xf32, #tpu.memory_space<vmem_shared>>) dst(%dma_wait3A_16 : memref<640x128xf32, #tpu.memory_space<hbm>>)
      tpu.yield
    }) : () -> ()
    return
  }
}

#map = affine_map<(d0, d1) -> (0, 0)>
#map1 = affine_map<(d0, d1) -> (0, 0, 0, 0)>
#map2 = affine_map<(d0, d1) -> (0, 0, 0)>
module attributes {stable_mosaic.version = 14 : i64} {
  func.func @k(%arg0: i32, %arg1: i32, %arg2: memref<20000x128xf32, #tpu.memory_space<hbm>>, %arg3: memref<2x16x80x128xi32, #tpu.memory_space<hbm>>, %arg4: memref<16x80x128xi32, #tpu.memory_space<hbm>>, %arg5: memref<640x128xf32, #tpu.memory_space<hbm>>, %arg6: memref<2x10240x128xf32, #tpu.memory_space<hbm>>, %arg7: memref<80x128xi32, #tpu.memory_space<vmem>>, %arg8: memref<80x128xi32, #tpu.memory_space<vmem>>, %arg9: memref<128x128xf32, #tpu.memory_space<vmem>>, %arg10: memref<10240x128xf32, #tpu.memory_space<vmem_shared>>, %arg11: memref<!tpu.dma_semaphore, #tpu.memory_space<semaphore_mem>>) attributes {dimension_semantics = [#tpu.dimension_semantics<core_parallel>, #tpu.dimension_semantics<subcore_parallel>], iteration_bounds = array<i64: 2, 16>, scalar_prefetch = 0 : i64, scratch_operands = 5 : i64, tpu.core_type = #tpu.core_type<sc_vector_subcore>, window_params = [{transform_indices = #map}, {transform_indices = #map1}, {transform_indices = #map2}, {transform_indices = #map}, {transform_indices = #map2}]} {
    "tpu.region"() ({
      %run_scoped3A = tpu.sem_alloc : memref<!tpu.dma_semaphore, #tpu.memory_space<semaphore_mem>>
      %dma_start3A = arith.constant 0 : i32
      %dma_start3A_11 = arith.constant 0 : i32
      %dma_start3A_12 = tpu.memref_slice %arg3[%arg0, %arg1, %dma_start3A, %dma_start3A_11] : memref<2x16x80x128xi32, #tpu.memory_space<hbm>> -> memref<1x1x80x128xi32, #tpu.memory_space<hbm>>
      %dma_start3A_13 = tpu.memref_squeeze %dma_start3A_12 : memref<1x1x80x128xi32, #tpu.memory_space<hbm>> -> memref<80x128xi32, #tpu.memory_space<hbm>>
      %dma_start3A_14 = arith.constant 0 : i32
      %dma_start3A_15 = arith.constant 0 : i32
      %dma_start3A_16 = tpu.memref_slice %arg3[%arg0, %arg1, %dma_start3A_14, %dma_start3A_15] : memref<2x16x80x128xi32, #tpu.memory_space<hbm>> -> memref<1x1x80x128xi32, #tpu.memory_space<hbm>>
      %dma_start3A_17 = tpu.memref_squeeze %dma_start3A_16 : memref<1x1x80x128xi32, #tpu.memory_space<hbm>> -> memref<80x128xi32, #tpu.memory_space<hbm>>
      tpu.enqueue_dma source(%dma_start3A_17 : memref<80x128xi32, #tpu.memory_space<hbm>>) target(%arg7 : memref<80x128xi32, #tpu.memory_space<vmem>>) target_semaphore(%run_scoped3A : memref<!tpu.dma_semaphore, #tpu.memory_space<semaphore_mem>>)
      %dma_wait3A = arith.constant 0 : i32
      %dma_wait3A_18 = arith.constant 0 : i32
      %dma_wait3A_19 = tpu.memref_slice %arg3[%arg0, %arg1, %dma_wait3A, %dma_wait3A_18] : memref<2x16x80x128xi32, #tpu.memory_space<hbm>> -> memref<1x1x80x128xi32, #tpu.memory_space<hbm>>
      %dma_wait3A_20 = tpu.memref_squeeze %dma_wait3A_19 : memref<1x1x80x128xi32, #tpu.memory_space<hbm>> -> memref<80x128xi32, #tpu.memory_space<hbm>>
      %dma_wait3A_21 = arith.constant 0 : i32
      %dma_wait3A_22 = arith.constant 0 : i32
      %dma_wait3A_23 = tpu.memref_slice %arg3[%arg0, %arg1, %dma_wait3A_21, %dma_wait3A_22] : memref<2x16x80x128xi32, #tpu.memory_space<hbm>> -> memref<1x1x80x128xi32, #tpu.memory_space<hbm>>
      %dma_wait3A_24 = tpu.memref_squeeze %dma_wait3A_23 : memref<1x1x80x128xi32, #tpu.memory_space<hbm>> -> memref<80x128xi32, #tpu.memory_space<hbm>>
      tpu.wait_dma2 semaphore(%run_scoped3A : memref<!tpu.dma_semaphore, #tpu.memory_space<semaphore_mem>>) src(%dma_wait3A_24 : memref<80x128xi32, #tpu.memory_space<hbm>>) dst(%arg7 : memref<80x128xi32, #tpu.memory_space<vmem>>)
      tpu.yield
    }) : () -> ()
    "tpu.region"() ({
      %run_scoped3A = tpu.sem_alloc : memref<!tpu.dma_semaphore, #tpu.memory_space<semaphore_mem>>
      %dma_start3A = arith.constant 0 : i32
      %dma_start3A_11 = arith.constant 0 : i32
      %dma_start3A_12 = tpu.memref_slice %arg4[%arg1, %dma_start3A, %dma_start3A_11] : memref<16x80x128xi32, #tpu.memory_space<hbm>> -> memref<1x80x128xi32, #tpu.memory_space<hbm>>
      %dma_start3A_13 = tpu.memref_squeeze %dma_start3A_12 : memref<1x80x128xi32, #tpu.memory_space<hbm>> -> memref<80x128xi32, #tpu.memory_space<hbm>>
      %dma_start3A_14 = arith.constant 0 : i32
      %dma_start3A_15 = arith.constant 0 : i32
      %dma_start3A_16 = tpu.memref_slice %arg4[%arg1, %dma_start3A_14, %dma_start3A_15] : memref<16x80x128xi32, #tpu.memory_space<hbm>> -> memref<1x80x128xi32, #tpu.memory_space<hbm>>
      %dma_start3A_17 = tpu.memref_squeeze %dma_start3A_16 : memref<1x80x128xi32, #tpu.memory_space<hbm>> -> memref<80x128xi32, #tpu.memory_space<hbm>>
      tpu.enqueue_dma source(%dma_start3A_17 : memref<80x128xi32, #tpu.memory_space<hbm>>) target(%arg8 : memref<80x128xi32, #tpu.memory_space<vmem>>) target_semaphore(%run_scoped3A : memref<!tpu.dma_semaphore, #tpu.memory_space<semaphore_mem>>)
      %dma_wait3A = arith.constant 0 : i32
      %dma_wait3A_18 = arith.constant 0 : i32
      %dma_wait3A_19 = tpu.memref_slice %arg4[%arg1, %dma_wait3A, %dma_wait3A_18] : memref<16x80x128xi32, #tpu.memory_space<hbm>> -> memref<1x80x128xi32, #tpu.memory_space<hbm>>
      %dma_wait3A_20 = tpu.memref_squeeze %dma_wait3A_19 : memref<1x80x128xi32, #tpu.memory_space<hbm>> -> memref<80x128xi32, #tpu.memory_space<hbm>>
      %dma_wait3A_21 = arith.constant 0 : i32
      %dma_wait3A_22 = arith.constant 0 : i32
      %dma_wait3A_23 = tpu.memref_slice %arg4[%arg1, %dma_wait3A_21, %dma_wait3A_22] : memref<16x80x128xi32, #tpu.memory_space<hbm>> -> memref<1x80x128xi32, #tpu.memory_space<hbm>>
      %dma_wait3A_24 = tpu.memref_squeeze %dma_wait3A_23 : memref<1x80x128xi32, #tpu.memory_space<hbm>> -> memref<80x128xi32, #tpu.memory_space<hbm>>
      tpu.wait_dma2 semaphore(%run_scoped3A : memref<!tpu.dma_semaphore, #tpu.memory_space<semaphore_mem>>) src(%dma_wait3A_24 : memref<80x128xi32, #tpu.memory_space<hbm>>) dst(%arg8 : memref<80x128xi32, #tpu.memory_space<vmem>>)
      tpu.yield
    }) : () -> ()
    %mul3A = arith.constant 640 : i32
    %mul3A_0 = arith.muli %arg1, %mul3A : i32
    "tpu.region"() ({
      %run_scoped3A = tpu.sem_alloc : memref<!tpu.dma_semaphore, #tpu.memory_space<semaphore_mem>>
      %dma_start3A = arith.constant 0 : i32
      %dma_start3A_11 = tpu.memref_slice %arg10[%mul3A_0, %dma_start3A] : memref<10240x128xf32, #tpu.memory_space<vmem_shared>> -> memref<640x128xf32, #tpu.memory_space<vmem_shared>>
      tpu.enqueue_dma source(%arg5 : memref<640x128xf32, #tpu.memory_space<hbm>>) target(%dma_start3A_11 : memref<640x128xf32, #tpu.memory_space<vmem_shared>>) target_semaphore(%run_scoped3A : memref<!tpu.dma_semaphore, #tpu.memory_space<semaphore_mem>>)
      %dma_wait3A = arith.constant 0 : i32
      %dma_wait3A_12 = tpu.memref_slice %arg10[%mul3A_0, %dma_wait3A] : memref<10240x128xf32, #tpu.memory_space<vmem_shared>> -> memref<640x128xf32, #tpu.memory_space<vmem_shared>>
      tpu.wait_dma2 semaphore(%run_scoped3A : memref<!tpu.dma_semaphore, #tpu.memory_space<semaphore_mem>>) src(%arg5 : memref<640x128xf32, #tpu.memory_space<hbm>>) dst(%dma_wait3A_12 : memref<640x128xf32, #tpu.memory_space<vmem_shared>>)
      tpu.yield
    }) : () -> ()
    %barrier3A = arith.constant 0 : index
    tpu.barrier barrier_id(%barrier3A)
    %scan3A = arith.constant 0 : i32
    %scan3A_1 = arith.constant 0 : i32
    %scan3A_2 = arith.constant 80 : i32
    %scan3A_3 = arith.addi %scan3A_1, %scan3A_2 : i32
    %scan3A_4 = arith.constant 1 : i32
    scf.for %scan3A_11 = %scan3A_1 to %scan3A_3 step %scan3A_4  : i32 {
      %dma_start3A = arith.constant 0 : i32
      %dma_start3A_12 = tpu.memref_slice %arg7[%scan3A_11, %dma_start3A] : memref<80x128xi32, #tpu.memory_space<vmem>> -> memref<1x128xi32, #tpu.memory_space<vmem>>
      %dma_start3A_13 = tpu.memref_squeeze %dma_start3A_12 : memref<1x128xi32, #tpu.memory_space<vmem>> -> memref<128xi32, #tpu.memory_space<vmem>>
      %dma_start3A_14 = arith.constant 0 : i32
      %dma_start3A_15 = arith.constant 0 : i32
      %dma_start3A_16 = tpu.memref_slice %arg2[%dma_start3A_14, %dma_start3A_15] : memref<20000x128xf32, #tpu.memory_space<hbm>> -> memref<20000x128xf32, #tpu.memory_space<hbm>>
      tpu.enqueue_indirect_dma source(%dma_start3A_16 : memref<20000x128xf32, #tpu.memory_space<hbm>>) target(%arg9 : memref<128x128xf32, #tpu.memory_space<vmem>>) offsets(%dma_start3A_13 : memref<128xi32, #tpu.memory_space<vmem>>) semaphore(%arg11 : memref<!tpu.dma_semaphore, #tpu.memory_space<semaphore_mem>>)
      %dma_wait3A = arith.constant 0 : i32
      %dma_wait3A_17 = tpu.memref_slice %arg7[%scan3A_11, %dma_wait3A] : memref<80x128xi32, #tpu.memory_space<vmem>> -> memref<1x128xi32, #tpu.memory_space<vmem>>
      %dma_wait3A_18 = tpu.memref_squeeze %dma_wait3A_17 : memref<1x128xi32, #tpu.memory_space<vmem>> -> memref<128xi32, #tpu.memory_space<vmem>>
      %dma_wait3A_19 = arith.constant 0 : i32
      %dma_wait3A_20 = arith.constant 0 : i32
      %dma_wait3A_21 = tpu.memref_slice %arg2[%dma_wait3A_19, %dma_wait3A_20] : memref<20000x128xf32, #tpu.memory_space<hbm>> -> memref<20000x128xf32, #tpu.memory_space<hbm>>
      tpu.wait_indirect_dma semaphore(%arg11 : memref<!tpu.dma_semaphore, #tpu.memory_space<semaphore_mem>>) src(%dma_wait3A_21 : memref<20000x128xf32, #tpu.memory_space<hbm>>) dst(%arg9 : memref<128x128xf32, #tpu.memory_space<vmem>>)
      "tpu.region"() ({
        %run_scoped3A = tpu.sem_alloc : memref<!tpu.dma_semaphore, #tpu.memory_space<semaphore_mem>>
        %dma_start3A_22 = arith.constant 0 : i32
        %dma_start3A_23 = tpu.memref_slice %arg8[%scan3A_11, %dma_start3A_22] : memref<80x128xi32, #tpu.memory_space<vmem>> -> memref<1x128xi32, #tpu.memory_space<vmem>>
        %dma_start3A_24 = tpu.memref_squeeze %dma_start3A_23 : memref<1x128xi32, #tpu.memory_space<vmem>> -> memref<128xi32, #tpu.memory_space<vmem>>
        %dma_start3A_25 = arith.constant 0 : i32
        %dma_start3A_26 = arith.constant 0 : i32
        %dma_start3A_27 = tpu.memref_slice %arg10[%dma_start3A_25, %dma_start3A_26] : memref<10240x128xf32, #tpu.memory_space<vmem_shared>> -> memref<10240x128xf32, #tpu.memory_space<vmem_shared>>
        tpu.enqueue_indirect_dma source(%arg9 : memref<128x128xf32, #tpu.memory_space<vmem>>) target(%dma_start3A_27 : memref<10240x128xf32, #tpu.memory_space<vmem_shared>>) offsets(%dma_start3A_24 : memref<128xi32, #tpu.memory_space<vmem>>) semaphore(%run_scoped3A : memref<!tpu.dma_semaphore, #tpu.memory_space<semaphore_mem>>) {add = true}
        %dma_wait3A_28 = arith.constant 0 : i32
        %dma_wait3A_29 = tpu.memref_slice %arg8[%scan3A_11, %dma_wait3A_28] : memref<80x128xi32, #tpu.memory_space<vmem>> -> memref<1x128xi32, #tpu.memory_space<vmem>>
        %dma_wait3A_30 = tpu.memref_squeeze %dma_wait3A_29 : memref<1x128xi32, #tpu.memory_space<vmem>> -> memref<128xi32, #tpu.memory_space<vmem>>
        %dma_wait3A_31 = arith.constant 0 : i32
        %dma_wait3A_32 = arith.constant 0 : i32
        %dma_wait3A_33 = tpu.memref_slice %arg10[%dma_wait3A_31, %dma_wait3A_32] : memref<10240x128xf32, #tpu.memory_space<vmem_shared>> -> memref<10240x128xf32, #tpu.memory_space<vmem_shared>>
        tpu.wait_indirect_dma semaphore(%run_scoped3A : memref<!tpu.dma_semaphore, #tpu.memory_space<semaphore_mem>>) src(%arg9 : memref<128x128xf32, #tpu.memory_space<vmem>>) dst(%dma_wait3A_33 : memref<10240x128xf32, #tpu.memory_space<vmem_shared>>)
        tpu.yield
      }) : () -> ()
    }
    %scan3A_5 = arith.constant 80 : i32
    %barrier3A_6 = arith.constant 0 : index
    tpu.barrier barrier_id(%barrier3A_6)
    %mul3A_7 = arith.constant 640 : i32
    %mul3A_8 = arith.muli %arg1, %mul3A_7 : i32
    %mul3A_9 = arith.constant 640 : i32
    %mul3A_10 = arith.muli %arg1, %mul3A_9 : i32
    "tpu.region"() ({
      %run_scoped3A = tpu.sem_alloc : memref<!tpu.dma_semaphore, #tpu.memory_space<semaphore_mem>>
      %dma_start3A = arith.constant 0 : i32
      %dma_start3A_11 = tpu.memref_slice %arg6[%arg0, %mul3A_10, %dma_start3A] : memref<2x10240x128xf32, #tpu.memory_space<hbm>> -> memref<1x640x128xf32, #tpu.memory_space<hbm>>
      %dma_start3A_12 = tpu.memref_squeeze %dma_start3A_11 : memref<1x640x128xf32, #tpu.memory_space<hbm>> -> memref<640x128xf32, #tpu.memory_space<hbm>>
      %dma_start3A_13 = arith.constant 0 : i32
      %dma_start3A_14 = tpu.memref_slice %arg10[%mul3A_8, %dma_start3A_13] : memref<10240x128xf32, #tpu.memory_space<vmem_shared>> -> memref<640x128xf32, #tpu.memory_space<vmem_shared>>
      tpu.enqueue_dma source(%dma_start3A_14 : memref<640x128xf32, #tpu.memory_space<vmem_shared>>) target(%dma_start3A_12 : memref<640x128xf32, #tpu.memory_space<hbm>>) target_semaphore(%run_scoped3A : memref<!tpu.dma_semaphore, #tpu.memory_space<semaphore_mem>>)
      %dma_wait3A = arith.constant 0 : i32
      %dma_wait3A_15 = tpu.memref_slice %arg6[%arg0, %mul3A_10, %dma_wait3A] : memref<2x10240x128xf32, #tpu.memory_space<hbm>> -> memref<1x640x128xf32, #tpu.memory_space<hbm>>
      %dma_wait3A_16 = tpu.memref_squeeze %dma_wait3A_15 : memref<1x640x128xf32, #tpu.memory_space<hbm>> -> memref<640x128xf32, #tpu.memory_space<hbm>>
      %dma_wait3A_17 = arith.constant 0 : i32
      %dma_wait3A_18 = tpu.memref_slice %arg10[%mul3A_8, %dma_wait3A_17] : memref<10240x128xf32, #tpu.memory_space<vmem_shared>> -> memref<640x128xf32, #tpu.memory_space<vmem_shared>>
      tpu.wait_dma2 semaphore(%run_scoped3A : memref<!tpu.dma_semaphore, #tpu.memory_space<semaphore_mem>>) src(%dma_wait3A_18 : memref<640x128xf32, #tpu.memory_space<vmem_shared>>) dst(%dma_wait3A_16 : memref<640x128xf32, #tpu.memory_space<hbm>>)
      tpu.yield
    }) : () -> ()
    return
  }
}

module attributes {stable_mosaic.version = 14 : i64} {
  func.func @body(%arg0: i32, %arg1: memref<400x256xf32, #tpu.memory_space<vmem>>, %arg2: memref<256x256xf32, #tpu.memory_space<vmem>>, %arg3: memref<400x1xf32, #tpu.memory_space<vmem>>, %arg4: memref<400x256xf32, #tpu.memory_space<vmem>>, %arg5: memref<400x256xf32, #tpu.memory_space<vmem>>, %arg6: memref<400x1xf32, #tpu.memory_space<vmem>>) attributes {dimension_semantics = [#tpu.dimension_semantics<arbitrary>], iteration_bounds = array<i64: 25>, scalar_prefetch = 0 : i64, scratch_operands = 0 : i64, tpu.core_type = #tpu.core_type<tc>, window_params = [{transform_indices = @transform_0, window_bounds = array<i64: 400, 256>}, {pipeline_mode = #tpu.pipeline_mode<synchronous>, transform_indices = @transform_1, window_bounds = array<i64: 256, 256>}, {transform_indices = @transform_2, window_bounds = array<i64: 400, 1>}, {transform_indices = @transform_3, window_bounds = array<i64: 400, 256>}, {transform_indices = @transform_4, window_bounds = array<i64: 400, 256>}, {transform_indices = @transform_5, window_bounds = array<i64: 400, 1>}]} {
    %get3A = arith.constant 0 : index
    %get3A_0 = arith.constant 0 : index
    %get3A_1 = vector.load %arg1[%get3A, %get3A_0] : memref<400x256xf32, #tpu.memory_space<vmem>>, vector<400x256xf32>
    %get3A_2 = arith.constant 0 : index
    %get3A_3 = arith.constant 0 : index
    %get3A_4 = vector.load %arg2[%get3A_2, %get3A_3] : memref<256x256xf32, #tpu.memory_space<vmem>>, vector<256x256xf32>
    %dot_general3A = arith.constant dense<0.000000e+00> : vector<400x256xf32>
    %dot_general3A_5 = tpu.matmul %get3A_1, %get3A_4, %dot_general3A {dimension_numbers = #tpu.dot_dimension_numbers<[1], [0], [0], [1], [0, 0, 1, 1], [], []>, transpose_lhs_hint = false} : vector<400x256xf32>, vector<256x256xf32>, vector<400x256xf32> -> vector<400x256xf32>
    %get3A_6 = arith.constant 0 : index
    %get3A_7 = arith.constant 0 : index
    %get3A_8 = vector.load %arg3[%get3A_6, %get3A_7] : memref<400x1xf32, #tpu.memory_space<vmem>>, vector<400x1xf32>
    %add3A = arith.constant 1.000000e+00 : f32
    %add3A_9 = vector.broadcast %add3A : f32 to vector<400x1xf32>
    %add3A_10 = arith.addf %get3A_8, %add3A_9 : vector<400x1xf32>
    %rsqrt3A = math.rsqrt %add3A_10 : vector<400x1xf32>
    %swap3A = arith.constant 0 : index
    %swap3A_11 = arith.constant 0 : index
    %swap3A_12 = vector.load %arg4[%swap3A, %swap3A_11] : memref<400x256xf32, #tpu.memory_space<vmem>>, vector<400x256xf32>
    tpu.vector_store %arg4[%swap3A, %swap3A_11], %dot_general3A_5 {strides = array<i32>} : memref<400x256xf32, #tpu.memory_space<vmem>>, vector<400x256xf32>,
    %mul3A = vector.broadcast %rsqrt3A : vector<400x1xf32> to vector<400x256xf32>
    %mul3A_13 = arith.mulf %dot_general3A_5, %mul3A : vector<400x256xf32>
    %swap3A_14 = arith.constant 0 : index
    %swap3A_15 = arith.constant 0 : index
    %swap3A_16 = vector.load %arg5[%swap3A_14, %swap3A_15] : memref<400x256xf32, #tpu.memory_space<vmem>>, vector<400x256xf32>
    tpu.vector_store %arg5[%swap3A_14, %swap3A_15], %mul3A_13 {strides = array<i32>} : memref<400x256xf32, #tpu.memory_space<vmem>>, vector<400x256xf32>,
    %swap3A_17 = arith.constant 0 : index
    %swap3A_18 = arith.constant 0 : index
    %swap3A_19 = vector.load %arg6[%swap3A_17, %swap3A_18] : memref<400x1xf32, #tpu.memory_space<vmem>>, vector<400x1xf32>
    tpu.vector_store %arg6[%swap3A_17, %swap3A_18], %rsqrt3A {strides = array<i32>} : memref<400x1xf32, #tpu.memory_space<vmem>>, vector<400x1xf32>,
    return
  }
  func.func @transform_0(%arg0: i32) -> (i32, i32) {
    %c0_i32 = arith.constant 0 : i32
    %c0_i32_0 = arith.constant 0 : i32
    return %arg0, %c0_i32 : i32, i32
  }
  func.func @transform_1(%arg0: i32) -> (i32, i32) {
    %c0_i32 = arith.constant 0 : i32
    %c0_i32_0 = arith.constant 0 : i32
    %c0_i32_1 = arith.constant 0 : i32
    return %c0_i32, %c0_i32_0 : i32, i32
  }
  func.func @transform_2(%arg0: i32) -> (i32, i32) {
    %c0_i32 = arith.constant 0 : i32
    %c0_i32_0 = arith.constant 0 : i32
    return %arg0, %c0_i32 : i32, i32
  }
  func.func @transform_3(%arg0: i32) -> (i32, i32) {
    %c0_i32 = arith.constant 0 : i32
    %c0_i32_0 = arith.constant 0 : i32
    return %arg0, %c0_i32 : i32, i32
  }
  func.func @transform_4(%arg0: i32) -> (i32, i32) {
    %c0_i32 = arith.constant 0 : i32
    %c0_i32_0 = arith.constant 0 : i32
    return %arg0, %c0_i32 : i32, i32
  }
  func.func @transform_5(%arg0: i32) -> (i32, i32) {
    %c0_i32 = arith.constant 0 : i32
    %c0_i32_0 = arith.constant 0 : i32
    return %arg0, %c0_i32 : i32, i32
  }
}

module attributes {stable_mosaic.version = 14 : i64} {
  func.func @body(%arg0: i32, %arg1: memref<2x400x128xf32, #tpu.memory_space<vmem>>, %arg2: memref<400x256xf32, #tpu.memory_space<vmem>>, %arg3: memref<400x1xf32, #tpu.memory_space<vmem>>, %arg4: memref<256xf32, #tpu.memory_space<vmem>>, %arg5: memref<2x256xf32, #tpu.memory_space<vmem>>) attributes {dimension_semantics = [#tpu.dimension_semantics<arbitrary>], iteration_bounds = array<i64: 25>, scalar_prefetch = 0 : i64, scratch_operands = 0 : i64, tpu.core_type = #tpu.core_type<tc>, window_params = [{transform_indices = @transform_0, window_bounds = array<i64: 2, 400, 128>}, {transform_indices = @transform_1, window_bounds = array<i64: 400, 256>}, {transform_indices = @transform_2, window_bounds = array<i64: 400, 1>}, {pipeline_mode = #tpu.pipeline_mode<synchronous>, transform_indices = @transform_3, window_bounds = array<i64: 256>}, {pipeline_mode = #tpu.pipeline_mode<synchronous>, transform_indices = @transform_4, window_bounds = array<i64: 2, 256>}]} {
    %get3A = arith.constant 0 : index
    %get3A_0 = arith.constant 0 : index
    %get3A_1 = vector.load %arg3[%get3A, %get3A_0] : memref<400x1xf32, #tpu.memory_space<vmem>>, vector<400x1xf32>
    %get3A_2 = arith.constant 0 : index
    %get3A_3 = arith.constant 0 : index
    %get3A_4 = arith.constant 0 : index
    %get3A_5 = vector.load %arg1[%get3A_2, %get3A_3, %get3A_4] : memref<2x400x128xf32, #tpu.memory_space<vmem>>, vector<1x400x128xf32>
    %get3A_6 = vector.shape_cast %get3A_5 : vector<1x400x128xf32> to vector<400x128xf32>
    %get3A_7 = arith.constant 1 : index
    %get3A_8 = arith.constant 0 : index
    %get3A_9 = arith.constant 0 : index
    %get3A_10 = vector.load %arg1[%get3A_7, %get3A_8, %get3A_9] : memref<2x400x128xf32, #tpu.memory_space<vmem>>, vector<1x400x128xf32>
    %get3A_11 = vector.shape_cast %get3A_10 : vector<1x400x128xf32> to vector<400x128xf32>
    %concatenate3A = tpu.concatenate %get3A_6, %get3A_11 in 1 : vector<400x128xf32>, vector<400x128xf32> -> vector<400x256xf32>
    %mul3A = vector.broadcast %get3A_1 : vector<400x1xf32> to vector<400x256xf32>
    %mul3A_12 = arith.mulf %mul3A, %concatenate3A : vector<400x256xf32>
    %mul3A_13 = arith.mulf %get3A_1, %get3A_1 : vector<400x1xf32>
    %get3A_14 = arith.constant 0 : index
    %get3A_15 = arith.constant 0 : index
    %get3A_16 = vector.load %arg2[%get3A_14, %get3A_15] : memref<400x256xf32, #tpu.memory_space<vmem>>, vector<400x256xf32>
    %mul3A_17 = vector.broadcast %mul3A_13 : vector<400x1xf32> to vector<400x256xf32>
    %mul3A_18 = arith.mulf %mul3A_17, %get3A_16 : vector<400x256xf32>
    %add3A = arith.addf %mul3A_12, %mul3A_18 : vector<400x256xf32>
    %get3A_19 = arith.constant 0 : index
    %get3A_20 = vector.load %arg4[%get3A_19] : memref<256xf32, #tpu.memory_space<vmem>>, vector<256xf32>
    %broadcast_in_dim3A = vector.shape_cast %get3A_20 : vector<256xf32> to vector<1x256xf32>
    %add3A_21 = vector.broadcast %broadcast_in_dim3A : vector<1x256xf32> to vector<400x256xf32>
    %add3A_22 = arith.addf %add3A, %add3A_21 : vector<400x256xf32>
    %eq3A = arith.constant 0 : i32
    %eq3A_23 = arith.cmpi eq, %arg0, %eq3A : i32
    %convert_element_type3A = arith.extui %eq3A_23 : i1 to i32
    %cond3A = arith.constant 0 : i32
    %cond3A_24 = arith.cmpi ne, %convert_element_type3A, %cond3A : i32
    scf.if %cond3A_24 {
      %broadcast_in_dim3A_38 = arith.constant 0.000000e+00 : f32
      %broadcast_in_dim3A_39 = vector.broadcast %broadcast_in_dim3A_38 : f32 to vector<2x256xf32>
      %swap3A_40 = arith.constant 0 : index
      %swap3A_41 = arith.constant 0 : index
      %swap3A_42 = vector.load %arg5[%swap3A_40, %swap3A_41] : memref<2x256xf32, #tpu.memory_space<vmem>>, vector<2x256xf32>
      tpu.vector_store %arg5[%swap3A_40, %swap3A_41], %broadcast_in_dim3A_39 {strides = array<i32>} : memref<2x256xf32, #tpu.memory_space<vmem>>, vector<2x256xf32>,
    } else {
    }
    %get3A_25 = arith.constant 0 : index
    %get3A_26 = arith.constant 0 : index
    %get3A_27 = vector.load %arg5[%get3A_25, %get3A_26] : memref<2x256xf32, #tpu.memory_space<vmem>>, vector<2x256xf32>
    %reduce_sum3A = arith.constant dense<0.000000e+00> : vector<256xf32>
    %reduce_sum3A_28 = vector.multi_reduction <add>, %add3A_22, %reduce_sum3A [0] : vector<400x256xf32> to vector<256xf32>
    %broadcast_in_dim3A_29 = vector.shape_cast %reduce_sum3A_28 : vector<256xf32> to vector<1x256xf32>
    %mul3A_30 = arith.mulf %add3A_22, %add3A_22 : vector<400x256xf32>
    %reduce_sum3A_31 = arith.constant dense<0.000000e+00> : vector<256xf32>
    %reduce_sum3A_32 = vector.multi_reduction <add>, %mul3A_30, %reduce_sum3A_31 [0] : vector<400x256xf32> to vector<256xf32>
    %broadcast_in_dim3A_33 = vector.shape_cast %reduce_sum3A_32 : vector<256xf32> to vector<1x256xf32>
    %concatenate3A_34 = tpu.concatenate %broadcast_in_dim3A_29, %broadcast_in_dim3A_33 in 0 : vector<1x256xf32>, vector<1x256xf32> -> vector<2x256xf32>
    %add3A_35 = arith.addf %get3A_27, %concatenate3A_34 : vector<2x256xf32>
    %swap3A = arith.constant 0 : index
    %swap3A_36 = arith.constant 0 : index
    %swap3A_37 = vector.load %arg5[%swap3A, %swap3A_36] : memref<2x256xf32, #tpu.memory_space<vmem>>, vector<2x256xf32>
    tpu.vector_store %arg5[%swap3A, %swap3A_36], %add3A_35 {strides = array<i32>} : memref<2x256xf32, #tpu.memory_space<vmem>>, vector<2x256xf32>,
    return
  }
  func.func @transform_0(%arg0: i32) -> (i32, i32, i32) {
    %c0_i32 = arith.constant 0 : i32
    %c0_i32_0 = arith.constant 0 : i32
    %c0_i32_1 = arith.constant 0 : i32
    return %c0_i32, %arg0, %c0_i32_0 : i32, i32, i32
  }
  func.func @transform_1(%arg0: i32) -> (i32, i32) {
    %c0_i32 = arith.constant 0 : i32
    %c0_i32_0 = arith.constant 0 : i32
    return %arg0, %c0_i32 : i32, i32
  }
  func.func @transform_2(%arg0: i32) -> (i32, i32) {
    %c0_i32 = arith.constant 0 : i32
    %c0_i32_0 = arith.constant 0 : i32
    return %arg0, %c0_i32 : i32, i32
  }
  func.func @transform_3(%arg0: i32) -> i32 {
    %c0_i32 = arith.constant 0 : i32
    %c0_i32_0 = arith.constant 0 : i32
    return %c0_i32 : i32
  }
  func.func @transform_4(%arg0: i32) -> (i32, i32) {
    %c0_i32 = arith.constant 0 : i32
    %c0_i32_0 = arith.constant 0 : i32
    %c0_i32_1 = arith.constant 0 : i32
    return %c0_i32, %c0_i32_0 : i32, i32
  }
}

module attributes {stable_mosaic.version = 14 : i64} {
  func.func @body(%arg0: i32, %arg1: memref<2x400x128xf32, #tpu.memory_space<vmem>>, %arg2: memref<400x256xf32, #tpu.memory_space<vmem>>, %arg3: memref<400x1xf32, #tpu.memory_space<vmem>>, %arg4: memref<2x256xf32, #tpu.memory_space<vmem>>, %arg5: memref<256xf32, #tpu.memory_space<vmem>>, %arg6: memref<256xf32, #tpu.memory_space<vmem>>, %arg7: memref<256xf32, #tpu.memory_space<vmem>>, %arg8: memref<400x1xi32, #tpu.memory_space<vmem>>, %arg9: memref<256x256xf32, #tpu.memory_space<vmem>>, %arg10: memref<400x256xf32, #tpu.memory_space<vmem>>, %arg11: memref<400x256xf32, #tpu.memory_space<vmem>>, %arg12: memref<64x256xf32, #tpu.memory_space<vmem>>, %arg13: memref<64x256xf32, #tpu.memory_space<vmem>>, %arg14: memref<64x1xf32, #tpu.memory_space<vmem>>) attributes {dimension_semantics = [#tpu.dimension_semantics<arbitrary>], iteration_bounds = array<i64: 25>, scalar_prefetch = 0 : i64, scratch_operands = 0 : i64, tpu.core_type = #tpu.core_type<tc>, window_params = [{transform_indices = @transform_0, window_bounds = array<i64: 2, 400, 128>}, {transform_indices = @transform_1, window_bounds = array<i64: 400, 256>}, {transform_indices = @transform_2, window_bounds = array<i64: 400, 1>}, {pipeline_mode = #tpu.pipeline_mode<synchronous>, transform_indices = @transform_3, window_bounds = array<i64: 2, 256>}, {pipeline_mode = #tpu.pipeline_mode<synchronous>, transform_indices = @transform_4, window_bounds = array<i64: 256>}, {pipeline_mode = #tpu.pipeline_mode<synchronous>, transform_indices = @transform_5, window_bounds = array<i64: 256>}, {pipeline_mode = #tpu.pipeline_mode<synchronous>, transform_indices = @transform_6, window_bounds = array<i64: 256>}, {transform_indices = @transform_7, window_bounds = array<i64: 400, 1>}, {pipeline_mode = #tpu.pipeline_mode<synchronous>, transform_indices = @transform_8, window_bounds = array<i64: 256, 256>}, {transform_indices = @transform_9, window_bounds = array<i64: 400, 256>}, {transform_indices = @transform_10, window_bounds = array<i64: 400, 256>}, {pipeline_mode = #tpu.pipeline_mode<synchronous>, transform_indices = @transform_11, window_bounds = array<i64: 64, 256>}, {pipeline_mode = #tpu.pipeline_mode<synchronous>, transform_indices = @transform_12, window_bounds = array<i64: 64, 256>}, {pipeline_mode = #tpu.pipeline_mode<synchronous>, transform_indices = @transform_13, window_bounds = array<i64: 64, 1>}]} {
    %get3A = arith.constant 0 : index
    %get3A_0 = arith.constant 0 : index
    %get3A_1 = vector.load %arg3[%get3A, %get3A_0] : memref<400x1xf32, #tpu.memory_space<vmem>>, vector<400x1xf32>
    %get3A_2 = arith.constant 0 : index
    %get3A_3 = arith.constant 0 : index
    %get3A_4 = arith.constant 0 : index
    %get3A_5 = vector.load %arg1[%get3A_2, %get3A_3, %get3A_4] : memref<2x400x128xf32, #tpu.memory_space<vmem>>, vector<1x400x128xf32>
    %get3A_6 = vector.shape_cast %get3A_5 : vector<1x400x128xf32> to vector<400x128xf32>
    %get3A_7 = arith.constant 1 : index
    %get3A_8 = arith.constant 0 : index
    %get3A_9 = arith.constant 0 : index
    %get3A_10 = vector.load %arg1[%get3A_7, %get3A_8, %get3A_9] : memref<2x400x128xf32, #tpu.memory_space<vmem>>, vector<1x400x128xf32>
    %get3A_11 = vector.shape_cast %get3A_10 : vector<1x400x128xf32> to vector<400x128xf32>
    %concatenate3A = tpu.concatenate %get3A_6, %get3A_11 in 1 : vector<400x128xf32>, vector<400x128xf32> -> vector<400x256xf32>
    %mul3A = vector.broadcast %get3A_1 : vector<400x1xf32> to vector<400x256xf32>
    %mul3A_12 = arith.mulf %mul3A, %concatenate3A : vector<400x256xf32>
    %mul3A_13 = arith.mulf %get3A_1, %get3A_1 : vector<400x1xf32>
    %get3A_14 = arith.constant 0 : index
    %get3A_15 = arith.constant 0 : index
    %get3A_16 = vector.load %arg2[%get3A_14, %get3A_15] : memref<400x256xf32, #tpu.memory_space<vmem>>, vector<400x256xf32>
    %mul3A_17 = vector.broadcast %mul3A_13 : vector<400x1xf32> to vector<400x256xf32>
    %mul3A_18 = arith.mulf %mul3A_17, %get3A_16 : vector<400x256xf32>
    %add3A = arith.addf %mul3A_12, %mul3A_18 : vector<400x256xf32>
    %get3A_19 = arith.constant 0 : index
    %get3A_20 = vector.load %arg5[%get3A_19] : memref<256xf32, #tpu.memory_space<vmem>>, vector<256xf32>
    %broadcast_in_dim3A = vector.shape_cast %get3A_20 : vector<256xf32> to vector<1x256xf32>
    %add3A_21 = vector.broadcast %broadcast_in_dim3A : vector<1x256xf32> to vector<400x256xf32>
    %add3A_22 = arith.addf %add3A, %add3A_21 : vector<400x256xf32>
    %get3A_23 = arith.constant 0 : index
    %get3A_24 = arith.constant 0 : index
    %get3A_25 = vector.load %arg4[%get3A_23, %get3A_24] : memref<2x256xf32, #tpu.memory_space<vmem>>, vector<1x256xf32>
    %get3A_26 = vector.shape_cast %get3A_25 : vector<1x256xf32> to vector<256xf32>
    %mul3A_27 = arith.constant 9.99999974E-5 : f32
    %mul3A_28 = vector.broadcast %mul3A_27 : f32 to vector<256xf32>
    %mul3A_29 = arith.mulf %get3A_26, %mul3A_28 : vector<256xf32>
    %get3A_30 = arith.constant 1 : index
    %get3A_31 = arith.constant 0 : index
    %get3A_32 = vector.load %arg4[%get3A_30, %get3A_31] : memref<2x256xf32, #tpu.memory_space<vmem>>, vector<1x256xf32>
    %get3A_33 = vector.shape_cast %get3A_32 : vector<1x256xf32> to vector<256xf32>
    %mul3A_34 = arith.constant 9.99999974E-5 : f32
    %mul3A_35 = vector.broadcast %mul3A_34 : f32 to vector<256xf32>
    %mul3A_36 = arith.mulf %get3A_33, %mul3A_35 : vector<256xf32>
    %mul3A_37 = arith.mulf %mul3A_29, %mul3A_29 : vector<256xf32>
    %sub3A = arith.subf %mul3A_36, %mul3A_37 : vector<256xf32>
    %broadcast_in_dim3A_38 = vector.shape_cast %mul3A_29 : vector<256xf32> to vector<1x256xf32>
    %sub3A_39 = vector.broadcast %broadcast_in_dim3A_38 : vector<1x256xf32> to vector<400x256xf32>
    %sub3A_40 = arith.subf %add3A_22, %sub3A_39 : vector<400x256xf32>
    %add3A_41 = arith.constant 9.99999974E-6 : f32
    %add3A_42 = vector.broadcast %add3A_41 : f32 to vector<256xf32>
    %add3A_43 = arith.addf %sub3A, %add3A_42 : vector<256xf32>
    %rsqrt3A = math.rsqrt %add3A_43 : vector<256xf32>
    %broadcast_in_dim3A_44 = vector.shape_cast %rsqrt3A : vector<256xf32> to vector<1x256xf32>
    %mul3A_45 = vector.broadcast %broadcast_in_dim3A_44 : vector<1x256xf32> to vector<400x256xf32>
    %mul3A_46 = arith.mulf %sub3A_40, %mul3A_45 : vector<400x256xf32>
    %get3A_47 = arith.constant 0 : index
    %get3A_48 = vector.load %arg6[%get3A_47] : memref<256xf32, #tpu.memory_space<vmem>>, vector<256xf32>
    %broadcast_in_dim3A_49 = vector.shape_cast %get3A_48 : vector<256xf32> to vector<1x256xf32>
    %mul3A_50 = vector.broadcast %broadcast_in_dim3A_49 : vector<1x256xf32> to vector<400x256xf32>
    %mul3A_51 = arith.mulf %mul3A_46, %mul3A_50 : vector<400x256xf32>
    %get3A_52 = arith.constant 0 : index
    %get3A_53 = vector.load %arg7[%get3A_52] : memref<256xf32, #tpu.memory_space<vmem>>, vector<256xf32>
    %broadcast_in_dim3A_54 = vector.shape_cast %get3A_53 : vector<256xf32> to vector<1x256xf32>
    %add3A_55 = vector.broadcast %broadcast_in_dim3A_54 : vector<1x256xf32> to vector<400x256xf32>
    %add3A_56 = arith.addf %mul3A_51, %add3A_55 : vector<400x256xf32>
    %max3A = arith.constant 0.000000e+00 : f32
    %max3A_57 = vector.broadcast %max3A : f32 to vector<400x256xf32>
    %max3A_58 = arith.maximumf %add3A_56, %max3A_57 : vector<400x256xf32>
    %get3A_59 = arith.constant 0 : index
    %get3A_60 = arith.constant 0 : index
    %get3A_61 = vector.load %arg9[%get3A_59, %get3A_60] : memref<256x256xf32, #tpu.memory_space<vmem>>, vector<256x256xf32>
    %dot_general3A = arith.constant dense<0.000000e+00> : vector<400x256xf32>
    %dot_general3A_62 = tpu.matmul %max3A_58, %get3A_61, %dot_general3A {dimension_numbers = #tpu.dot_dimension_numbers<[1], [0], [0], [1], [0, 0, 1, 1], [], []>, transpose_lhs_hint = false} : vector<400x256xf32>, vector<256x256xf32>, vector<400x256xf32> -> vector<400x256xf32>
    %swap3A = arith.constant 0 : index
    %swap3A_63 = arith.constant 0 : index
    %swap3A_64 = vector.load %arg10[%swap3A, %swap3A_63] : memref<400x256xf32, #tpu.memory_space<vmem>>, vector<400x256xf32>
    tpu.vector_store %arg10[%swap3A, %swap3A_63], %dot_general3A_62 {strides = array<i32>} : memref<400x256xf32, #tpu.memory_space<vmem>>, vector<400x256xf32>,
    %mul3A_65 = vector.broadcast %get3A_1 : vector<400x1xf32> to vector<400x256xf32>
    %mul3A_66 = arith.mulf %dot_general3A_62, %mul3A_65 : vector<400x256xf32>
    %swap3A_67 = arith.constant 0 : index
    %swap3A_68 = arith.constant 0 : index
    %swap3A_69 = vector.load %arg11[%swap3A_67, %swap3A_68] : memref<400x256xf32, #tpu.memory_space<vmem>>, vector<400x256xf32>
    tpu.vector_store %arg11[%swap3A_67, %swap3A_68], %mul3A_66 {strides = array<i32>} : memref<400x256xf32, #tpu.memory_space<vmem>>, vector<400x256xf32>,
    %eq3A = arith.constant 0 : i32
    %eq3A_70 = arith.cmpi eq, %arg0, %eq3A : i32
    %convert_element_type3A = arith.extui %eq3A_70 : i1 to i32
    %cond3A = arith.constant 0 : i32
    %cond3A_71 = arith.cmpi ne, %convert_element_type3A, %cond3A : i32
    scf.if %cond3A_71 {
      %broadcast_in_dim3A_118 = arith.constant 0.000000e+00 : f32
      %broadcast_in_dim3A_119 = vector.broadcast %broadcast_in_dim3A_118 : f32 to vector<64x256xf32>
      %swap3A_120 = arith.constant 0 : index
      %swap3A_121 = arith.constant 0 : index
      %swap3A_122 = vector.load %arg12[%swap3A_120, %swap3A_121] : memref<64x256xf32, #tpu.memory_space<vmem>>, vector<64x256xf32>
      tpu.vector_store %arg12[%swap3A_120, %swap3A_121], %broadcast_in_dim3A_119 {strides = array<i32>} : memref<64x256xf32, #tpu.memory_space<vmem>>, vector<64x256xf32>,
      %broadcast_in_dim3A_123 = arith.constant 0xFF800000 : f32
      %broadcast_in_dim3A_124 = vector.broadcast %broadcast_in_dim3A_123 : f32 to vector<64x256xf32>
      %swap3A_125 = arith.constant 0 : index
      %swap3A_126 = arith.constant 0 : index
      %swap3A_127 = vector.load %arg13[%swap3A_125, %swap3A_126] : memref<64x256xf32, #tpu.memory_space<vmem>>, vector<64x256xf32>
      tpu.vector_store %arg13[%swap3A_125, %swap3A_126], %broadcast_in_dim3A_124 {strides = array<i32>} : memref<64x256xf32, #tpu.memory_space<vmem>>, vector<64x256xf32>,
      %broadcast_in_dim3A_128 = arith.constant 0.000000e+00 : f32
      %broadcast_in_dim3A_129 = vector.broadcast %broadcast_in_dim3A_128 : f32 to vector<64x1xf32>
      %swap3A_130 = arith.constant 0 : index
      %swap3A_131 = arith.constant 0 : index
      %swap3A_132 = vector.load %arg14[%swap3A_130, %swap3A_131] : memref<64x1xf32, #tpu.memory_space<vmem>>, vector<64x1xf32>
      tpu.vector_store %arg14[%swap3A_130, %swap3A_131], %broadcast_in_dim3A_129 {strides = array<i32>} : memref<64x1xf32, #tpu.memory_space<vmem>>, vector<64x1xf32>,
    } else {
    }
    %get3A_72 = arith.constant 0 : index
    %get3A_73 = arith.constant 0 : index
    %get3A_74 = vector.load %arg8[%get3A_72, %get3A_73] : memref<400x1xi32, #tpu.memory_space<vmem>>, vector<400x1xi32>
    %iota3A = tpu.iota {dimensions = array<i32: 1>} : vector<1x64xi32>
    %eq3A_75 = vector.broadcast %get3A_74 : vector<400x1xi32> to vector<400x64xi32>
    %eq3A_76 = vector.broadcast %iota3A : vector<1x64xi32> to vector<400x64xi32>
    %eq3A_77 = arith.cmpi eq, %eq3A_75, %eq3A_76 : vector<400x64xi32>
    %convert_element_type3A_78 = arith.extui %eq3A_77 : vector<400x64xi1> to vector<400x64xi32>
    %convert_element_type3A_79 = arith.sitofp %convert_element_type3A_78 : vector<400x64xi32> to vector<400x64xf32>
    %get3A_80 = arith.constant 0 : index
    %get3A_81 = arith.constant 0 : index
    %get3A_82 = vector.load %arg12[%get3A_80, %get3A_81] : memref<64x256xf32, #tpu.memory_space<vmem>>, vector<64x256xf32>
    %dot_general3A_83 = arith.constant dense<0.000000e+00> : vector<64x256xf32>
    %dot_general3A_84 = tpu.matmul %convert_element_type3A_79, %max3A_58, %dot_general3A_83 {dimension_numbers = #tpu.dot_dimension_numbers<[0], [0], [1], [1], [0, 1, 1, 1], [], []>, transpose_lhs_hint = false} : vector<400x64xf32>, vector<400x256xf32>, vector<64x256xf32> -> vector<64x256xf32>
    %add3A_85 = arith.addf %get3A_82, %dot_general3A_84 : vector<64x256xf32>
    %swap3A_86 = arith.constant 0 : index
    %swap3A_87 = arith.constant 0 : index
    %swap3A_88 = vector.load %arg12[%swap3A_86, %swap3A_87] : memref<64x256xf32, #tpu.memory_space<vmem>>, vector<64x256xf32>
    tpu.vector_store %arg12[%swap3A_86, %swap3A_87], %add3A_85 {strides = array<i32>} : memref<64x256xf32, #tpu.memory_space<vmem>>, vector<64x256xf32>,
    %get3A_89 = arith.constant 0 : index
    %get3A_90 = arith.constant 0 : index
    %get3A_91 = vector.load %arg14[%get3A_89, %get3A_90] : memref<64x1xf32, #tpu.memory_space<vmem>>, vector<64x1xf32>
    %broadcast_in_dim3A_92 = arith.constant 1.000000e+00 : f32
    %broadcast_in_dim3A_93 = vector.broadcast %broadcast_in_dim3A_92 : f32 to vector<400x1xf32>
    %dot_general3A_94 = arith.constant dense<0.000000e+00> : vector<64x1xf32>
    %dot_general3A_95 = tpu.matmul %convert_element_type3A_79, %broadcast_in_dim3A_93, %dot_general3A_94 {dimension_numbers = #tpu.dot_dimension_numbers<[0], [0], [1], [1], [0, 1, 1, 1], [], []>, transpose_lhs_hint = false} : vector<400x64xf32>, vector<400x1xf32>, vector<64x1xf32> -> vector<64x1xf32>
    %add3A_96 = arith.addf %get3A_91, %dot_general3A_95 : vector<64x1xf32>
    %swap3A_97 = arith.constant 0 : index
    %swap3A_98 = arith.constant 0 : index
    %swap3A_99 = vector.load %arg14[%swap3A_97, %swap3A_98] : memref<64x1xf32, #tpu.memory_space<vmem>>, vector<64x1xf32>
    tpu.vector_store %arg14[%swap3A_97, %swap3A_98], %add3A_96 {strides = array<i32>} : memref<64x1xf32, #tpu.memory_space<vmem>>, vector<64x1xf32>,
    %get3A_100 = arith.constant 0 : index
    %get3A_101 = arith.constant 0 : index
    %get3A_102 = vector.load %arg8[%get3A_100, %get3A_101] : memref<400x1xi32, #tpu.memory_space<vmem>>, vector<1x1xi32>
    %get3A_103 = vector.extract %get3A_102[0, 0] : i32 from vector<1x1xi32>
    %get3A_104 = arith.constant 399 : index
    %get3A_105 = arith.constant 0 : index
    %get3A_106 = vector.load %arg8[%get3A_104, %get3A_105] : memref<400x1xi32, #tpu.memory_space<vmem>>, vector<1x1xi32>
    %get3A_107 = vector.extract %get3A_106[0, 0] : i32 from vector<1x1xi32>
    %add3A_108 = arith.constant 1 : i32
    %add3A_109 = arith.addi %get3A_107, %add3A_108 : i32
    %while3A = arith.constant 0 : i32
    %while3A_110 = arith.subi %add3A_109, %get3A_103 : i32
    %while3A_111 = arith.addi %get3A_103, %while3A_110 : i32
    %while3A_112 = arith.constant 1 : i32
    %while3A_113 = arith.divsi %while3A_110, %while3A_112 : i32
    %while3A_114 = arith.muli %while3A_113, %while3A_112 : i32
    %while3A_115 = arith.addi %get3A_103, %while3A_114 : i32
    %while3A_116 = arith.constant 1 : i32
    scf.for %while3A_118 = %get3A_103 to %while3A_115 step %while3A_116  : i32 {
      %eq3A_119 = vector.broadcast %while3A_118 : i32 to vector<400x1xi32>
      %eq3A_120 = arith.cmpi eq, %get3A_74, %eq3A_119 : vector<400x1xi32>
      %jit3A = arith.constant 0xFF800000 : f32
      %broadcast_in_dim3A_121 = vector.shape_cast %eq3A_120 : vector<400x1xi1> to vector<400x1xi1>
      %broadcast_in_dim3A_122 = vector.broadcast %broadcast_in_dim3A_121 : vector<400x1xi1> to vector<400x256xi1>
      %broadcast_in_dim3A_123 = vector.broadcast %jit3A : f32 to vector<400x256xf32>
      %select_n3A = arith.select %broadcast_in_dim3A_122, %max3A_58, %broadcast_in_dim3A_123 : vector<400x256xi1>, vector<400x256xf32>
      %reduce_max3A = arith.constant dense<0xFF800000> : vector<256xf32>
      %reduce_max3A_124 = vector.multi_reduction <maximumf>, %select_n3A, %reduce_max3A [0] : vector<400x256xf32> to vector<256xf32>
      %broadcast_in_dim3A_125 = vector.shape_cast %reduce_max3A_124 : vector<256xf32> to vector<1x256xf32>
      %get3A_126 = arith.index_cast %while3A_118 : i32 to index
      %get3A_127 = arith.constant 0 : index
      %get3A_128 = vector.load %arg13[%get3A_126, %get3A_127] : memref<64x256xf32, #tpu.memory_space<vmem>>, vector<1x256xf32>
      %max3A_129 = arith.maximumf %get3A_128, %broadcast_in_dim3A_125 : vector<1x256xf32>
      %swap3A_130 = arith.index_cast %while3A_118 : i32 to index
      %swap3A_131 = arith.constant 0 : index
      %swap3A_132 = vector.load %arg13[%swap3A_130, %swap3A_131] : memref<64x256xf32, #tpu.memory_space<vmem>>, vector<1x256xf32>
      tpu.vector_store %arg13[%swap3A_130, %swap3A_131], %max3A_129 {strides = array<i32>} : memref<64x256xf32, #tpu.memory_space<vmem>>, vector<1x256xf32>,
    }
    %while3A_117 = arith.constant 1 : i32
    scf.for %while3A_118 = %while3A_115 to %while3A_111 step %while3A_117  : i32 {
      %eq3A_119 = vector.broadcast %while3A_118 : i32 to vector<400x1xi32>
      %eq3A_120 = arith.cmpi eq, %get3A_74, %eq3A_119 : vector<400x1xi32>
      %jit3A = arith.constant 0xFF800000 : f32
      %broadcast_in_dim3A_121 = vector.shape_cast %eq3A_120 : vector<400x1xi1> to vector<400x1xi1>
      %broadcast_in_dim3A_122 = vector.broadcast %broadcast_in_dim3A_121 : vector<400x1xi1> to vector<400x256xi1>
      %broadcast_in_dim3A_123 = vector.broadcast %jit3A : f32 to vector<400x256xf32>
      %select_n3A = arith.select %broadcast_in_dim3A_122, %max3A_58, %broadcast_in_dim3A_123 : vector<400x256xi1>, vector<400x256xf32>
      %reduce_max3A = arith.constant dense<0xFF800000> : vector<256xf32>
      %reduce_max3A_124 = vector.multi_reduction <maximumf>, %select_n3A, %reduce_max3A [0] : vector<400x256xf32> to vector<256xf32>
      %broadcast_in_dim3A_125 = vector.shape_cast %reduce_max3A_124 : vector<256xf32> to vector<1x256xf32>
      %get3A_126 = arith.index_cast %while3A_118 : i32 to index
      %get3A_127 = arith.constant 0 : index
      %get3A_128 = vector.load %arg13[%get3A_126, %get3A_127] : memref<64x256xf32, #tpu.memory_space<vmem>>, vector<1x256xf32>
      %max3A_129 = arith.maximumf %get3A_128, %broadcast_in_dim3A_125 : vector<1x256xf32>
      %swap3A_130 = arith.index_cast %while3A_118 : i32 to index
      %swap3A_131 = arith.constant 0 : index
      %swap3A_132 = vector.load %arg13[%swap3A_130, %swap3A_131] : memref<64x256xf32, #tpu.memory_space<vmem>>, vector<1x256xf32>
      tpu.vector_store %arg13[%swap3A_130, %swap3A_131], %max3A_129 {strides = array<i32>} : memref<64x256xf32, #tpu.memory_space<vmem>>, vector<1x256xf32>,
    }
    return
  }
  func.func @transform_0(%arg0: i32) -> (i32, i32, i32) {
    %c0_i32 = arith.constant 0 : i32
    %c0_i32_0 = arith.constant 0 : i32
    %c0_i32_1 = arith.constant 0 : i32
    return %c0_i32, %arg0, %c0_i32_0 : i32, i32, i32
  }
  func.func @transform_1(%arg0: i32) -> (i32, i32) {
    %c0_i32 = arith.constant 0 : i32
    %c0_i32_0 = arith.constant 0 : i32
    return %arg0, %c0_i32 : i32, i32
  }
  func.func @transform_2(%arg0: i32) -> (i32, i32) {
    %c0_i32 = arith.constant 0 : i32
    %c0_i32_0 = arith.constant 0 : i32
    return %arg0, %c0_i32 : i32, i32
  }
  func.func @transform_3(%arg0: i32) -> (i32, i32) {
    %c0_i32 = arith.constant 0 : i32
    %c0_i32_0 = arith.constant 0 : i32
    %c0_i32_1 = arith.constant 0 : i32
    return %c0_i32, %c0_i32_0 : i32, i32
  }
  func.func @transform_4(%arg0: i32) -> i32 {
    %c0_i32 = arith.constant 0 : i32
    %c0_i32_0 = arith.constant 0 : i32
    return %c0_i32 : i32
  }
  func.func @transform_5(%arg0: i32) -> i32 {
    %c0_i32 = arith.constant 0 : i32
    %c0_i32_0 = arith.constant 0 : i32
    return %c0_i32 : i32
  }
  func.func @transform_6(%arg0: i32) -> i32 {
    %c0_i32 = arith.constant 0 : i32
    %c0_i32_0 = arith.constant 0 : i32
    return %c0_i32 : i32
  }
  func.func @transform_7(%arg0: i32) -> (i32, i32) {
    %c0_i32 = arith.constant 0 : i32
    %c0_i32_0 = arith.constant 0 : i32
    return %arg0, %c0_i32 : i32, i32
  }
  func.func @transform_8(%arg0: i32) -> (i32, i32) {
    %c0_i32 = arith.constant 0 : i32
    %c0_i32_0 = arith.constant 0 : i32
    %c0_i32_1 = arith.constant 0 : i32
    return %c0_i32, %c0_i32_0 : i32, i32
  }
  func.func @transform_9(%arg0: i32) -> (i32, i32) {
    %c0_i32 = arith.constant 0 : i32
    %c0_i32_0 = arith.constant 0 : i32
    return %arg0, %c0_i32 : i32, i32
  }
  func.func @transform_10(%arg0: i32) -> (i32, i32) {
    %c0_i32 = arith.constant 0 : i32
    %c0_i32_0 = arith.constant 0 : i32
    return %arg0, %c0_i32 : i32, i32
  }
  func.func @transform_11(%arg0: i32) -> (i32, i32) {
    %c0_i32 = arith.constant 0 : i32
    %c0_i32_0 = arith.constant 0 : i32
    %c0_i32_1 = arith.constant 0 : i32
    return %c0_i32, %c0_i32_0 : i32, i32
  }
  func.func @transform_12(%arg0: i32) -> (i32, i32) {
    %c0_i32 = arith.constant 0 : i32
    %c0_i32_0 = arith.constant 0 : i32
    %c0_i32_1 = arith.constant 0 : i32
    return %c0_i32, %c0_i32_0 : i32, i32
  }
  func.func @transform_13(%arg0: i32) -> (i32, i32) {
    %c0_i32 = arith.constant 0 : i32
    %c0_i32_0 = arith.constant 0 : i32
    %c0_i32_1 = arith.constant 0 : i32
    return %c0_i32, %c0_i32_0 : i32, i32
  }
}

module attributes {stable_mosaic.version = 14 : i64} {
  func.func @body(%arg0: i32, %arg1: memref<2x400x128xf32, #tpu.memory_space<vmem>>, %arg2: memref<400x256xf32, #tpu.memory_space<vmem>>, %arg3: memref<400x1xf32, #tpu.memory_space<vmem>>, %arg4: memref<2x256xf32, #tpu.memory_space<vmem>>, %arg5: memref<256xf32, #tpu.memory_space<vmem>>, %arg6: memref<256xf32, #tpu.memory_space<vmem>>, %arg7: memref<256xf32, #tpu.memory_space<vmem>>, %arg8: memref<400x1xi32, #tpu.memory_space<vmem>>, %arg9: memref<256x256xf32, #tpu.memory_space<vmem>>, %arg10: memref<400x256xf32, #tpu.memory_space<vmem>>, %arg11: memref<400x256xf32, #tpu.memory_space<vmem>>, %arg12: memref<64x256xf32, #tpu.memory_space<vmem>>, %arg13: memref<64x256xf32, #tpu.memory_space<vmem>>, %arg14: memref<64x1xf32, #tpu.memory_space<vmem>>) attributes {dimension_semantics = [#tpu.dimension_semantics<arbitrary>], iteration_bounds = array<i64: 25>, scalar_prefetch = 0 : i64, scratch_operands = 0 : i64, tpu.core_type = #tpu.core_type<tc>, window_params = [{transform_indices = @transform_0, window_bounds = array<i64: 2, 400, 128>}, {transform_indices = @transform_1, window_bounds = array<i64: 400, 256>}, {transform_indices = @transform_2, window_bounds = array<i64: 400, 1>}, {pipeline_mode = #tpu.pipeline_mode<synchronous>, transform_indices = @transform_3, window_bounds = array<i64: 2, 256>}, {pipeline_mode = #tpu.pipeline_mode<synchronous>, transform_indices = @transform_4, window_bounds = array<i64: 256>}, {pipeline_mode = #tpu.pipeline_mode<synchronous>, transform_indices = @transform_5, window_bounds = array<i64: 256>}, {pipeline_mode = #tpu.pipeline_mode<synchronous>, transform_indices = @transform_6, window_bounds = array<i64: 256>}, {transform_indices = @transform_7, window_bounds = array<i64: 400, 1>}, {pipeline_mode = #tpu.pipeline_mode<synchronous>, transform_indices = @transform_8, window_bounds = array<i64: 256, 256>}, {transform_indices = @transform_9, window_bounds = array<i64: 400, 256>}, {transform_indices = @transform_10, window_bounds = array<i64: 400, 256>}, {pipeline_mode = #tpu.pipeline_mode<synchronous>, transform_indices = @transform_11, window_bounds = array<i64: 64, 256>}, {pipeline_mode = #tpu.pipeline_mode<synchronous>, transform_indices = @transform_12, window_bounds = array<i64: 64, 256>}, {pipeline_mode = #tpu.pipeline_mode<synchronous>, transform_indices = @transform_13, window_bounds = array<i64: 64, 1>}]} {
    %get3A = arith.constant 0 : index
    %get3A_0 = arith.constant 0 : index
    %get3A_1 = vector.load %arg3[%get3A, %get3A_0] : memref<400x1xf32, #tpu.memory_space<vmem>>, vector<400x1xf32>
    %get3A_2 = arith.constant 0 : index
    %get3A_3 = arith.constant 0 : index
    %get3A_4 = arith.constant 0 : index
    %get3A_5 = vector.load %arg1[%get3A_2, %get3A_3, %get3A_4] : memref<2x400x128xf32, #tpu.memory_space<vmem>>, vector<1x400x128xf32>
    %get3A_6 = vector.shape_cast %get3A_5 : vector<1x400x128xf32> to vector<400x128xf32>
    %get3A_7 = arith.constant 1 : index
    %get3A_8 = arith.constant 0 : index
    %get3A_9 = arith.constant 0 : index
    %get3A_10 = vector.load %arg1[%get3A_7, %get3A_8, %get3A_9] : memref<2x400x128xf32, #tpu.memory_space<vmem>>, vector<1x400x128xf32>
    %get3A_11 = vector.shape_cast %get3A_10 : vector<1x400x128xf32> to vector<400x128xf32>
    %concatenate3A = tpu.concatenate %get3A_6, %get3A_11 in 1 : vector<400x128xf32>, vector<400x128xf32> -> vector<400x256xf32>
    %mul3A = vector.broadcast %get3A_1 : vector<400x1xf32> to vector<400x256xf32>
    %mul3A_12 = arith.mulf %mul3A, %concatenate3A : vector<400x256xf32>
    %mul3A_13 = arith.mulf %get3A_1, %get3A_1 : vector<400x1xf32>
    %get3A_14 = arith.constant 0 : index
    %get3A_15 = arith.constant 0 : index
    %get3A_16 = vector.load %arg2[%get3A_14, %get3A_15] : memref<400x256xf32, #tpu.memory_space<vmem>>, vector<400x256xf32>
    %mul3A_17 = vector.broadcast %mul3A_13 : vector<400x1xf32> to vector<400x256xf32>
    %mul3A_18 = arith.mulf %mul3A_17, %get3A_16 : vector<400x256xf32>
    %add3A = arith.addf %mul3A_12, %mul3A_18 : vector<400x256xf32>
    %get3A_19 = arith.constant 0 : index
    %get3A_20 = vector.load %arg5[%get3A_19] : memref<256xf32, #tpu.memory_space<vmem>>, vector<256xf32>
    %broadcast_in_dim3A = vector.shape_cast %get3A_20 : vector<256xf32> to vector<1x256xf32>
    %add3A_21 = vector.broadcast %broadcast_in_dim3A : vector<1x256xf32> to vector<400x256xf32>
    %add3A_22 = arith.addf %add3A, %add3A_21 : vector<400x256xf32>
    %get3A_23 = arith.constant 0 : index
    %get3A_24 = arith.constant 0 : index
    %get3A_25 = vector.load %arg4[%get3A_23, %get3A_24] : memref<2x256xf32, #tpu.memory_space<vmem>>, vector<1x256xf32>
    %get3A_26 = vector.shape_cast %get3A_25 : vector<1x256xf32> to vector<256xf32>
    %mul3A_27 = arith.constant 9.99999974E-5 : f32
    %mul3A_28 = vector.broadcast %mul3A_27 : f32 to vector<256xf32>
    %mul3A_29 = arith.mulf %get3A_26, %mul3A_28 : vector<256xf32>
    %get3A_30 = arith.constant 1 : index
    %get3A_31 = arith.constant 0 : index
    %get3A_32 = vector.load %arg4[%get3A_30, %get3A_31] : memref<2x256xf32, #tpu.memory_space<vmem>>, vector<1x256xf32>
    %get3A_33 = vector.shape_cast %get3A_32 : vector<1x256xf32> to vector<256xf32>
    %mul3A_34 = arith.constant 9.99999974E-5 : f32
    %mul3A_35 = vector.broadcast %mul3A_34 : f32 to vector<256xf32>
    %mul3A_36 = arith.mulf %get3A_33, %mul3A_35 : vector<256xf32>
    %mul3A_37 = arith.mulf %mul3A_29, %mul3A_29 : vector<256xf32>
    %sub3A = arith.subf %mul3A_36, %mul3A_37 : vector<256xf32>
    %broadcast_in_dim3A_38 = vector.shape_cast %mul3A_29 : vector<256xf32> to vector<1x256xf32>
    %sub3A_39 = vector.broadcast %broadcast_in_dim3A_38 : vector<1x256xf32> to vector<400x256xf32>
    %sub3A_40 = arith.subf %add3A_22, %sub3A_39 : vector<400x256xf32>
    %add3A_41 = arith.constant 9.99999974E-6 : f32
    %add3A_42 = vector.broadcast %add3A_41 : f32 to vector<256xf32>
    %add3A_43 = arith.addf %sub3A, %add3A_42 : vector<256xf32>
    %rsqrt3A = math.rsqrt %add3A_43 : vector<256xf32>
    %broadcast_in_dim3A_44 = vector.shape_cast %rsqrt3A : vector<256xf32> to vector<1x256xf32>
    %mul3A_45 = vector.broadcast %broadcast_in_dim3A_44 : vector<1x256xf32> to vector<400x256xf32>
    %mul3A_46 = arith.mulf %sub3A_40, %mul3A_45 : vector<400x256xf32>
    %get3A_47 = arith.constant 0 : index
    %get3A_48 = vector.load %arg6[%get3A_47] : memref<256xf32, #tpu.memory_space<vmem>>, vector<256xf32>
    %broadcast_in_dim3A_49 = vector.shape_cast %get3A_48 : vector<256xf32> to vector<1x256xf32>
    %mul3A_50 = vector.broadcast %broadcast_in_dim3A_49 : vector<1x256xf32> to vector<400x256xf32>
    %mul3A_51 = arith.mulf %mul3A_46, %mul3A_50 : vector<400x256xf32>
    %get3A_52 = arith.constant 0 : index
    %get3A_53 = vector.load %arg7[%get3A_52] : memref<256xf32, #tpu.memory_space<vmem>>, vector<256xf32>
    %broadcast_in_dim3A_54 = vector.shape_cast %get3A_53 : vector<256xf32> to vector<1x256xf32>
    %add3A_55 = vector.broadcast %broadcast_in_dim3A_54 : vector<1x256xf32> to vector<400x256xf32>
    %add3A_56 = arith.addf %mul3A_51, %add3A_55 : vector<400x256xf32>
    %max3A = arith.constant 0.000000e+00 : f32
    %max3A_57 = vector.broadcast %max3A : f32 to vector<400x256xf32>
    %max3A_58 = arith.maximumf %add3A_56, %max3A_57 : vector<400x256xf32>
    %get3A_59 = arith.constant 0 : index
    %get3A_60 = arith.constant 0 : index
    %get3A_61 = vector.load %arg9[%get3A_59, %get3A_60] : memref<256x256xf32, #tpu.memory_space<vmem>>, vector<256x256xf32>
    %dot_general3A = arith.constant dense<0.000000e+00> : vector<400x256xf32>
    %dot_general3A_62 = tpu.matmul %max3A_58, %get3A_61, %dot_general3A {dimension_numbers = #tpu.dot_dimension_numbers<[1], [0], [0], [1], [0, 0, 1, 1], [], []>, transpose_lhs_hint = false} : vector<400x256xf32>, vector<256x256xf32>, vector<400x256xf32> -> vector<400x256xf32>
    %swap3A = arith.constant 0 : index
    %swap3A_63 = arith.constant 0 : index
    %swap3A_64 = vector.load %arg10[%swap3A, %swap3A_63] : memref<400x256xf32, #tpu.memory_space<vmem>>, vector<400x256xf32>
    tpu.vector_store %arg10[%swap3A, %swap3A_63], %dot_general3A_62 {strides = array<i32>} : memref<400x256xf32, #tpu.memory_space<vmem>>, vector<400x256xf32>,
    %mul3A_65 = vector.broadcast %get3A_1 : vector<400x1xf32> to vector<400x256xf32>
    %mul3A_66 = arith.mulf %dot_general3A_62, %mul3A_65 : vector<400x256xf32>
    %swap3A_67 = arith.constant 0 : index
    %swap3A_68 = arith.constant 0 : index
    %swap3A_69 = vector.load %arg11[%swap3A_67, %swap3A_68] : memref<400x256xf32, #tpu.memory_space<vmem>>, vector<400x256xf32>
    tpu.vector_store %arg11[%swap3A_67, %swap3A_68], %mul3A_66 {strides = array<i32>} : memref<400x256xf32, #tpu.memory_space<vmem>>, vector<400x256xf32>,
    %eq3A = arith.constant 0 : i32
    %eq3A_70 = arith.cmpi eq, %arg0, %eq3A : i32
    %convert_element_type3A = arith.extui %eq3A_70 : i1 to i32
    %cond3A = arith.constant 0 : i32
    %cond3A_71 = arith.cmpi ne, %convert_element_type3A, %cond3A : i32
    scf.if %cond3A_71 {
      %broadcast_in_dim3A_118 = arith.constant 0.000000e+00 : f32
      %broadcast_in_dim3A_119 = vector.broadcast %broadcast_in_dim3A_118 : f32 to vector<64x256xf32>
      %swap3A_120 = arith.constant 0 : index
      %swap3A_121 = arith.constant 0 : index
      %swap3A_122 = vector.load %arg12[%swap3A_120, %swap3A_121] : memref<64x256xf32, #tpu.memory_space<vmem>>, vector<64x256xf32>
      tpu.vector_store %arg12[%swap3A_120, %swap3A_121], %broadcast_in_dim3A_119 {strides = array<i32>} : memref<64x256xf32, #tpu.memory_space<vmem>>, vector<64x256xf32>,
      %broadcast_in_dim3A_123 = arith.constant 0xFF800000 : f32
      %broadcast_in_dim3A_124 = vector.broadcast %broadcast_in_dim3A_123 : f32 to vector<64x256xf32>
      %swap3A_125 = arith.constant 0 : index
      %swap3A_126 = arith.constant 0 : index
      %swap3A_127 = vector.load %arg13[%swap3A_125, %swap3A_126] : memref<64x256xf32, #tpu.memory_space<vmem>>, vector<64x256xf32>
      tpu.vector_store %arg13[%swap3A_125, %swap3A_126], %broadcast_in_dim3A_124 {strides = array<i32>} : memref<64x256xf32, #tpu.memory_space<vmem>>, vector<64x256xf32>,
      %broadcast_in_dim3A_128 = arith.constant 0.000000e+00 : f32
      %broadcast_in_dim3A_129 = vector.broadcast %broadcast_in_dim3A_128 : f32 to vector<64x1xf32>
      %swap3A_130 = arith.constant 0 : index
      %swap3A_131 = arith.constant 0 : index
      %swap3A_132 = vector.load %arg14[%swap3A_130, %swap3A_131] : memref<64x1xf32, #tpu.memory_space<vmem>>, vector<64x1xf32>
      tpu.vector_store %arg14[%swap3A_130, %swap3A_131], %broadcast_in_dim3A_129 {strides = array<i32>} : memref<64x1xf32, #tpu.memory_space<vmem>>, vector<64x1xf32>,
    } else {
    }
    %get3A_72 = arith.constant 0 : index
    %get3A_73 = arith.constant 0 : index
    %get3A_74 = vector.load %arg8[%get3A_72, %get3A_73] : memref<400x1xi32, #tpu.memory_space<vmem>>, vector<400x1xi32>
    %iota3A = tpu.iota {dimensions = array<i32: 1>} : vector<1x64xi32>
    %eq3A_75 = vector.broadcast %get3A_74 : vector<400x1xi32> to vector<400x64xi32>
    %eq3A_76 = vector.broadcast %iota3A : vector<1x64xi32> to vector<400x64xi32>
    %eq3A_77 = arith.cmpi eq, %eq3A_75, %eq3A_76 : vector<400x64xi32>
    %convert_element_type3A_78 = arith.extui %eq3A_77 : vector<400x64xi1> to vector<400x64xi32>
    %convert_element_type3A_79 = arith.sitofp %convert_element_type3A_78 : vector<400x64xi32> to vector<400x64xf32>
    %get3A_80 = arith.constant 0 : index
    %get3A_81 = arith.constant 0 : index
    %get3A_82 = vector.load %arg12[%get3A_80, %get3A_81] : memref<64x256xf32, #tpu.memory_space<vmem>>, vector<64x256xf32>
    %dot_general3A_83 = arith.constant dense<0.000000e+00> : vector<64x256xf32>
    %dot_general3A_84 = tpu.matmul %convert_element_type3A_79, %max3A_58, %dot_general3A_83 {dimension_numbers = #tpu.dot_dimension_numbers<[0], [0], [1], [1], [0, 1, 1, 1], [], []>, transpose_lhs_hint = false} : vector<400x64xf32>, vector<400x256xf32>, vector<64x256xf32> -> vector<64x256xf32>
    %add3A_85 = arith.addf %get3A_82, %dot_general3A_84 : vector<64x256xf32>
    %swap3A_86 = arith.constant 0 : index
    %swap3A_87 = arith.constant 0 : index
    %swap3A_88 = vector.load %arg12[%swap3A_86, %swap3A_87] : memref<64x256xf32, #tpu.memory_space<vmem>>, vector<64x256xf32>
    tpu.vector_store %arg12[%swap3A_86, %swap3A_87], %add3A_85 {strides = array<i32>} : memref<64x256xf32, #tpu.memory_space<vmem>>, vector<64x256xf32>,
    %get3A_89 = arith.constant 0 : index
    %get3A_90 = arith.constant 0 : index
    %get3A_91 = vector.load %arg14[%get3A_89, %get3A_90] : memref<64x1xf32, #tpu.memory_space<vmem>>, vector<64x1xf32>
    %broadcast_in_dim3A_92 = arith.constant 1.000000e+00 : f32
    %broadcast_in_dim3A_93 = vector.broadcast %broadcast_in_dim3A_92 : f32 to vector<400x1xf32>
    %dot_general3A_94 = arith.constant dense<0.000000e+00> : vector<64x1xf32>
    %dot_general3A_95 = tpu.matmul %convert_element_type3A_79, %broadcast_in_dim3A_93, %dot_general3A_94 {dimension_numbers = #tpu.dot_dimension_numbers<[0], [0], [1], [1], [0, 1, 1, 1], [], []>, transpose_lhs_hint = false} : vector<400x64xf32>, vector<400x1xf32>, vector<64x1xf32> -> vector<64x1xf32>
    %add3A_96 = arith.addf %get3A_91, %dot_general3A_95 : vector<64x1xf32>
    %swap3A_97 = arith.constant 0 : index
    %swap3A_98 = arith.constant 0 : index
    %swap3A_99 = vector.load %arg14[%swap3A_97, %swap3A_98] : memref<64x1xf32, #tpu.memory_space<vmem>>, vector<64x1xf32>
    tpu.vector_store %arg14[%swap3A_97, %swap3A_98], %add3A_96 {strides = array<i32>} : memref<64x1xf32, #tpu.memory_space<vmem>>, vector<64x1xf32>,
    %get3A_100 = arith.constant 0 : index
    %get3A_101 = arith.constant 0 : index
    %get3A_102 = vector.load %arg8[%get3A_100, %get3A_101] : memref<400x1xi32, #tpu.memory_space<vmem>>, vector<1x1xi32>
    %get3A_103 = vector.extract %get3A_102[0, 0] : i32 from vector<1x1xi32>
    %get3A_104 = arith.constant 399 : index
    %get3A_105 = arith.constant 0 : index
    %get3A_106 = vector.load %arg8[%get3A_104, %get3A_105] : memref<400x1xi32, #tpu.memory_space<vmem>>, vector<1x1xi32>
    %get3A_107 = vector.extract %get3A_106[0, 0] : i32 from vector<1x1xi32>
    %add3A_108 = arith.constant 1 : i32
    %add3A_109 = arith.addi %get3A_107, %add3A_108 : i32
    %while3A = arith.constant 0 : i32
    %while3A_110 = arith.subi %add3A_109, %get3A_103 : i32
    %while3A_111 = arith.addi %get3A_103, %while3A_110 : i32
    %while3A_112 = arith.constant 1 : i32
    %while3A_113 = arith.divsi %while3A_110, %while3A_112 : i32
    %while3A_114 = arith.muli %while3A_113, %while3A_112 : i32
    %while3A_115 = arith.addi %get3A_103, %while3A_114 : i32
    %while3A_116 = arith.constant 1 : i32
    scf.for %while3A_118 = %get3A_103 to %while3A_115 step %while3A_116  : i32 {
      %eq3A_119 = vector.broadcast %while3A_118 : i32 to vector<400x1xi32>
      %eq3A_120 = arith.cmpi eq, %get3A_74, %eq3A_119 : vector<400x1xi32>
      %jit3A = arith.constant 0xFF800000 : f32
      %broadcast_in_dim3A_121 = vector.shape_cast %eq3A_120 : vector<400x1xi1> to vector<400x1xi1>
      %broadcast_in_dim3A_122 = vector.broadcast %broadcast_in_dim3A_121 : vector<400x1xi1> to vector<400x256xi1>
      %broadcast_in_dim3A_123 = vector.broadcast %jit3A : f32 to vector<400x256xf32>
      %select_n3A = arith.select %broadcast_in_dim3A_122, %max3A_58, %broadcast_in_dim3A_123 : vector<400x256xi1>, vector<400x256xf32>
      %reduce_max3A = arith.constant dense<0xFF800000> : vector<256xf32>
      %reduce_max3A_124 = vector.multi_reduction <maximumf>, %select_n3A, %reduce_max3A [0] : vector<400x256xf32> to vector<256xf32>
      %broadcast_in_dim3A_125 = vector.shape_cast %reduce_max3A_124 : vector<256xf32> to vector<1x256xf32>
      %get3A_126 = arith.index_cast %while3A_118 : i32 to index
      %get3A_127 = arith.constant 0 : index
      %get3A_128 = vector.load %arg13[%get3A_126, %get3A_127] : memref<64x256xf32, #tpu.memory_space<vmem>>, vector<1x256xf32>
      %max3A_129 = arith.maximumf %get3A_128, %broadcast_in_dim3A_125 : vector<1x256xf32>
      %swap3A_130 = arith.index_cast %while3A_118 : i32 to index
      %swap3A_131 = arith.constant 0 : index
      %swap3A_132 = vector.load %arg13[%swap3A_130, %swap3A_131] : memref<64x256xf32, #tpu.memory_space<vmem>>, vector<1x256xf32>
      tpu.vector_store %arg13[%swap3A_130, %swap3A_131], %max3A_129 {strides = array<i32>} : memref<64x256xf32, #tpu.memory_space<vmem>>, vector<1x256xf32>,
    }
    %while3A_117 = arith.constant 1 : i32
    scf.for %while3A_118 = %while3A_115 to %while3A_111 step %while3A_117  : i32 {
      %eq3A_119 = vector.broadcast %while3A_118 : i32 to vector<400x1xi32>
      %eq3A_120 = arith.cmpi eq, %get3A_74, %eq3A_119 : vector<400x1xi32>
      %jit3A = arith.constant 0xFF800000 : f32
      %broadcast_in_dim3A_121 = vector.shape_cast %eq3A_120 : vector<400x1xi1> to vector<400x1xi1>
      %broadcast_in_dim3A_122 = vector.broadcast %broadcast_in_dim3A_121 : vector<400x1xi1> to vector<400x256xi1>
      %broadcast_in_dim3A_123 = vector.broadcast %jit3A : f32 to vector<400x256xf32>
      %select_n3A = arith.select %broadcast_in_dim3A_122, %max3A_58, %broadcast_in_dim3A_123 : vector<400x256xi1>, vector<400x256xf32>
      %reduce_max3A = arith.constant dense<0xFF800000> : vector<256xf32>
      %reduce_max3A_124 = vector.multi_reduction <maximumf>, %select_n3A, %reduce_max3A [0] : vector<400x256xf32> to vector<256xf32>
      %broadcast_in_dim3A_125 = vector.shape_cast %reduce_max3A_124 : vector<256xf32> to vector<1x256xf32>
      %get3A_126 = arith.index_cast %while3A_118 : i32 to index
      %get3A_127 = arith.constant 0 : index
      %get3A_128 = vector.load %arg13[%get3A_126, %get3A_127] : memref<64x256xf32, #tpu.memory_space<vmem>>, vector<1x256xf32>
      %max3A_129 = arith.maximumf %get3A_128, %broadcast_in_dim3A_125 : vector<1x256xf32>
      %swap3A_130 = arith.index_cast %while3A_118 : i32 to index
      %swap3A_131 = arith.constant 0 : index
      %swap3A_132 = vector.load %arg13[%swap3A_130, %swap3A_131] : memref<64x256xf32, #tpu.memory_space<vmem>>, vector<1x256xf32>
      tpu.vector_store %arg13[%swap3A_130, %swap3A_131], %max3A_129 {strides = array<i32>} : memref<64x256xf32, #tpu.memory_space<vmem>>, vector<1x256xf32>,
    }
    return
  }
  func.func @transform_0(%arg0: i32) -> (i32, i32, i32) {
    %c0_i32 = arith.constant 0 : i32
    %c0_i32_0 = arith.constant 0 : i32
    %c0_i32_1 = arith.constant 0 : i32
    return %c0_i32, %arg0, %c0_i32_0 : i32, i32, i32
  }
  func.func @transform_1(%arg0: i32) -> (i32, i32) {
    %c0_i32 = arith.constant 0 : i32
    %c0_i32_0 = arith.constant 0 : i32
    return %arg0, %c0_i32 : i32, i32
  }
  func.func @transform_2(%arg0: i32) -> (i32, i32) {
    %c0_i32 = arith.constant 0 : i32
    %c0_i32_0 = arith.constant 0 : i32
    return %arg0, %c0_i32 : i32, i32
  }
  func.func @transform_3(%arg0: i32) -> (i32, i32) {
    %c0_i32 = arith.constant 0 : i32
    %c0_i32_0 = arith.constant 0 : i32
    %c0_i32_1 = arith.constant 0 : i32
    return %c0_i32, %c0_i32_0 : i32, i32
  }
  func.func @transform_4(%arg0: i32) -> i32 {
    %c0_i32 = arith.constant 0 : i32
    %c0_i32_0 = arith.constant 0 : i32
    return %c0_i32 : i32
  }
  func.func @transform_5(%arg0: i32) -> i32 {
    %c0_i32 = arith.constant 0 : i32
    %c0_i32_0 = arith.constant 0 : i32
    return %c0_i32 : i32
  }
  func.func @transform_6(%arg0: i32) -> i32 {
    %c0_i32 = arith.constant 0 : i32
    %c0_i32_0 = arith.constant 0 : i32
    return %c0_i32 : i32
  }
  func.func @transform_7(%arg0: i32) -> (i32, i32) {
    %c0_i32 = arith.constant 0 : i32
    %c0_i32_0 = arith.constant 0 : i32
    return %arg0, %c0_i32 : i32, i32
  }
  func.func @transform_8(%arg0: i32) -> (i32, i32) {
    %c0_i32 = arith.constant 0 : i32
    %c0_i32_0 = arith.constant 0 : i32
    %c0_i32_1 = arith.constant 0 : i32
    return %c0_i32, %c0_i32_0 : i32, i32
  }
  func.func @transform_9(%arg0: i32) -> (i32, i32) {
    %c0_i32 = arith.constant 0 : i32
    %c0_i32_0 = arith.constant 0 : i32
    return %arg0, %c0_i32 : i32, i32
  }
  func.func @transform_10(%arg0: i32) -> (i32, i32) {
    %c0_i32 = arith.constant 0 : i32
    %c0_i32_0 = arith.constant 0 : i32
    return %arg0, %c0_i32 : i32, i32
  }
  func.func @transform_11(%arg0: i32) -> (i32, i32) {
    %c0_i32 = arith.constant 0 : i32
    %c0_i32_0 = arith.constant 0 : i32
    %c0_i32_1 = arith.constant 0 : i32
    return %c0_i32, %c0_i32_0 : i32, i32
  }
  func.func @transform_12(%arg0: i32) -> (i32, i32) {
    %c0_i32 = arith.constant 0 : i32
    %c0_i32_0 = arith.constant 0 : i32
    %c0_i32_1 = arith.constant 0 : i32
    return %c0_i32, %c0_i32_0 : i32, i32
  }
  func.func @transform_13(%arg0: i32) -> (i32, i32) {
    %c0_i32 = arith.constant 0 : i32
    %c0_i32_0 = arith.constant 0 : i32
    %c0_i32_1 = arith.constant 0 : i32
    return %c0_i32, %c0_i32_0 : i32, i32
  }
}

module attributes {stable_mosaic.version = 14 : i64} {
  func.func @body(%arg0: i32, %arg1: memref<2x400x128xf32, #tpu.memory_space<vmem>>, %arg2: memref<400x256xf32, #tpu.memory_space<vmem>>, %arg3: memref<400x1xf32, #tpu.memory_space<vmem>>, %arg4: memref<2x256xf32, #tpu.memory_space<vmem>>, %arg5: memref<256xf32, #tpu.memory_space<vmem>>, %arg6: memref<256xf32, #tpu.memory_space<vmem>>, %arg7: memref<256xf32, #tpu.memory_space<vmem>>, %arg8: memref<400x1xi32, #tpu.memory_space<vmem>>, %arg9: memref<64x256xf32, #tpu.memory_space<vmem>>, %arg10: memref<64x256xf32, #tpu.memory_space<vmem>>, %arg11: memref<64x1xf32, #tpu.memory_space<vmem>>) attributes {dimension_semantics = [#tpu.dimension_semantics<arbitrary>], iteration_bounds = array<i64: 25>, scalar_prefetch = 0 : i64, scratch_operands = 0 : i64, tpu.core_type = #tpu.core_type<tc>, window_params = [{transform_indices = @transform_0, window_bounds = array<i64: 2, 400, 128>}, {transform_indices = @transform_1, window_bounds = array<i64: 400, 256>}, {transform_indices = @transform_2, window_bounds = array<i64: 400, 1>}, {pipeline_mode = #tpu.pipeline_mode<synchronous>, transform_indices = @transform_3, window_bounds = array<i64: 2, 256>}, {pipeline_mode = #tpu.pipeline_mode<synchronous>, transform_indices = @transform_4, window_bounds = array<i64: 256>}, {pipeline_mode = #tpu.pipeline_mode<synchronous>, transform_indices = @transform_5, window_bounds = array<i64: 256>}, {pipeline_mode = #tpu.pipeline_mode<synchronous>, transform_indices = @transform_6, window_bounds = array<i64: 256>}, {transform_indices = @transform_7, window_bounds = array<i64: 400, 1>}, {pipeline_mode = #tpu.pipeline_mode<synchronous>, transform_indices = @transform_8, window_bounds = array<i64: 64, 256>}, {pipeline_mode = #tpu.pipeline_mode<synchronous>, transform_indices = @transform_9, window_bounds = array<i64: 64, 256>}, {pipeline_mode = #tpu.pipeline_mode<synchronous>, transform_indices = @transform_10, window_bounds = array<i64: 64, 1>}]} {
    %get3A = arith.constant 0 : index
    %get3A_0 = arith.constant 0 : index
    %get3A_1 = vector.load %arg3[%get3A, %get3A_0] : memref<400x1xf32, #tpu.memory_space<vmem>>, vector<400x1xf32>
    %get3A_2 = arith.constant 0 : index
    %get3A_3 = arith.constant 0 : index
    %get3A_4 = arith.constant 0 : index
    %get3A_5 = vector.load %arg1[%get3A_2, %get3A_3, %get3A_4] : memref<2x400x128xf32, #tpu.memory_space<vmem>>, vector<1x400x128xf32>
    %get3A_6 = vector.shape_cast %get3A_5 : vector<1x400x128xf32> to vector<400x128xf32>
    %get3A_7 = arith.constant 1 : index
    %get3A_8 = arith.constant 0 : index
    %get3A_9 = arith.constant 0 : index
    %get3A_10 = vector.load %arg1[%get3A_7, %get3A_8, %get3A_9] : memref<2x400x128xf32, #tpu.memory_space<vmem>>, vector<1x400x128xf32>
    %get3A_11 = vector.shape_cast %get3A_10 : vector<1x400x128xf32> to vector<400x128xf32>
    %concatenate3A = tpu.concatenate %get3A_6, %get3A_11 in 1 : vector<400x128xf32>, vector<400x128xf32> -> vector<400x256xf32>
    %mul3A = vector.broadcast %get3A_1 : vector<400x1xf32> to vector<400x256xf32>
    %mul3A_12 = arith.mulf %mul3A, %concatenate3A : vector<400x256xf32>
    %mul3A_13 = arith.mulf %get3A_1, %get3A_1 : vector<400x1xf32>
    %get3A_14 = arith.constant 0 : index
    %get3A_15 = arith.constant 0 : index
    %get3A_16 = vector.load %arg2[%get3A_14, %get3A_15] : memref<400x256xf32, #tpu.memory_space<vmem>>, vector<400x256xf32>
    %mul3A_17 = vector.broadcast %mul3A_13 : vector<400x1xf32> to vector<400x256xf32>
    %mul3A_18 = arith.mulf %mul3A_17, %get3A_16 : vector<400x256xf32>
    %add3A = arith.addf %mul3A_12, %mul3A_18 : vector<400x256xf32>
    %get3A_19 = arith.constant 0 : index
    %get3A_20 = vector.load %arg5[%get3A_19] : memref<256xf32, #tpu.memory_space<vmem>>, vector<256xf32>
    %broadcast_in_dim3A = vector.shape_cast %get3A_20 : vector<256xf32> to vector<1x256xf32>
    %add3A_21 = vector.broadcast %broadcast_in_dim3A : vector<1x256xf32> to vector<400x256xf32>
    %add3A_22 = arith.addf %add3A, %add3A_21 : vector<400x256xf32>
    %get3A_23 = arith.constant 0 : index
    %get3A_24 = arith.constant 0 : index
    %get3A_25 = vector.load %arg4[%get3A_23, %get3A_24] : memref<2x256xf32, #tpu.memory_space<vmem>>, vector<1x256xf32>
    %get3A_26 = vector.shape_cast %get3A_25 : vector<1x256xf32> to vector<256xf32>
    %mul3A_27 = arith.constant 9.99999974E-5 : f32
    %mul3A_28 = vector.broadcast %mul3A_27 : f32 to vector<256xf32>
    %mul3A_29 = arith.mulf %get3A_26, %mul3A_28 : vector<256xf32>
    %get3A_30 = arith.constant 1 : index
    %get3A_31 = arith.constant 0 : index
    %get3A_32 = vector.load %arg4[%get3A_30, %get3A_31] : memref<2x256xf32, #tpu.memory_space<vmem>>, vector<1x256xf32>
    %get3A_33 = vector.shape_cast %get3A_32 : vector<1x256xf32> to vector<256xf32>
    %mul3A_34 = arith.constant 9.99999974E-5 : f32
    %mul3A_35 = vector.broadcast %mul3A_34 : f32 to vector<256xf32>
    %mul3A_36 = arith.mulf %get3A_33, %mul3A_35 : vector<256xf32>
    %mul3A_37 = arith.mulf %mul3A_29, %mul3A_29 : vector<256xf32>
    %sub3A = arith.subf %mul3A_36, %mul3A_37 : vector<256xf32>
    %broadcast_in_dim3A_38 = vector.shape_cast %mul3A_29 : vector<256xf32> to vector<1x256xf32>
    %sub3A_39 = vector.broadcast %broadcast_in_dim3A_38 : vector<1x256xf32> to vector<400x256xf32>
    %sub3A_40 = arith.subf %add3A_22, %sub3A_39 : vector<400x256xf32>
    %add3A_41 = arith.constant 9.99999974E-6 : f32
    %add3A_42 = vector.broadcast %add3A_41 : f32 to vector<256xf32>
    %add3A_43 = arith.addf %sub3A, %add3A_42 : vector<256xf32>
    %rsqrt3A = math.rsqrt %add3A_43 : vector<256xf32>
    %broadcast_in_dim3A_44 = vector.shape_cast %rsqrt3A : vector<256xf32> to vector<1x256xf32>
    %mul3A_45 = vector.broadcast %broadcast_in_dim3A_44 : vector<1x256xf32> to vector<400x256xf32>
    %mul3A_46 = arith.mulf %sub3A_40, %mul3A_45 : vector<400x256xf32>
    %get3A_47 = arith.constant 0 : index
    %get3A_48 = vector.load %arg6[%get3A_47] : memref<256xf32, #tpu.memory_space<vmem>>, vector<256xf32>
    %broadcast_in_dim3A_49 = vector.shape_cast %get3A_48 : vector<256xf32> to vector<1x256xf32>
    %mul3A_50 = vector.broadcast %broadcast_in_dim3A_49 : vector<1x256xf32> to vector<400x256xf32>
    %mul3A_51 = arith.mulf %mul3A_46, %mul3A_50 : vector<400x256xf32>
    %get3A_52 = arith.constant 0 : index
    %get3A_53 = vector.load %arg7[%get3A_52] : memref<256xf32, #tpu.memory_space<vmem>>, vector<256xf32>
    %broadcast_in_dim3A_54 = vector.shape_cast %get3A_53 : vector<256xf32> to vector<1x256xf32>
    %add3A_55 = vector.broadcast %broadcast_in_dim3A_54 : vector<1x256xf32> to vector<400x256xf32>
    %add3A_56 = arith.addf %mul3A_51, %add3A_55 : vector<400x256xf32>
    %max3A = arith.constant 0.000000e+00 : f32
    %max3A_57 = vector.broadcast %max3A : f32 to vector<400x256xf32>
    %max3A_58 = arith.maximumf %add3A_56, %max3A_57 : vector<400x256xf32>
    %eq3A = arith.constant 0 : i32
    %eq3A_59 = arith.cmpi eq, %arg0, %eq3A : i32
    %convert_element_type3A = arith.extui %eq3A_59 : i1 to i32
    %cond3A = arith.constant 0 : i32
    %cond3A_60 = arith.cmpi ne, %convert_element_type3A, %cond3A : i32
    scf.if %cond3A_60 {
      %broadcast_in_dim3A_105 = arith.constant 0.000000e+00 : f32
      %broadcast_in_dim3A_106 = vector.broadcast %broadcast_in_dim3A_105 : f32 to vector<64x256xf32>
      %swap3A_107 = arith.constant 0 : index
      %swap3A_108 = arith.constant 0 : index
      %swap3A_109 = vector.load %arg9[%swap3A_107, %swap3A_108] : memref<64x256xf32, #tpu.memory_space<vmem>>, vector<64x256xf32>
      tpu.vector_store %arg9[%swap3A_107, %swap3A_108], %broadcast_in_dim3A_106 {strides = array<i32>} : memref<64x256xf32, #tpu.memory_space<vmem>>, vector<64x256xf32>,
      %broadcast_in_dim3A_110 = arith.constant 0xFF800000 : f32
      %broadcast_in_dim3A_111 = vector.broadcast %broadcast_in_dim3A_110 : f32 to vector<64x256xf32>
      %swap3A_112 = arith.constant 0 : index
      %swap3A_113 = arith.constant 0 : index
      %swap3A_114 = vector.load %arg10[%swap3A_112, %swap3A_113] : memref<64x256xf32, #tpu.memory_space<vmem>>, vector<64x256xf32>
      tpu.vector_store %arg10[%swap3A_112, %swap3A_113], %broadcast_in_dim3A_111 {strides = array<i32>} : memref<64x256xf32, #tpu.memory_space<vmem>>, vector<64x256xf32>,
      %broadcast_in_dim3A_115 = arith.constant 0.000000e+00 : f32
      %broadcast_in_dim3A_116 = vector.broadcast %broadcast_in_dim3A_115 : f32 to vector<64x1xf32>
      %swap3A_117 = arith.constant 0 : index
      %swap3A_118 = arith.constant 0 : index
      %swap3A_119 = vector.load %arg11[%swap3A_117, %swap3A_118] : memref<64x1xf32, #tpu.memory_space<vmem>>, vector<64x1xf32>
      tpu.vector_store %arg11[%swap3A_117, %swap3A_118], %broadcast_in_dim3A_116 {strides = array<i32>} : memref<64x1xf32, #tpu.memory_space<vmem>>, vector<64x1xf32>,
    } else {
    }
    %get3A_61 = arith.constant 0 : index
    %get3A_62 = arith.constant 0 : index
    %get3A_63 = vector.load %arg8[%get3A_61, %get3A_62] : memref<400x1xi32, #tpu.memory_space<vmem>>, vector<400x1xi32>
    %iota3A = tpu.iota {dimensions = array<i32: 1>} : vector<1x64xi32>
    %eq3A_64 = vector.broadcast %get3A_63 : vector<400x1xi32> to vector<400x64xi32>
    %eq3A_65 = vector.broadcast %iota3A : vector<1x64xi32> to vector<400x64xi32>
    %eq3A_66 = arith.cmpi eq, %eq3A_64, %eq3A_65 : vector<400x64xi32>
    %convert_element_type3A_67 = arith.extui %eq3A_66 : vector<400x64xi1> to vector<400x64xi32>
    %convert_element_type3A_68 = arith.sitofp %convert_element_type3A_67 : vector<400x64xi32> to vector<400x64xf32>
    %get3A_69 = arith.constant 0 : index
    %get3A_70 = arith.constant 0 : index
    %get3A_71 = vector.load %arg9[%get3A_69, %get3A_70] : memref<64x256xf32, #tpu.memory_space<vmem>>, vector<64x256xf32>
    %dot_general3A = arith.constant dense<0.000000e+00> : vector<64x256xf32>
    %dot_general3A_72 = tpu.matmul %convert_element_type3A_68, %max3A_58, %dot_general3A {dimension_numbers = #tpu.dot_dimension_numbers<[0], [0], [1], [1], [0, 1, 1, 1], [], []>, transpose_lhs_hint = false} : vector<400x64xf32>, vector<400x256xf32>, vector<64x256xf32> -> vector<64x256xf32>
    %add3A_73 = arith.addf %get3A_71, %dot_general3A_72 : vector<64x256xf32>
    %swap3A = arith.constant 0 : index
    %swap3A_74 = arith.constant 0 : index
    %swap3A_75 = vector.load %arg9[%swap3A, %swap3A_74] : memref<64x256xf32, #tpu.memory_space<vmem>>, vector<64x256xf32>
    tpu.vector_store %arg9[%swap3A, %swap3A_74], %add3A_73 {strides = array<i32>} : memref<64x256xf32, #tpu.memory_space<vmem>>, vector<64x256xf32>,
    %get3A_76 = arith.constant 0 : index
    %get3A_77 = arith.constant 0 : index
    %get3A_78 = vector.load %arg11[%get3A_76, %get3A_77] : memref<64x1xf32, #tpu.memory_space<vmem>>, vector<64x1xf32>
    %broadcast_in_dim3A_79 = arith.constant 1.000000e+00 : f32
    %broadcast_in_dim3A_80 = vector.broadcast %broadcast_in_dim3A_79 : f32 to vector<400x1xf32>
    %dot_general3A_81 = arith.constant dense<0.000000e+00> : vector<64x1xf32>
    %dot_general3A_82 = tpu.matmul %convert_element_type3A_68, %broadcast_in_dim3A_80, %dot_general3A_81 {dimension_numbers = #tpu.dot_dimension_numbers<[0], [0], [1], [1], [0, 1, 1, 1], [], []>, transpose_lhs_hint = false} : vector<400x64xf32>, vector<400x1xf32>, vector<64x1xf32> -> vector<64x1xf32>
    %add3A_83 = arith.addf %get3A_78, %dot_general3A_82 : vector<64x1xf32>
    %swap3A_84 = arith.constant 0 : index
    %swap3A_85 = arith.constant 0 : index
    %swap3A_86 = vector.load %arg11[%swap3A_84, %swap3A_85] : memref<64x1xf32, #tpu.memory_space<vmem>>, vector<64x1xf32>
    tpu.vector_store %arg11[%swap3A_84, %swap3A_85], %add3A_83 {strides = array<i32>} : memref<64x1xf32, #tpu.memory_space<vmem>>, vector<64x1xf32>,
    %get3A_87 = arith.constant 0 : index
    %get3A_88 = arith.constant 0 : index
    %get3A_89 = vector.load %arg8[%get3A_87, %get3A_88] : memref<400x1xi32, #tpu.memory_space<vmem>>, vector<1x1xi32>
    %get3A_90 = vector.extract %get3A_89[0, 0] : i32 from vector<1x1xi32>
    %get3A_91 = arith.constant 399 : index
    %get3A_92 = arith.constant 0 : index
    %get3A_93 = vector.load %arg8[%get3A_91, %get3A_92] : memref<400x1xi32, #tpu.memory_space<vmem>>, vector<1x1xi32>
    %get3A_94 = vector.extract %get3A_93[0, 0] : i32 from vector<1x1xi32>
    %add3A_95 = arith.constant 1 : i32
    %add3A_96 = arith.addi %get3A_94, %add3A_95 : i32
    %while3A = arith.constant 0 : i32
    %while3A_97 = arith.subi %add3A_96, %get3A_90 : i32
    %while3A_98 = arith.addi %get3A_90, %while3A_97 : i32
    %while3A_99 = arith.constant 1 : i32
    %while3A_100 = arith.divsi %while3A_97, %while3A_99 : i32
    %while3A_101 = arith.muli %while3A_100, %while3A_99 : i32
    %while3A_102 = arith.addi %get3A_90, %while3A_101 : i32
    %while3A_103 = arith.constant 1 : i32
    scf.for %while3A_105 = %get3A_90 to %while3A_102 step %while3A_103  : i32 {
      %eq3A_106 = vector.broadcast %while3A_105 : i32 to vector<400x1xi32>
      %eq3A_107 = arith.cmpi eq, %get3A_63, %eq3A_106 : vector<400x1xi32>
      %jit3A = arith.constant 0xFF800000 : f32
      %broadcast_in_dim3A_108 = vector.shape_cast %eq3A_107 : vector<400x1xi1> to vector<400x1xi1>
      %broadcast_in_dim3A_109 = vector.broadcast %broadcast_in_dim3A_108 : vector<400x1xi1> to vector<400x256xi1>
      %broadcast_in_dim3A_110 = vector.broadcast %jit3A : f32 to vector<400x256xf32>
      %select_n3A = arith.select %broadcast_in_dim3A_109, %max3A_58, %broadcast_in_dim3A_110 : vector<400x256xi1>, vector<400x256xf32>
      %reduce_max3A = arith.constant dense<0xFF800000> : vector<256xf32>
      %reduce_max3A_111 = vector.multi_reduction <maximumf>, %select_n3A, %reduce_max3A [0] : vector<400x256xf32> to vector<256xf32>
      %broadcast_in_dim3A_112 = vector.shape_cast %reduce_max3A_111 : vector<256xf32> to vector<1x256xf32>
      %get3A_113 = arith.index_cast %while3A_105 : i32 to index
      %get3A_114 = arith.constant 0 : index
      %get3A_115 = vector.load %arg10[%get3A_113, %get3A_114] : memref<64x256xf32, #tpu.memory_space<vmem>>, vector<1x256xf32>
      %max3A_116 = arith.maximumf %get3A_115, %broadcast_in_dim3A_112 : vector<1x256xf32>
      %swap3A_117 = arith.index_cast %while3A_105 : i32 to index
      %swap3A_118 = arith.constant 0 : index
      %swap3A_119 = vector.load %arg10[%swap3A_117, %swap3A_118] : memref<64x256xf32, #tpu.memory_space<vmem>>, vector<1x256xf32>
      tpu.vector_store %arg10[%swap3A_117, %swap3A_118], %max3A_116 {strides = array<i32>} : memref<64x256xf32, #tpu.memory_space<vmem>>, vector<1x256xf32>,
    }
    %while3A_104 = arith.constant 1 : i32
    scf.for %while3A_105 = %while3A_102 to %while3A_98 step %while3A_104  : i32 {
      %eq3A_106 = vector.broadcast %while3A_105 : i32 to vector<400x1xi32>
      %eq3A_107 = arith.cmpi eq, %get3A_63, %eq3A_106 : vector<400x1xi32>
      %jit3A = arith.constant 0xFF800000 : f32
      %broadcast_in_dim3A_108 = vector.shape_cast %eq3A_107 : vector<400x1xi1> to vector<400x1xi1>
      %broadcast_in_dim3A_109 = vector.broadcast %broadcast_in_dim3A_108 : vector<400x1xi1> to vector<400x256xi1>
      %broadcast_in_dim3A_110 = vector.broadcast %jit3A : f32 to vector<400x256xf32>
      %select_n3A = arith.select %broadcast_in_dim3A_109, %max3A_58, %broadcast_in_dim3A_110 : vector<400x256xi1>, vector<400x256xf32>
      %reduce_max3A = arith.constant dense<0xFF800000> : vector<256xf32>
      %reduce_max3A_111 = vector.multi_reduction <maximumf>, %select_n3A, %reduce_max3A [0] : vector<400x256xf32> to vector<256xf32>
      %broadcast_in_dim3A_112 = vector.shape_cast %reduce_max3A_111 : vector<256xf32> to vector<1x256xf32>
      %get3A_113 = arith.index_cast %while3A_105 : i32 to index
      %get3A_114 = arith.constant 0 : index
      %get3A_115 = vector.load %arg10[%get3A_113, %get3A_114] : memref<64x256xf32, #tpu.memory_space<vmem>>, vector<1x256xf32>
      %max3A_116 = arith.maximumf %get3A_115, %broadcast_in_dim3A_112 : vector<1x256xf32>
      %swap3A_117 = arith.index_cast %while3A_105 : i32 to index
      %swap3A_118 = arith.constant 0 : index
      %swap3A_119 = vector.load %arg10[%swap3A_117, %swap3A_118] : memref<64x256xf32, #tpu.memory_space<vmem>>, vector<1x256xf32>
      tpu.vector_store %arg10[%swap3A_117, %swap3A_118], %max3A_116 {strides = array<i32>} : memref<64x256xf32, #tpu.memory_space<vmem>>, vector<1x256xf32>,
    }
    return
  }
  func.func @transform_0(%arg0: i32) -> (i32, i32, i32) {
    %c0_i32 = arith.constant 0 : i32
    %c0_i32_0 = arith.constant 0 : i32
    %c0_i32_1 = arith.constant 0 : i32
    return %c0_i32, %arg0, %c0_i32_0 : i32, i32, i32
  }
  func.func @transform_1(%arg0: i32) -> (i32, i32) {
    %c0_i32 = arith.constant 0 : i32
    %c0_i32_0 = arith.constant 0 : i32
    return %arg0, %c0_i32 : i32, i32
  }
  func.func @transform_2(%arg0: i32) -> (i32, i32) {
    %c0_i32 = arith.constant 0 : i32
    %c0_i32_0 = arith.constant 0 : i32
    return %arg0, %c0_i32 : i32, i32
  }
  func.func @transform_3(%arg0: i32) -> (i32, i32) {
    %c0_i32 = arith.constant 0 : i32
    %c0_i32_0 = arith.constant 0 : i32
    %c0_i32_1 = arith.constant 0 : i32
    return %c0_i32, %c0_i32_0 : i32, i32
  }
  func.func @transform_4(%arg0: i32) -> i32 {
    %c0_i32 = arith.constant 0 : i32
    %c0_i32_0 = arith.constant 0 : i32
    return %c0_i32 : i32
  }
  func.func @transform_5(%arg0: i32) -> i32 {
    %c0_i32 = arith.constant 0 : i32
    %c0_i32_0 = arith.constant 0 : i32
    return %c0_i32 : i32
  }
  func.func @transform_6(%arg0: i32) -> i32 {
    %c0_i32 = arith.constant 0 : i32
    %c0_i32_0 = arith.constant 0 : i32
    return %c0_i32 : i32
  }
  func.func @transform_7(%arg0: i32) -> (i32, i32) {
    %c0_i32 = arith.constant 0 : i32
    %c0_i32_0 = arith.constant 0 : i32
    return %arg0, %c0_i32 : i32, i32
  }
  func.func @transform_8(%arg0: i32) -> (i32, i32) {
    %c0_i32 = arith.constant 0 : i32
    %c0_i32_0 = arith.constant 0 : i32
    %c0_i32_1 = arith.constant 0 : i32
    return %c0_i32, %c0_i32_0 : i32, i32
  }
  func.func @transform_9(%arg0: i32) -> (i32, i32) {
    %c0_i32 = arith.constant 0 : i32
    %c0_i32_0 = arith.constant 0 : i32
    %c0_i32_1 = arith.constant 0 : i32
    return %c0_i32, %c0_i32_0 : i32, i32
  }
  func.func @transform_10(%arg0: i32) -> (i32, i32) {
    %c0_i32 = arith.constant 0 : i32
    %c0_i32_0 = arith.constant 0 : i32
    %c0_i32_1 = arith.constant 0 : i32
    return %c0_i32, %c0_i32_0 : i32, i32
  }
}

module attributes {stable_mosaic.version = 14 : i64} {
  func.func @body(%arg0: memref<4x64x256xf32, #tpu.memory_space<vmem>>, %arg1: memref<4x64x256xf32, #tpu.memory_space<vmem>>, %arg2: memref<64x1xf32, #tpu.memory_space<vmem>>, %arg3: memref<512x256xf32, #tpu.memory_space<vmem>>, %arg4: memref<256xf32, #tpu.memory_space<vmem>>, %arg5: memref<256x128xf32, #tpu.memory_space<vmem>>, %arg6: memref<128xf32, #tpu.memory_space<vmem>>, %arg7: memref<128x128xf32, #tpu.memory_space<vmem>>, %arg8: memref<128xf32, #tpu.memory_space<vmem>>, %arg9: memref<64x128xf32, #tpu.memory_space<vmem>>) attributes {dimension_semantics = [], scalar_prefetch = 0 : i64, scratch_operands = 0 : i64, tpu.core_type = #tpu.core_type<tc>} {
    %get3A = arith.constant 0 : index
    %get3A_0 = arith.constant 0 : index
    %get3A_1 = arith.constant 0 : index
    %get3A_2 = vector.load %arg1[%get3A, %get3A_0, %get3A_1] : memref<4x64x256xf32, #tpu.memory_space<vmem>>, vector<1x64x256xf32>
    %get3A_3 = vector.shape_cast %get3A_2 : vector<1x64x256xf32> to vector<64x256xf32>
    %get3A_4 = arith.constant 1 : index
    %get3A_5 = arith.constant 0 : index
    %get3A_6 = arith.constant 0 : index
    %get3A_7 = vector.load %arg1[%get3A_4, %get3A_5, %get3A_6] : memref<4x64x256xf32, #tpu.memory_space<vmem>>, vector<1x64x256xf32>
    %get3A_8 = vector.shape_cast %get3A_7 : vector<1x64x256xf32> to vector<64x256xf32>
    %add3A = arith.addf %get3A_3, %get3A_8 : vector<64x256xf32>
    %get3A_9 = arith.constant 2 : index
    %get3A_10 = arith.constant 0 : index
    %get3A_11 = arith.constant 0 : index
    %get3A_12 = vector.load %arg1[%get3A_9, %get3A_10, %get3A_11] : memref<4x64x256xf32, #tpu.memory_space<vmem>>, vector<1x64x256xf32>
    %get3A_13 = vector.shape_cast %get3A_12 : vector<1x64x256xf32> to vector<64x256xf32>
    %add3A_14 = arith.addf %add3A, %get3A_13 : vector<64x256xf32>
    %get3A_15 = arith.constant 3 : index
    %get3A_16 = arith.constant 0 : index
    %get3A_17 = arith.constant 0 : index
    %get3A_18 = vector.load %arg1[%get3A_15, %get3A_16, %get3A_17] : memref<4x64x256xf32, #tpu.memory_space<vmem>>, vector<1x64x256xf32>
    %get3A_19 = vector.shape_cast %get3A_18 : vector<1x64x256xf32> to vector<64x256xf32>
    %add3A_20 = arith.addf %add3A_14, %get3A_19 : vector<64x256xf32>
    %get3A_21 = arith.constant 0 : index
    %get3A_22 = arith.constant 0 : index
    %get3A_23 = arith.constant 0 : index
    %get3A_24 = vector.load %arg0[%get3A_21, %get3A_22, %get3A_23] : memref<4x64x256xf32, #tpu.memory_space<vmem>>, vector<1x64x256xf32>
    %get3A_25 = vector.shape_cast %get3A_24 : vector<1x64x256xf32> to vector<64x256xf32>
    %get3A_26 = arith.constant 1 : index
    %get3A_27 = arith.constant 0 : index
    %get3A_28 = arith.constant 0 : index
    %get3A_29 = vector.load %arg0[%get3A_26, %get3A_27, %get3A_28] : memref<4x64x256xf32, #tpu.memory_space<vmem>>, vector<1x64x256xf32>
    %get3A_30 = vector.shape_cast %get3A_29 : vector<1x64x256xf32> to vector<64x256xf32>
    %add3A_31 = arith.addf %get3A_25, %get3A_30 : vector<64x256xf32>
    %get3A_32 = arith.constant 2 : index
    %get3A_33 = arith.constant 0 : index
    %get3A_34 = arith.constant 0 : index
    %get3A_35 = vector.load %arg0[%get3A_32, %get3A_33, %get3A_34] : memref<4x64x256xf32, #tpu.memory_space<vmem>>, vector<1x64x256xf32>
    %get3A_36 = vector.shape_cast %get3A_35 : vector<1x64x256xf32> to vector<64x256xf32>
    %add3A_37 = arith.addf %add3A_31, %get3A_36 : vector<64x256xf32>
    %get3A_38 = arith.constant 3 : index
    %get3A_39 = arith.constant 0 : index
    %get3A_40 = arith.constant 0 : index
    %get3A_41 = vector.load %arg0[%get3A_38, %get3A_39, %get3A_40] : memref<4x64x256xf32, #tpu.memory_space<vmem>>, vector<1x64x256xf32>
    %get3A_42 = vector.shape_cast %get3A_41 : vector<1x64x256xf32> to vector<64x256xf32>
    %add3A_43 = arith.addf %add3A_37, %get3A_42 : vector<64x256xf32>
    %get3A_44 = arith.constant 0 : index
    %get3A_45 = arith.constant 0 : index
    %get3A_46 = vector.load %arg2[%get3A_44, %get3A_45] : memref<64x1xf32, #tpu.memory_space<vmem>>, vector<64x1xf32>
    %max3A = arith.constant 1.000000e+00 : f32
    %max3A_47 = vector.broadcast %max3A : f32 to vector<64x1xf32>
    %max3A_48 = arith.maximumf %get3A_46, %max3A_47 : vector<64x1xf32>
    %div3A = vector.broadcast %max3A_48 : vector<64x1xf32> to vector<64x256xf32>
    %div3A_49 = arith.divf %add3A_43, %div3A : vector<64x256xf32>
    %get3A_50 = arith.constant 0 : index
    %get3A_51 = arith.constant 0 : index
    %get3A_52 = vector.load %arg3[%get3A_50, %get3A_51] : memref<512x256xf32, #tpu.memory_space<vmem>>, vector<256x256xf32>
    %dot_general3A = arith.constant dense<0.000000e+00> : vector<64x256xf32>
    %dot_general3A_53 = tpu.matmul %add3A_20, %get3A_52, %dot_general3A {dimension_numbers = #tpu.dot_dimension_numbers<[1], [0], [0], [1], [0, 0, 1, 1], [], []>, transpose_lhs_hint = false} : vector<64x256xf32>, vector<256x256xf32>, vector<64x256xf32> -> vector<64x256xf32>
    %get3A_54 = arith.constant 256 : index
    %get3A_55 = arith.constant 0 : index
    %get3A_56 = vector.load %arg3[%get3A_54, %get3A_55] : memref<512x256xf32, #tpu.memory_space<vmem>>, vector<256x256xf32>
    %dot_general3A_57 = arith.constant dense<0.000000e+00> : vector<64x256xf32>
    %dot_general3A_58 = tpu.matmul %div3A_49, %get3A_56, %dot_general3A_57 {dimension_numbers = #tpu.dot_dimension_numbers<[1], [0], [0], [1], [0, 0, 1, 1], [], []>, transpose_lhs_hint = false} : vector<64x256xf32>, vector<256x256xf32>, vector<64x256xf32> -> vector<64x256xf32>
    %add3A_59 = arith.addf %dot_general3A_53, %dot_general3A_58 : vector<64x256xf32>
    %get3A_60 = arith.constant 0 : index
    %get3A_61 = vector.load %arg4[%get3A_60] : memref<256xf32, #tpu.memory_space<vmem>>, vector<256xf32>
    %broadcast_in_dim3A = vector.shape_cast %get3A_61 : vector<256xf32> to vector<1x256xf32>
    %add3A_62 = vector.broadcast %broadcast_in_dim3A : vector<1x256xf32> to vector<64x256xf32>
    %add3A_63 = arith.addf %add3A_59, %add3A_62 : vector<64x256xf32>
    %max3A_64 = arith.constant 0.000000e+00 : f32
    %max3A_65 = vector.broadcast %max3A_64 : f32 to vector<64x256xf32>
    %max3A_66 = arith.maximumf %add3A_63, %max3A_65 : vector<64x256xf32>
    %get3A_67 = arith.constant 0 : index
    %get3A_68 = arith.constant 0 : index
    %get3A_69 = vector.load %arg5[%get3A_67, %get3A_68] : memref<256x128xf32, #tpu.memory_space<vmem>>, vector<256x128xf32>
    %dot_general3A_70 = arith.constant dense<0.000000e+00> : vector<64x128xf32>
    %dot_general3A_71 = tpu.matmul %max3A_66, %get3A_69, %dot_general3A_70 {dimension_numbers = #tpu.dot_dimension_numbers<[1], [0], [0], [1], [0, 0, 1, 1], [], []>, transpose_lhs_hint = false} : vector<64x256xf32>, vector<256x128xf32>, vector<64x128xf32> -> vector<64x128xf32>
    %get3A_72 = arith.constant 0 : index
    %get3A_73 = vector.load %arg6[%get3A_72] : memref<128xf32, #tpu.memory_space<vmem>>, vector<128xf32>
    %broadcast_in_dim3A_74 = vector.shape_cast %get3A_73 : vector<128xf32> to vector<1x128xf32>
    %add3A_75 = vector.broadcast %broadcast_in_dim3A_74 : vector<1x128xf32> to vector<64x128xf32>
    %add3A_76 = arith.addf %dot_general3A_71, %add3A_75 : vector<64x128xf32>
    %max3A_77 = arith.constant 0.000000e+00 : f32
    %max3A_78 = vector.broadcast %max3A_77 : f32 to vector<64x128xf32>
    %max3A_79 = arith.maximumf %add3A_76, %max3A_78 : vector<64x128xf32>
    %get3A_80 = arith.constant 0 : index
    %get3A_81 = arith.constant 0 : index
    %get3A_82 = vector.load %arg7[%get3A_80, %get3A_81] : memref<128x128xf32, #tpu.memory_space<vmem>>, vector<128x128xf32>
    %dot_general3A_83 = arith.constant dense<0.000000e+00> : vector<64x128xf32>
    %dot_general3A_84 = tpu.matmul %max3A_79, %get3A_82, %dot_general3A_83 {dimension_numbers = #tpu.dot_dimension_numbers<[1], [0], [0], [1], [0, 0, 1, 1], [], []>, transpose_lhs_hint = false} : vector<64x128xf32>, vector<128x128xf32>, vector<64x128xf32> -> vector<64x128xf32>
    %get3A_85 = arith.constant 0 : index
    %get3A_86 = vector.load %arg8[%get3A_85] : memref<128xf32, #tpu.memory_space<vmem>>, vector<128xf32>
    %broadcast_in_dim3A_87 = vector.shape_cast %get3A_86 : vector<128xf32> to vector<1x128xf32>
    %add3A_88 = vector.broadcast %broadcast_in_dim3A_87 : vector<1x128xf32> to vector<64x128xf32>
    %add3A_89 = arith.addf %dot_general3A_84, %add3A_88 : vector<64x128xf32>
    %swap3A = arith.constant 0 : index
    %swap3A_90 = arith.constant 0 : index
    %swap3A_91 = vector.load %arg9[%swap3A, %swap3A_90] : memref<64x128xf32, #tpu.memory_space<vmem>>, vector<64x128xf32>
    tpu.vector_store %arg9[%swap3A, %swap3A_90], %add3A_89 {strides = array<i32>} : memref<64x128xf32, #tpu.memory_space<vmem>>, vector<64x128xf32>,
    return
  }
}

</mosaic_0001>

<sc_bundles>
// kernel: kernel.17.cloned.1.call-start
scs
__scs_entry_jumppad:
0x0: {  	(pc) =	sbr.rel $0x88, $3  }
0x1: {  	(tag) =	ssettag $0x0;
	lr =	simm.s32 $0x1  }
0x2: {  	[smem:$0x3F88] =	sst lr;
	_ =	strace $0xD0000000  }
0x3: {  	_ = 	snop  }
0x4: {  	_ = 	snop  }
0x5: {  	_ = 	snop  }
0x6: {  	_ = 	snop  }
0x7: {  	_ = 	snop  }
__scs_overlays_trampoline_lowered:
0x8: {  	[smem:$0x3F97] =	sst s0  }
0x9: {  	[smem:$0x3F98] =	sst s1  }
0xa: {  	[smem:$0x3F99] =	sst s2  }
0xb: {  	[smem:$0x3F9A] =	sst s3  }
0xc: {  	[smem:$0x3F9B] =	sst s4  }
0xd: {  	[smem:$0x3F9C] =	sst s5  }
0xe: {  	[smem:$0x3F9D] =	sst s6  }
0xf: {  	[smem:$0x3F9E] =	sst s7  }
0x10: {  	[smem:$0x3F9F] =	sst s8  }
0x11: {  	[smem:$0x3FA0] =	sst s9;
	s0 =	simm.s32 @!p0 $0x0  }
0x12: {  	s1 =	sld [smem:$0x3F86];
	s0 =	simm.s32 @p0 $0x1  }
0x13: {  	[smem:$0x3FA1] =	sst s0;
	s0 =	simm.s32 @!p1 $0x0  }
0x14: {  	s2 =	sld [smem:$0x3F85];
	s0 =	simm.s32 @p1 $0x1  }
0x15: {  	[smem:$0x3FA2] =	sst s0;
	s0 =	simm.s32 @!p2 $0x0  }
0x16: {  	s3 =	sld [smem:$0x3FDB];
	s0 =	simm.s32 @p2 $0x1  }
0x17: {  	s4 =	simm.s32 $0x1BF5;
	[smem:$0x3FA4] =	sst s0  }
0x18: {  	s0 =	sld [smem:$0x3F87];
	_ =	swait.ge [sflag:s4], $0x0  }
0x19: {  	s7 =	sld [smem:$0x3F88]  }
0x1a: {  	s8 =	sadd.s32 $0xFFFFE003, lr  }
0x1b: {  	s9 =	sadd.s32 $0xFFFFFEF7, lr;
	s5 =	simm.s32 $0xFFFFFFFF;
	p2 =	slt.u32 s8, $0xFFFFF086  }
0x1c: {  	p1 =	slt.u32 s9, $0xF7A;
	s5 =	simm.s32 @!p2 $0x0  }
0x1d: {  	s5 =	simm.s32 @p1 $0x1;
	p0 =	seq.s32 s7, s2  }
0x1e: {  	s7 =	smul.u32 @!p0 $0xF7A, s2;
	p2 =	seq.s32 @!p0 s5, $0x0  }
0x1f: {  	s9 =	smul.u32 $0xF7A, s1;
	s8 =	simm.s32 @!p0 $0x1BF5;
	p2 =	por !p2, p0  }
0x20: {  	[sflag:s8] =	ssyncset.s32 @!p0 $0xFFFFF086;
	s6 =	sadd.s32 @!p0 s3, s7;
	s7 =	simm.s32 @!p0 $0x108  }
0x21: {  	s3 =	sadd.s32 s3, s9;
	s6 =	sadd.s32 @!p0 $0x88, s6;
	s7 =	simm.s32 @p2 $0x1082  }
0x22: {  	[simem:s7], [sflag:s8] =	dma.local @!p0 [hbm:s6], $0xF7A  }
0x23: {  	s9 =	sor.u32 $0xD0000000, s2;
	s6 =	simm.s32 $0x108;
	_ =	swait.ge @!p0 [sflag:s8], $0x0  }
0x24: {  	s3 =	sadd.s32 $0x88, s3;
	s6 =	simm.s32 @!p1 $0x1082;
	[sflag:s4] =	ssyncset.s32 $0xFFFFF086  }
0x25: {  	[simem:s6], [sflag:s4] =	dma.local [hbm:s3], $0xF7A  }
0x26: {  	[smem:$0x3F88] =	sst s1;
	(tag) =	ssettag s2;
	_ =	strace s9  }
0x27: {  	s1 =	sld [smem:$0x3F98]  }
0x28: {  	s2 =	sld [smem:$0x3F99]  }
0x29: {  	s4 =	sld [smem:$0x3F9B]  }
0x2a: {  	p0 =	seq.s32 s5, $0x0;
	s5 =	sld [smem:$0x3F9C]  }
0x2b: {  	s6 =	sld [smem:$0x3F9D]  }
0x2c: {  	s7 =	sld [smem:$0x3F9E]  }
0x2d: {  	s3 =	simm.s32 $0x108;
	s8 =	sld [smem:$0x3F9F]  }
0x2e: {  	s3 =	simm.s32 @!p0 $0x1082;
	s9 =	sld [smem:$0x3FA0]  }
0x2f: {  	lr =	sadd.s32 s0, s3;
	s0 =	sld [smem:$0x3F97]  }
0x30: {  	s3 =	sld [smem:$0x3F9A]  }
0x31: {  	[smem:$0x3FA3] =	sst s10  }
0x32: {  	s10 =	sld [smem:$0x3FA1];
	_ =	sdelay $0x3  }
0x33: {  	p0 =	seq.s32 s10, $0x1;
	s10 =	sld [smem:$0x3FA3];
	_ =	sdelay $0x3  }
0x34: {  	[smem:$0x3FA3] =	sst s10  }
0x35: {  	s10 =	sld [smem:$0x3FA2];
	_ =	sdelay $0x3  }
0x36: {  	p1 =	seq.s32 s10, $0x1;
	s10 =	sld [smem:$0x3FA3];
	_ =	sdelay $0x3  }
0x37: {  	[smem:$0x3FA3] =	sst s10  }
0x38: {  	s10 =	sld [smem:$0x3FA4]  }
0x39: {  	_ = 	snop;
	(pc) =	sbr.ind lr, $3  }
0x3a: {  	_ = 	snop  }
0x3b: {  	_ = 	snop  }
0x3c: {  	p2 =	seq.s32 s10, $0x1;
	s10 =	sld [smem:$0x3FA3]  }
0x3d: {  	_ =	shalt  }
0x3e: {  	_ =	shalt  }
0x3f: {  	_ =	shalt  }
0x40: {  	_ =	shalt  }
0x41: {  	_ =	shalt  }
0x42: {  	_ =	shalt  }
0x43: {  	_ =	shalt  }
0x44: {  	_ =	shalt  }
0x45: {  	_ =	shalt  }
0x46: {  	_ =	shalt  }
0x47: {  	_ =	shalt  }
0x48: {  	_ =	shalt  }
0x49: {  	_ =	shalt  }
0x4a: {  	_ =	shalt  }
0x4b: {  	_ =	shalt  }
0x4c: {  	_ =	shalt  }
0x4d: {  	_ =	shalt  }
0x4e: {  	_ =	shalt  }
0x4f: {  	_ =	shalt  }
0x50: {  	_ =	shalt  }
0x51: {  	_ =	shalt  }
0x52: {  	_ =	shalt  }
0x53: {  	_ =	shalt  }
0x54: {  	_ =	shalt  }
0x55: {  	_ =	shalt  }
0x56: {  	_ =	shalt  }
0x57: {  	_ =	shalt  }
0x58: {  	_ =	shalt  }
0x59: {  	_ =	shalt  }
0x5a: {  	_ =	shalt  }
0x5b: {  	_ =	shalt  }
0x5c: {  	_ =	shalt  }
0x5d: {  	_ =	shalt  }
0x5e: {  	_ =	shalt  }
0x5f: {  	_ =	shalt  }
0x60: {  	_ =	shalt  }
0x61: {  	_ =	shalt  }
0x62: {  	_ =	shalt  }
0x63: {  	_ =	shalt  }
0x64: {  	_ =	shalt  }
0x65: {  	_ =	shalt  }
0x66: {  	_ =	shalt  }
0x67: {  	_ =	shalt  }
0x68: {  	_ =	shalt  }
0x69: {  	_ =	shalt  }
0x6a: {  	_ =	shalt  }
0x6b: {  	_ =	shalt  }
0x6c: {  	_ =	shalt  }
0x6d: {  	_ =	shalt  }
0x6e: {  	_ =	shalt  }
0x6f: {  	_ =	shalt  }
0x70: {  	_ =	shalt  }
0x71: {  	_ =	shalt  }
0x72: {  	_ =	shalt  }
0x73: {  	_ =	shalt  }
0x74: {  	_ =	shalt  }
0x75: {  	_ =	shalt  }
0x76: {  	_ =	shalt  }
0x77: {  	_ =	shalt  }
0x78: {  	_ =	shalt  }
0x79: {  	_ =	shalt  }
0x7a: {  	_ =	shalt  }
0x7b: {  	_ =	shalt  }
0x7c: {  	_ =	shalt  }
0x7d: {  	_ =	shalt  }
0x7e: {  	_ =	shalt  }
0x7f: {  	_ =	shalt  }
0x80: {  	_ =	shalt  }
0x81: {  	_ =	shalt  }
0x82: {  	_ =	shalt  }
0x83: {  	_ =	shalt  }
0x84: {  	_ =	shalt  }
0x85: {  	_ =	shalt  }
0x86: {  	_ =	shalt  }
0x87: {  	_ =	shalt  }
.Lfunc_end0:
.L_simem_size_0:
called_computation_lowered:
.L_overlay_start_0:
0x88: {  	s2 =	sld [smem:$0x3FD9]  }
0x89: {  	s3 =	sld [smem:$0x3FFE];
	_ =	sdelay $0x1  }
0x8a: {  	s1 =	srdreg.scid  }
0x8b: {  	s0 =	sand.u32 $0x1, s1  }
0x8c: {  	s16 =	sshll.u32 s0, $0xA;
	s2 =	sadd.s32 s3, s2  }
0x8d: {  	s2 =	sadd.s32 s2, s16  }
0x8e: {  	[smem:$0x3FAF] =	sst s2  }
0x8f: {  	_ = 	snop  }
0x90: {  	(tm) =	ssettm $0x1  }
0x91: {  	s17 =	sld [smem:$0x3FFB];
	_ =	sdelay $0x3  }
0x92: {  	_ =	strace s17  }
0x93: {  	s2 =	sld [smem:$0x3FFC];
	_ =	sdelay $0x3  }
0x94: {  	_ =	strace s2  }
0x95: {  	s2 =	sld [smem:$0x3FFD];
	_ =	sdelay $0x3  }
0x96: {  	_ =	strace s2  }
0x97: {  	_ =	strace $0x8FFFFFFF  }
0x98: {  	s18 =	sld [smem:$0x3FDB];
	_ =	sdelay $0x1  }
0x99: {  	s19 =	simm.s32 $_scs_section_size  }
0x9a: {  	s4 =	simm.s32 $_size__tile_overlayer_lowered;
	s5 =	simm.s32 $_tile_overlayer_lowered  }
0x9b: {  	s22 =	simm.s32 $0x1BFF;
	s21 =	sshll.u32 s5, $0x1;
	s2 =	sadd.s32 s19, s18  }
0x9c: {  	s6 =	simm.s32 $0x0;
	s20 =	sshll.u32 s4, $0x1;
	s4 =	sadd.s32 s21, s2  }
0x9d: {  	[timem:s6], [sflag:s22] =	dma.local [hbm:s4], s20  }
0x9e: {  	_ =	swait.ge [sflag:s22], s20  }
0x9f: {  	s3 =	ssub.s32 $0x0, s20;
	[sflag:s22] =	ssyncset.done $0x0  }
0xa0: {  	[sflag:s22] =	ssyncadd.s32 s3;
	_ =	sdelay $0x1  }
0xa1: {  	s23 =	simm.s32 $0x1B8B  }
0xa2: {  	_ =	swait.ge [sflag:s23], $0x1  }
0xa3: {  	[sflag:s23] =	ssyncset.done $0x0  }
0xa4: {  	s25 =	simm.s32 $0x1B8E;
	s24 =	sld [smem:$0x3FFE];
	[sflag:s23] =	ssyncadd.s32 $0xFFFFFFFF  }
0xa5: {  	s26 =	simm.s32 $execute0_lowered;
	[smem:$0x3FD2] =	sst s25  }
0xa6: {  	s4 =	sshll.u32 s26, $0x1;
	_ =	strace $0x80000046;
	[dreg:$0x1] =	wrdreg $0xFFFFFFFF  }
0xa7: {  	s28 =	simm.s32 $_size_execute0_lowered;
	s2 =	sadd.s32 s2, s4;
	[dreg:$0x0] =	wrdreg $0x0  }
0xa8: {  	s4 =	sshll.u32 s28, $0x1;
	[dreg:$0x2] =	wrdreg s2  }
0xa9: {  	[dreg:$0x3] =	wrdreg s4  }
0xaa: {  	[dreg:$0x4] =	wrdreg $0xC0  }
0xab: {  	_ =	task [dreg:s6], $0x5FFFF  }
0xac: {  	[dreg:$0x1] =	wrdreg $0xFFFFFFFF  }
0xad: {  	[dreg:$0x0] =	wrdreg $0x60  }
0xae: {  	[dreg:$0x2] =	wrdreg s24  }
0xaf: {  	[dreg:$0x3] =	wrdreg $0x90000  }
0xb0: {  	[dreg:$0x4] =	wrdreg $0x9  }
0xb1: {  	_ =	task.clear_ibuf [dreg:s6], $0x5FFFF;
	_ =	strace $0x90000046  }
0xb2: {  	s29 =	simm.s32 $0x9;
	_ =	strace $0x80000048  }
0xb3: {  	_ =	swait.ge [sflag:s29], $0x1  }
0xb4: {  	[sflag:s29] =	ssyncadd.s32 $0xFFFFFFFF  }
0xb5: {  	_ =	strace $0x90000048  }
0xb6: {  	_ =	sfence  }
0xb7: {  	s30 =	sld [smem:$0x0];
	_ =	sdelay $0x2  }
0xb8: {  	s31 =	sshll.u32 s1, $0xD;
	s1 =	sshrl.u32 s1, $0x2  }
0xb9: {  	s3 =	sand.u32 $0x4000, s31;
	s1 =	sadd.s32 s1, s30  }
0xba: {  	s0 =	sor.u32 s3, s0;
	s1 =	sshll.u32 s1, $0x11  }
0xbb: {  	s0 =	sor.u32 s1, s0  }
0xbc: {  	s0 =	sadd.s32 $0x8F2B, s0  }
0xbd: {  	[sflag:s0] =	ssyncadd.remote.s32 $0x1  }
0xbe: {  	_ =	sfence.sel $0xFFFF  }
0xbf: {  	[dreg:$0x0] =	wrdreg $0xFFFFFFFF;
	(pc) =	sbr.abs _section_cstart, $3  }
0xc0: {  	[dreg:$0x1] =	wrdreg $0xFFFFFFFF  }
0xc1: {  	_ =	task.clear_ibuf [dreg:s6], $0x2FFFF;
	_ =	strace $0x9FFFFFFF  }
0xc2: {  	(tm) =	ssettm $0x7FFFFFFF  }
0xc3: {  	_ =	shalt  }
tec
execute0_lowered:
.L_overlay_start_1:
0x0: {  	(tag) =	ssettag $0x1  }
0x1: {  	s1 =	srdreg.scid  }
0x2: {  	s0 =	stileid.u32;
	s6 =	rddreg [dreg:$0x0]  }
0x3: {  	s2 =	rddreg [dreg:$0x1];
	s3 =	simm.s32 $0x0;
	s7 =	smul.u32 $0x2800, s0  }
0x4: {  	s14 =	simm.s32 $0x80;
	s15 =	simm.s32 $0x5000;
	s10 =	smul.u32 $0x14000, s0  }
0x5: {  	s16 =	simm.s32 $0x1;
	s5 =	sand.u32 $0x1, s1;
	s12 =	smul.u32 $0x50000, s0  }
0x6: {  	s17 =	simm.s32 $0x0;
	s1 =	rddreg [dreg:$0x2];
	s4 =	smul.u32 $0x28000, s5  }
0x7: {  	[smem:$0x7FF] =	sst s3;
	s31 =	sshll.u32 s0, $0x6;
	s8 =	smul.u32 $0x140000, s5  }
0x8: {  	_ =	strace $0x80000047;
	s29 =	ssub.s32 $0x2, s5;
	s5 =	sadd.s32 $0x14600, s6  }
0x9: {  	s11 =	sshrl.u32 s29, $0x1;
	s30 =	sshrl.u32 s12, $0x2;
	s12 =	sor.u32 $0x1C02, s31  }
0xa: {  	s4 =	sadd.s32 s7, s4;
	s7 =	sshrl.u32 s7, $0x3;
	s8 =	sadd.s32 s10, s8  }
0xb: {  	s10 =	ssub.s32 s29, s11;
	s13 =	sadd.s32 s30, s2;
	s11 =	simm.s32 $0x2800  }
0xc: {  	s9 =	sshrl.u32 s4, $0x3;
	s4 =	sadd.s32 $0x16E00, s6;
	s7 =	sadd.s32 s7, s6  }
0xd: {  	s8 =	sshrl.u32 s8, $0x3;
	s13 =	sshrl.u32 s13, $0x3;
	s9 =	sadd.s32 s9, s6  }
0xe: {  	s8 =	sadd.s32 s8, s6;
	s7 =	sadd.s32 $0x5600, s7;
	s6 =	sadd.s32 $0xA600, s9  }
0xf: {  	s8 =	sadd.s32 $0x65000, s8;
	s9 =	smax.u32 s10, $0x1;
	s10 =	simm.s32 $0x2  }
.LBB2_1:
0x10: {  	[tilespmem:s3], [sflag:$0x2] =	stream.linear.gather [hbm4b:s6+s3], $0x2800, $0x38;
	[tilespmem:$0x1D000] =	vst v63  }
0x11: {  	_ =	swait.ge [sflag:s10], $0x2800  }
0x12: {  	[sflag:s10] =	ssyncset.done $0x0  }
0x13: {  	[sflag:s10] =	ssyncadd.s32 $0xFFFFD800  }
0x14: {  	[tilespmem:s11], [sflag:$0x2] =	stream.linear.gather [hbm4b:s7+s3], $0x2800, $0x38;
	[tilespmem:$0x1D000] =	vst v63  }
0x15: {  	_ =	swait.ge [sflag:s10], $0x2800  }
0x16: {  	[sflag:s10] =	ssyncset.done $0x0  }
0x17: {  	[sflag:s10] =	ssyncadd.s32 $0xFFFFD800  }
0x18: {  	[spmem:s13], [sflag:s12] =	dma.local [hbm:s5], $0x2800  }
0x19: {  	_ =	swait.ge [sflag:s10], $0x2800  }
0x1a: {  	[sflag:s10] =	ssyncset.done $0x0  }
0x1b: {  	[sflag:s10] =	ssyncadd.s32 $0xFFFFD800  }
0x1c: {  	s18 =	simm.s32 $0x0;
	[bflag:$0x0] =	sbarrier.arrive $0xFFFF  }
0x1d: {  	[tilespmem:s15], [sflag:$0x1] =	stream.indirect.gather [hbm4b:s4+s14], $0x80, s18, s14, $0xb8;
	[tilespmem:$0x1D000] =	vst v63  }
0x1e: {  	_ =	swait.ge [sflag:s16], $0x4000  }
0x1f: {  	[sflag:s16] =	ssyncset.done $0x0  }
0x20: {  	s31 =	simm.s32 $0x2800;
	[sflag:s16] =	ssyncadd.s32 $0xFFFFC000  }
0x21: {  	[spmem:s2] =	stream.indirect.scatter.add.f32 [tilespmem:s15], [sflag:$0x2], $0x80, s31, s14, $0xb8;
	[tilespmem:$0x1D000] =	vst v63  }
0x22: {  	_ =	swait.ge [sflag:s10], $0x4000  }
0x23: {  	s19 =	simm.s32 $0x400;
	s18 =	simm.s32 $0x200;
	[sflag:s10] =	ssyncset.done $0x0  }
.LBB2_2:
0x24: {  	s20 =	sshra.s32 s18, $0x2  }
0x25: {  	[sflag:s10] =	ssyncadd.s32 $0xFFFFC000;
	s18 =	smov.u32 s19;
	s21 =	sadd.s32 $0x200, s19  }
0x26: {  	[tilespmem:s15], [sflag:$0x1] =	stream.indirect.gather [hbm4b:s4+s14], $0x80, s20, s14, $0xb8;
	[tilespmem:$0x1D000] =	vst v63  }
0x27: {  	p0 =	sne.s32 s19, $0x9E00;
	_ =	swait.ge [sflag:s16], $0x4000  }
.Ltmp0:
0x28: {  	[sflag:s16] =	ssyncset.done $0x0;
	(pc) =	sbr.rel @p0 .LBB2_2-.Ltmp0, $4  }
0x29: {  	s19 =	sadd.s32 $0x2800, s20;
	[sflag:s16] =	ssyncadd.s32 $0xFFFFC000  }
0x2a: {  	[spmem:s2] =	stream.indirect.scatter.add.f32 [tilespmem:s15], [sflag:$0x2], $0x80, s19, s14, $0xb8;
	[tilespmem:$0x1D000] =	vst v63  }
0x2b: {  	_ =	swait.ge [sflag:s10], $0x4000  }
0x2c: {  	s19 =	smov.u32 s21;
	[sflag:s10] =	ssyncset.done $0x0  }
0x2d: {  	s18 =	sshra.s32 s18, $0x2;
	[sflag:s10] =	ssyncadd.s32 $0xFFFFC000  }
0x2e: {  	[tilespmem:s15], [sflag:$0x1] =	stream.indirect.gather [hbm4b:s4+s14], $0x80, s18, s14, $0xb8;
	[tilespmem:$0x1D000] =	vst v63  }
0x2f: {  	_ =	swait.ge [sflag:s16], $0x4000  }
0x30: {  	[sflag:s16] =	ssyncset.done $0x0  }
0x31: {  	s18 =	sadd.s32 $0x2800, s18;
	[sflag:s16] =	ssyncadd.s32 $0xFFFFC000  }
0x32: {  	[spmem:s2] =	stream.indirect.scatter.add.f32 [tilespmem:s15], [sflag:$0x2], $0x80, s18, s14, $0xb8;
	[tilespmem:$0x1D000] =	vst v63  }
0x33: {  	_ =	swait.ge [sflag:s10], $0x4000  }
0x34: {  	s17 =	sadd.s32 $0x1, s17;
	[sflag:s10] =	ssyncset.done $0x0  }
0x35: {  	p0 =	sne.s32 s17, s9;
	[sflag:s10] =	ssyncadd.s32 $0xFFFFC000  }
.Ltmp1:
0x36: {  	[bflag:$0x0] =	sbarrier.arrive $0xFFFF;
	(pc) =	sbr.rel @p0 .LBB2_1-.Ltmp1, $4  }
0x37: {  	[hbm:s8], [sflag:s12] =	dma.local [spmem:s13], $0x2800  }
0x38: {  	_ =	swait.ge [sflag:s10], $0x2800  }
0x39: {  	[sflag:s10] =	ssyncset.done $0x0  }
0x3a: {  	[sflag:s10] =	ssyncadd.s32 $0xFFFFD800  }
0x3b: {  	_ =	sfence.sel $0x180000  }
0x3c: {  	[bflag:$0x0] =	sbarrier.arrive $0xFFFF  }
0x3d: {  	p0 =	sne.s32 s0, $0x0;
	_ =	strace $0x90000047  }
0x3e: {  	s0 =	sadd.s32 @!p0 $0x100000, s1;
	[bflag:$0x2] =	sbarrier.arrive $0xFFFF  }
0x3f: {  	[sflag:s0] =	ssyncadd.tile.s32 @!p0 $0x1;
	_ =	shalt  }
.Lfunc_end2:
_tile_overlayer_lowered:
.L_overlay_start_2:
0x40: {  	(tag) =	ssettag $0x2  }
0x41: {  	s0 =	rddreg [dreg:$0x0];
	s2 =	stileid.u32  }
0x42: {  	s1 =	rddreg [dreg:$0x1];
	p0 =	sne.s32 s2, $0x0  }
0x43: {  	s3 =	rddreg [dreg:$0x2];
	[bflag:$0x3] =	sbarrier.arrive $0xFFFF;
	s2 =	simm.s32 @!p0 $0x1C02  }
0x44: {  	[timem:s3], [sflag:s2] =	dma.local @!p0 [hbm:s0], s1  }
0x45: {  	s0 =	simm.s32 @!p0 $0x2  }
0x46: {  	_ =	swait.ge @!p0 [sflag:s0], s1  }
0x47: {  	s1 =	ssub.s32 @!p0 $0x0, s1;
	[sflag:s0] =	ssyncset.done @!p0 $0x0  }
0x48: {  	[sflag:s0] =	ssyncadd.s32 @!p0 s1  }
0x49: {  	[bflag:$0x3] =	sbarrier.arrive $0xFFFF  }
0x4a: {  	_ =	shalt  }

// kernel: kernel.20.cloned.1.call-start
scs
__scs_entry_jumppad:
0x0: {  	(pc) =	sbr.rel $0x88, $3  }
0x1: {  	(tag) =	ssettag $0x0;
	lr =	simm.s32 $0x1  }
0x2: {  	[smem:$0x3F88] =	sst lr;
	_ =	strace $0xD0000000  }
0x3: {  	_ = 	snop  }
0x4: {  	_ = 	snop  }
0x5: {  	_ = 	snop  }
0x6: {  	_ = 	snop  }
0x7: {  	_ = 	snop  }
__scs_overlays_trampoline_lowered:
0x8: {  	[smem:$0x3F97] =	sst s0  }
0x9: {  	[smem:$0x3F98] =	sst s1  }
0xa: {  	[smem:$0x3F99] =	sst s2  }
0xb: {  	[smem:$0x3F9A] =	sst s3  }
0xc: {  	[smem:$0x3F9B] =	sst s4  }
0xd: {  	[smem:$0x3F9C] =	sst s5  }
0xe: {  	[smem:$0x3F9D] =	sst s6  }
0xf: {  	[smem:$0x3F9E] =	sst s7  }
0x10: {  	[smem:$0x3F9F] =	sst s8  }
0x11: {  	[smem:$0x3FA0] =	sst s9;
	s0 =	simm.s32 @!p0 $0x0  }
0x12: {  	s1 =	sld [smem:$0x3F86];
	s0 =	simm.s32 @p0 $0x1  }
0x13: {  	[smem:$0x3FA1] =	sst s0;
	s0 =	simm.s32 @!p1 $0x0  }
0x14: {  	s2 =	sld [smem:$0x3F85];
	s0 =	simm.s32 @p1 $0x1  }
0x15: {  	[smem:$0x3FA2] =	sst s0;
	s0 =	simm.s32 @!p2 $0x0  }
0x16: {  	s3 =	sld [smem:$0x3FDB];
	s0 =	simm.s32 @p2 $0x1  }
0x17: {  	s4 =	simm.s32 $0x1BF5;
	[smem:$0x3FA4] =	sst s0  }
0x18: {  	s0 =	sld [smem:$0x3F87];
	_ =	swait.ge [sflag:s4], $0x0  }
0x19: {  	s7 =	sld [smem:$0x3F88]  }
0x1a: {  	s8 =	sadd.s32 $0xFFFFE003, lr  }
0x1b: {  	s9 =	sadd.s32 $0xFFFFFEF7, lr;
	s5 =	simm.s32 $0xFFFFFFFF;
	p2 =	slt.u32 s8, $0xFFFFF086  }
0x1c: {  	p1 =	slt.u32 s9, $0xF7A;
	s5 =	simm.s32 @!p2 $0x0  }
0x1d: {  	s5 =	simm.s32 @p1 $0x1;
	p0 =	seq.s32 s7, s2  }
0x1e: {  	s7 =	smul.u32 @!p0 $0xF7A, s2;
	p2 =	seq.s32 @!p0 s5, $0x0  }
0x1f: {  	s9 =	smul.u32 $0xF7A, s1;
	s8 =	simm.s32 @!p0 $0x1BF5;
	p2 =	por !p2, p0  }
0x20: {  	[sflag:s8] =	ssyncset.s32 @!p0 $0xFFFFF086;
	s6 =	sadd.s32 @!p0 s3, s7;
	s7 =	simm.s32 @!p0 $0x108  }
0x21: {  	s3 =	sadd.s32 s3, s9;
	s6 =	sadd.s32 @!p0 $0x88, s6;
	s7 =	simm.s32 @p2 $0x1082  }
0x22: {  	[simem:s7], [sflag:s8] =	dma.local @!p0 [hbm:s6], $0xF7A  }
0x23: {  	s9 =	sor.u32 $0xD0000000, s2;
	s6 =	simm.s32 $0x108;
	_ =	swait.ge @!p0 [sflag:s8], $0x0  }
0x24: {  	s3 =	sadd.s32 $0x88, s3;
	s6 =	simm.s32 @!p1 $0x1082;
	[sflag:s4] =	ssyncset.s32 $0xFFFFF086  }
0x25: {  	[simem:s6], [sflag:s4] =	dma.local [hbm:s3], $0xF7A  }
0x26: {  	[smem:$0x3F88] =	sst s1;
	(tag) =	ssettag s2;
	_ =	strace s9  }
0x27: {  	s1 =	sld [smem:$0x3F98]  }
0x28: {  	s2 =	sld [smem:$0x3F99]  }
0x29: {  	s4 =	sld [smem:$0x3F9B]  }
0x2a: {  	p0 =	seq.s32 s5, $0x0;
	s5 =	sld [smem:$0x3F9C]  }
0x2b: {  	s6 =	sld [smem:$0x3F9D]  }
0x2c: {  	s7 =	sld [smem:$0x3F9E]  }
0x2d: {  	s3 =	simm.s32 $0x108;
	s8 =	sld [smem:$0x3F9F]  }
0x2e: {  	s3 =	simm.s32 @!p0 $0x1082;
	s9 =	sld [smem:$0x3FA0]  }
0x2f: {  	lr =	sadd.s32 s0, s3;
	s0 =	sld [smem:$0x3F97]  }
0x30: {  	s3 =	sld [smem:$0x3F9A]  }
0x31: {  	[smem:$0x3FA3] =	sst s10  }
0x32: {  	s10 =	sld [smem:$0x3FA1];
	_ =	sdelay $0x3  }
0x33: {  	p0 =	seq.s32 s10, $0x1;
	s10 =	sld [smem:$0x3FA3];
	_ =	sdelay $0x3  }
0x34: {  	[smem:$0x3FA3] =	sst s10  }
0x35: {  	s10 =	sld [smem:$0x3FA2];
	_ =	sdelay $0x3  }
0x36: {  	p1 =	seq.s32 s10, $0x1;
	s10 =	sld [smem:$0x3FA3];
	_ =	sdelay $0x3  }
0x37: {  	[smem:$0x3FA3] =	sst s10  }
0x38: {  	s10 =	sld [smem:$0x3FA4]  }
0x39: {  	_ = 	snop;
	(pc) =	sbr.ind lr, $3  }
0x3a: {  	_ = 	snop  }
0x3b: {  	_ = 	snop  }
0x3c: {  	p2 =	seq.s32 s10, $0x1;
	s10 =	sld [smem:$0x3FA3]  }
0x3d: {  	_ =	shalt  }
0x3e: {  	_ =	shalt  }
0x3f: {  	_ =	shalt  }
0x40: {  	_ =	shalt  }
0x41: {  	_ =	shalt  }
0x42: {  	_ =	shalt  }
0x43: {  	_ =	shalt  }
0x44: {  	_ =	shalt  }
0x45: {  	_ =	shalt  }
0x46: {  	_ =	shalt  }
0x47: {  	_ =	shalt  }
0x48: {  	_ =	shalt  }
0x49: {  	_ =	shalt  }
0x4a: {  	_ =	shalt  }
0x4b: {  	_ =	shalt  }
0x4c: {  	_ =	shalt  }
0x4d: {  	_ =	shalt  }
0x4e: {  	_ =	shalt  }
0x4f: {  	_ =	shalt  }
0x50: {  	_ =	shalt  }
0x51: {  	_ =	shalt  }
0x52: {  	_ =	shalt  }
0x53: {  	_ =	shalt  }
0x54: {  	_ =	shalt  }
0x55: {  	_ =	shalt  }
0x56: {  	_ =	shalt  }
0x57: {  	_ =	shalt  }
0x58: {  	_ =	shalt  }
0x59: {  	_ =	shalt  }
0x5a: {  	_ =	shalt  }
0x5b: {  	_ =	shalt  }
0x5c: {  	_ =	shalt  }
0x5d: {  	_ =	shalt  }
0x5e: {  	_ =	shalt  }
0x5f: {  	_ =	shalt  }
0x60: {  	_ =	shalt  }
0x61: {  	_ =	shalt  }
0x62: {  	_ =	shalt  }
0x63: {  	_ =	shalt  }
0x64: {  	_ =	shalt  }
0x65: {  	_ =	shalt  }
0x66: {  	_ =	shalt  }
0x67: {  	_ =	shalt  }
0x68: {  	_ =	shalt  }
0x69: {  	_ =	shalt  }
0x6a: {  	_ =	shalt  }
0x6b: {  	_ =	shalt  }
0x6c: {  	_ =	shalt  }
0x6d: {  	_ =	shalt  }
0x6e: {  	_ =	shalt  }
0x6f: {  	_ =	shalt  }
0x70: {  	_ =	shalt  }
0x71: {  	_ =	shalt  }
0x72: {  	_ =	shalt  }
0x73: {  	_ =	shalt  }
0x74: {  	_ =	shalt  }
0x75: {  	_ =	shalt  }
0x76: {  	_ =	shalt  }
0x77: {  	_ =	shalt  }
0x78: {  	_ =	shalt  }
0x79: {  	_ =	shalt  }
0x7a: {  	_ =	shalt  }
0x7b: {  	_ =	shalt  }
0x7c: {  	_ =	shalt  }
0x7d: {  	_ =	shalt  }
0x7e: {  	_ =	shalt  }
0x7f: {  	_ =	shalt  }
0x80: {  	_ =	shalt  }
0x81: {  	_ =	shalt  }
0x82: {  	_ =	shalt  }
0x83: {  	_ =	shalt  }
0x84: {  	_ =	shalt  }
0x85: {  	_ =	shalt  }
0x86: {  	_ =	shalt  }
0x87: {  	_ =	shalt  }
.Lfunc_end0:
.L_simem_size_0:
called_computation.1_lowered:
.L_overlay_start_0:
0x88: {  	s2 =	sld [smem:$0x3FD9]  }
0x89: {  	s3 =	sld [smem:$0x3FFE];
	_ =	sdelay $0x1  }
0x8a: {  	s1 =	srdreg.scid  }
0x8b: {  	s0 =	sand.u32 $0x1, s1  }
0x8c: {  	s16 =	sshll.u32 s0, $0xA;
	s2 =	sadd.s32 s3, s2  }
0x8d: {  	s2 =	sadd.s32 s2, s16  }
0x8e: {  	[smem:$0x3FAF] =	sst s2  }
0x8f: {  	_ = 	snop  }
0x90: {  	(tm) =	ssettm $0x1  }
0x91: {  	s17 =	sld [smem:$0x3FFB];
	_ =	sdelay $0x3  }
0x92: {  	_ =	strace s17  }
0x93: {  	s2 =	sld [smem:$0x3FFC];
	_ =	sdelay $0x3  }
0x94: {  	_ =	strace s2  }
0x95: {  	s2 =	sld [smem:$0x3FFD];
	_ =	sdelay $0x3  }
0x96: {  	_ =	strace s2  }
0x97: {  	_ =	strace $0x8FFFFFFF  }
0x98: {  	s18 =	sld [smem:$0x3FDB];
	_ =	sdelay $0x1  }
0x99: {  	s19 =	simm.s32 $_scs_section_size  }
0x9a: {  	s4 =	simm.s32 $_size__tile_overlayer_lowered;
	s5 =	simm.s32 $_tile_overlayer_lowered  }
0x9b: {  	s22 =	simm.s32 $0x1BFF;
	s21 =	sshll.u32 s5, $0x1;
	s2 =	sadd.s32 s19, s18  }
0x9c: {  	s6 =	simm.s32 $0x0;
	s20 =	sshll.u32 s4, $0x1;
	s4 =	sadd.s32 s21, s2  }
0x9d: {  	[timem:s6], [sflag:s22] =	dma.local [hbm:s4], s20  }
0x9e: {  	_ =	swait.ge [sflag:s22], s20  }
0x9f: {  	s3 =	ssub.s32 $0x0, s20;
	[sflag:s22] =	ssyncset.done $0x0  }
0xa0: {  	[sflag:s22] =	ssyncadd.s32 s3;
	_ =	sdelay $0x1  }
0xa1: {  	s23 =	simm.s32 $0x1B8B  }
0xa2: {  	_ =	swait.ge [sflag:s23], $0x1  }
0xa3: {  	[sflag:s23] =	ssyncset.done $0x0  }
0xa4: {  	s25 =	simm.s32 $0x1B8E;
	s24 =	sld [smem:$0x3FFE];
	[sflag:s23] =	ssyncadd.s32 $0xFFFFFFFF  }
0xa5: {  	s26 =	simm.s32 $execute0_lowered;
	[smem:$0x3FD2] =	sst s25  }
0xa6: {  	s4 =	sshll.u32 s26, $0x1;
	_ =	strace $0x80000049;
	[dreg:$0x1] =	wrdreg $0xFFFFFFFF  }
0xa7: {  	s28 =	simm.s32 $_size_execute0_lowered;
	s2 =	sadd.s32 s2, s4;
	[dreg:$0x0] =	wrdreg $0x0  }
0xa8: {  	s4 =	sshll.u32 s28, $0x1;
	[dreg:$0x2] =	wrdreg s2  }
0xa9: {  	[dreg:$0x3] =	wrdreg s4  }
0xaa: {  	[dreg:$0x4] =	wrdreg $0xC0  }
0xab: {  	_ =	task [dreg:s6], $0x5FFFF  }
0xac: {  	[dreg:$0x1] =	wrdreg $0xFFFFFFFF  }
0xad: {  	[dreg:$0x0] =	wrdreg $0x60  }
0xae: {  	[dreg:$0x2] =	wrdreg s24  }
0xaf: {  	[dreg:$0x3] =	wrdreg $0x90000  }
0xb0: {  	[dreg:$0x4] =	wrdreg $0x9  }
0xb1: {  	_ =	task.clear_ibuf [dreg:s6], $0x5FFFF;
	_ =	strace $0x90000049  }
0xb2: {  	s29 =	simm.s32 $0x9;
	_ =	strace $0x8000004B  }
0xb3: {  	_ =	swait.ge [sflag:s29], $0x1  }
0xb4: {  	[sflag:s29] =	ssyncadd.s32 $0xFFFFFFFF  }
0xb5: {  	_ =	strace $0x9000004B  }
0xb6: {  	_ =	sfence  }
0xb7: {  	s30 =	sld [smem:$0x0];
	_ =	sdelay $0x2  }
0xb8: {  	s31 =	sshll.u32 s1, $0xD;
	s1 =	sshrl.u32 s1, $0x2  }
0xb9: {  	s3 =	sand.u32 $0x4000, s31;
	s1 =	sadd.s32 s1, s30  }
0xba: {  	s0 =	sor.u32 s3, s0;
	s1 =	sshll.u32 s1, $0x11  }
0xbb: {  	s0 =	sor.u32 s1, s0  }
0xbc: {  	s0 =	sadd.s32 $0x8F2B, s0  }
0xbd: {  	[sflag:s0] =	ssyncadd.remote.s32 $0x1  }
0xbe: {  	_ =	sfence.sel $0xFFFF  }
0xbf: {  	[dreg:$0x0] =	wrdreg $0xFFFFFFFF;
	(pc) =	sbr.abs _section_cstart, $3  }
0xc0: {  	[dreg:$0x1] =	wrdreg $0xFFFFFFFF  }
0xc1: {  	_ =	task.clear_ibuf [dreg:s6], $0x2FFFF;
	_ =	strace $0x9FFFFFFF  }
0xc2: {  	(tm) =	ssettm $0x7FFFFFFF  }
0xc3: {  	_ =	shalt  }
tec
execute0_lowered:
.L_overlay_start_1:
0x0: {  	(tag) =	ssettag $0x1  }
0x1: {  	s1 =	srdreg.scid  }
0x2: {  	s0 =	stileid.u32;
	s6 =	rddreg [dreg:$0x0]  }
0x3: {  	s2 =	rddreg [dreg:$0x1];
	s3 =	simm.s32 $0x0;
	s7 =	smul.u32 $0x2800, s0  }
0x4: {  	s14 =	simm.s32 $0x80;
	s15 =	simm.s32 $0x5000;
	s10 =	smul.u32 $0x14000, s0  }
0x5: {  	s16 =	simm.s32 $0x1;
	s5 =	sand.u32 $0x1, s1;
	s12 =	smul.u32 $0x50000, s0  }
0x6: {  	s17 =	simm.s32 $0x0;
	s1 =	rddreg [dreg:$0x2];
	s4 =	smul.u32 $0x28000, s5  }
0x7: {  	[smem:$0x7FF] =	sst s3;
	s31 =	sshll.u32 s0, $0x6;
	s8 =	smul.u32 $0x140000, s5  }
0x8: {  	_ =	strace $0x8000004A;
	s29 =	ssub.s32 $0x2, s5;
	s5 =	sadd.s32 $0x14600, s6  }
0x9: {  	s11 =	sshrl.u32 s29, $0x1;
	s30 =	sshrl.u32 s12, $0x2;
	s12 =	sor.u32 $0x1C02, s31  }
0xa: {  	s4 =	sadd.s32 s7, s4;
	s7 =	sshrl.u32 s7, $0x3;
	s8 =	sadd.s32 s10, s8  }
0xb: {  	s10 =	ssub.s32 s29, s11;
	s13 =	sadd.s32 s30, s2;
	s11 =	simm.s32 $0x2800  }
0xc: {  	s9 =	sshrl.u32 s4, $0x3;
	s4 =	sadd.s32 $0xB3200, s6;
	s7 =	sadd.s32 s7, s6  }
0xd: {  	s8 =	sshrl.u32 s8, $0x3;
	s13 =	sshrl.u32 s13, $0x3;
	s9 =	sadd.s32 s9, s6  }
0xe: {  	s8 =	sadd.s32 s8, s6;
	s7 =	sadd.s32 $0x5600, s7;
	s6 =	sadd.s32 $0xA600, s9  }
0xf: {  	s8 =	sadd.s32 $0x101400, s8;
	s9 =	smax.u32 s10, $0x1;
	s10 =	simm.s32 $0x2  }
.LBB2_1:
0x10: {  	[tilespmem:s3], [sflag:$0x2] =	stream.linear.gather [hbm4b:s6+s3], $0x2800, $0x38;
	[tilespmem:$0x1D000] =	vst v63  }
0x11: {  	_ =	swait.ge [sflag:s10], $0x2800  }
0x12: {  	[sflag:s10] =	ssyncset.done $0x0  }
0x13: {  	[sflag:s10] =	ssyncadd.s32 $0xFFFFD800  }
0x14: {  	[tilespmem:s11], [sflag:$0x2] =	stream.linear.gather [hbm4b:s7+s3], $0x2800, $0x38;
	[tilespmem:$0x1D000] =	vst v63  }
0x15: {  	_ =	swait.ge [sflag:s10], $0x2800  }
0x16: {  	[sflag:s10] =	ssyncset.done $0x0  }
0x17: {  	[sflag:s10] =	ssyncadd.s32 $0xFFFFD800  }
0x18: {  	[spmem:s13], [sflag:s12] =	dma.local [hbm:s5], $0x2800  }
0x19: {  	_ =	swait.ge [sflag:s10], $0x2800  }
0x1a: {  	[sflag:s10] =	ssyncset.done $0x0  }
0x1b: {  	[sflag:s10] =	ssyncadd.s32 $0xFFFFD800  }
0x1c: {  	s18 =	simm.s32 $0x0;
	[bflag:$0x0] =	sbarrier.arrive $0xFFFF  }
0x1d: {  	[tilespmem:s15], [sflag:$0x1] =	stream.indirect.gather [hbm4b:s4+s14], $0x80, s18, s14, $0xb8;
	[tilespmem:$0x1D000] =	vst v63  }
0x1e: {  	_ =	swait.ge [sflag:s16], $0x4000  }
0x1f: {  	[sflag:s16] =	ssyncset.done $0x0  }
0x20: {  	s31 =	simm.s32 $0x2800;
	[sflag:s16] =	ssyncadd.s32 $0xFFFFC000  }
0x21: {  	[spmem:s2] =	stream.indirect.scatter.add.f32 [tilespmem:s15], [sflag:$0x2], $0x80, s31, s14, $0xb8;
	[tilespmem:$0x1D000] =	vst v63  }
0x22: {  	_ =	swait.ge [sflag:s10], $0x4000  }
0x23: {  	s19 =	simm.s32 $0x400;
	s18 =	simm.s32 $0x200;
	[sflag:s10] =	ssyncset.done $0x0  }
.LBB2_2:
0x24: {  	s20 =	sshra.s32 s18, $0x2  }
0x25: {  	[sflag:s10] =	ssyncadd.s32 $0xFFFFC000;
	s18 =	smov.u32 s19;
	s21 =	sadd.s32 $0x200, s19  }
0x26: {  	[tilespmem:s15], [sflag:$0x1] =	stream.indirect.gather [hbm4b:s4+s14], $0x80, s20, s14, $0xb8;
	[tilespmem:$0x1D000] =	vst v63  }
0x27: {  	p0 =	sne.s32 s19, $0x9E00;
	_ =	swait.ge [sflag:s16], $0x4000  }
.Ltmp0:
0x28: {  	[sflag:s16] =	ssyncset.done $0x0;
	(pc) =	sbr.rel @p0 .LBB2_2-.Ltmp0, $4  }
0x29: {  	s19 =	sadd.s32 $0x2800, s20;
	[sflag:s16] =	ssyncadd.s32 $0xFFFFC000  }
0x2a: {  	[spmem:s2] =	stream.indirect.scatter.add.f32 [tilespmem:s15], [sflag:$0x2], $0x80, s19, s14, $0xb8;
	[tilespmem:$0x1D000] =	vst v63  }
0x2b: {  	_ =	swait.ge [sflag:s10], $0x4000  }
0x2c: {  	s19 =	smov.u32 s21;
	[sflag:s10] =	ssyncset.done $0x0  }
0x2d: {  	s18 =	sshra.s32 s18, $0x2;
	[sflag:s10] =	ssyncadd.s32 $0xFFFFC000  }
0x2e: {  	[tilespmem:s15], [sflag:$0x1] =	stream.indirect.gather [hbm4b:s4+s14], $0x80, s18, s14, $0xb8;
	[tilespmem:$0x1D000] =	vst v63  }
0x2f: {  	_ =	swait.ge [sflag:s16], $0x4000  }
0x30: {  	[sflag:s16] =	ssyncset.done $0x0  }
0x31: {  	s18 =	sadd.s32 $0x2800, s18;
	[sflag:s16] =	ssyncadd.s32 $0xFFFFC000  }
0x32: {  	[spmem:s2] =	stream.indirect.scatter.add.f32 [tilespmem:s15], [sflag:$0x2], $0x80, s18, s14, $0xb8;
	[tilespmem:$0x1D000] =	vst v63  }
0x33: {  	_ =	swait.ge [sflag:s10], $0x4000  }
0x34: {  	s17 =	sadd.s32 $0x1, s17;
	[sflag:s10] =	ssyncset.done $0x0  }
0x35: {  	p0 =	sne.s32 s17, s9;
	[sflag:s10] =	ssyncadd.s32 $0xFFFFC000  }
.Ltmp1:
0x36: {  	[bflag:$0x0] =	sbarrier.arrive $0xFFFF;
	(pc) =	sbr.rel @p0 .LBB2_1-.Ltmp1, $4  }
0x37: {  	[hbm:s8], [sflag:s12] =	dma.local [spmem:s13], $0x2800  }
0x38: {  	_ =	swait.ge [sflag:s10], $0x2800  }
0x39: {  	[sflag:s10] =	ssyncset.done $0x0  }
0x3a: {  	[sflag:s10] =	ssyncadd.s32 $0xFFFFD800  }
0x3b: {  	_ =	sfence.sel $0x180000  }
0x3c: {  	[bflag:$0x0] =	sbarrier.arrive $0xFFFF  }
0x3d: {  	p0 =	sne.s32 s0, $0x0;
	_ =	strace $0x9000004A  }
0x3e: {  	s0 =	sadd.s32 @!p0 $0x100000, s1;
	[bflag:$0x2] =	sbarrier.arrive $0xFFFF  }
0x3f: {  	[sflag:s0] =	ssyncadd.tile.s32 @!p0 $0x1;
	_ =	shalt  }
.Lfunc_end2:
_tile_overlayer_lowered:
.L_overlay_start_2:
0x40: {  	(tag) =	ssettag $0x2  }
0x41: {  	s0 =	rddreg [dreg:$0x0];
	s2 =	stileid.u32  }
0x42: {  	s1 =	rddreg [dreg:$0x1];
	p0 =	sne.s32 s2, $0x0  }
0x43: {  	s3 =	rddreg [dreg:$0x2];
	[bflag:$0x3] =	sbarrier.arrive $0xFFFF;
	s2 =	simm.s32 @!p0 $0x1C02  }
0x44: {  	[timem:s3], [sflag:s2] =	dma.local @!p0 [hbm:s0], s1  }
0x45: {  	s0 =	simm.s32 @!p0 $0x2  }
0x46: {  	_ =	swait.ge @!p0 [sflag:s0], s1  }
0x47: {  	s1 =	ssub.s32 @!p0 $0x0, s1;
	[sflag:s0] =	ssyncset.done @!p0 $0x0  }
0x48: {  	[sflag:s0] =	ssyncadd.s32 @!p0 s1  }
0x49: {  	[bflag:$0x3] =	sbarrier.arrive $0xFFFF  }
0x4a: {  	_ =	shalt  }

// kernel: kernel.23.cloned.1.call-start
scs
__scs_entry_jumppad:
0x0: {  	(pc) =	sbr.rel $0x88, $3  }
0x1: {  	(tag) =	ssettag $0x0;
	lr =	simm.s32 $0x1  }
0x2: {  	[smem:$0x3F88] =	sst lr;
	_ =	strace $0xD0000000  }
0x3: {  	_ = 	snop  }
0x4: {  	_ = 	snop  }
0x5: {  	_ = 	snop  }
0x6: {  	_ = 	snop  }
0x7: {  	_ = 	snop  }
__scs_overlays_trampoline_lowered:
0x8: {  	[smem:$0x3F97] =	sst s0  }
0x9: {  	[smem:$0x3F98] =	sst s1  }
0xa: {  	[smem:$0x3F99] =	sst s2  }
0xb: {  	[smem:$0x3F9A] =	sst s3  }
0xc: {  	[smem:$0x3F9B] =	sst s4  }
0xd: {  	[smem:$0x3F9C] =	sst s5  }
0xe: {  	[smem:$0x3F9D] =	sst s6  }
0xf: {  	[smem:$0x3F9E] =	sst s7  }
0x10: {  	[smem:$0x3F9F] =	sst s8  }
0x11: {  	[smem:$0x3FA0] =	sst s9;
	s0 =	simm.s32 @!p0 $0x0  }
0x12: {  	s1 =	sld [smem:$0x3F86];
	s0 =	simm.s32 @p0 $0x1  }
0x13: {  	[smem:$0x3FA1] =	sst s0;
	s0 =	simm.s32 @!p1 $0x0  }
0x14: {  	s2 =	sld [smem:$0x3F85];
	s0 =	simm.s32 @p1 $0x1  }
0x15: {  	[smem:$0x3FA2] =	sst s0;
	s0 =	simm.s32 @!p2 $0x0  }
0x16: {  	s3 =	sld [smem:$0x3FDB];
	s0 =	simm.s32 @p2 $0x1  }
0x17: {  	s4 =	simm.s32 $0x1BF5;
	[smem:$0x3FA4] =	sst s0  }
0x18: {  	s0 =	sld [smem:$0x3F87];
	_ =	swait.ge [sflag:s4], $0x0  }
0x19: {  	s7 =	sld [smem:$0x3F88]  }
0x1a: {  	s8 =	sadd.s32 $0xFFFFE003, lr  }
0x1b: {  	s9 =	sadd.s32 $0xFFFFFEF7, lr;
	s5 =	simm.s32 $0xFFFFFFFF;
	p2 =	slt.u32 s8, $0xFFFFF086  }
0x1c: {  	p1 =	slt.u32 s9, $0xF7A;
	s5 =	simm.s32 @!p2 $0x0  }
0x1d: {  	s5 =	simm.s32 @p1 $0x1;
	p0 =	seq.s32 s7, s2  }
0x1e: {  	s7 =	smul.u32 @!p0 $0xF7A, s2;
	p2 =	seq.s32 @!p0 s5, $0x0  }
0x1f: {  	s9 =	smul.u32 $0xF7A, s1;
	s8 =	simm.s32 @!p0 $0x1BF5;
	p2 =	por !p2, p0  }
0x20: {  	[sflag:s8] =	ssyncset.s32 @!p0 $0xFFFFF086;
	s6 =	sadd.s32 @!p0 s3, s7;
	s7 =	simm.s32 @!p0 $0x108  }
0x21: {  	s3 =	sadd.s32 s3, s9;
	s6 =	sadd.s32 @!p0 $0x88, s6;
	s7 =	simm.s32 @p2 $0x1082  }
0x22: {  	[simem:s7], [sflag:s8] =	dma.local @!p0 [hbm:s6], $0xF7A  }
0x23: {  	s9 =	sor.u32 $0xD0000000, s2;
	s6 =	simm.s32 $0x108;
	_ =	swait.ge @!p0 [sflag:s8], $0x0  }
0x24: {  	s3 =	sadd.s32 $0x88, s3;
	s6 =	simm.s32 @!p1 $0x1082;
	[sflag:s4] =	ssyncset.s32 $0xFFFFF086  }
0x25: {  	[simem:s6], [sflag:s4] =	dma.local [hbm:s3], $0xF7A  }
0x26: {  	[smem:$0x3F88] =	sst s1;
	(tag) =	ssettag s2;
	_ =	strace s9  }
0x27: {  	s1 =	sld [smem:$0x3F98]  }
0x28: {  	s2 =	sld [smem:$0x3F99]  }
0x29: {  	s4 =	sld [smem:$0x3F9B]  }
0x2a: {  	p0 =	seq.s32 s5, $0x0;
	s5 =	sld [smem:$0x3F9C]  }
0x2b: {  	s6 =	sld [smem:$0x3F9D]  }
0x2c: {  	s7 =	sld [smem:$0x3F9E]  }
0x2d: {  	s3 =	simm.s32 $0x108;
	s8 =	sld [smem:$0x3F9F]  }
0x2e: {  	s3 =	simm.s32 @!p0 $0x1082;
	s9 =	sld [smem:$0x3FA0]  }
0x2f: {  	lr =	sadd.s32 s0, s3;
	s0 =	sld [smem:$0x3F97]  }
0x30: {  	s3 =	sld [smem:$0x3F9A]  }
0x31: {  	[smem:$0x3FA3] =	sst s10  }
0x32: {  	s10 =	sld [smem:$0x3FA1];
	_ =	sdelay $0x3  }
0x33: {  	p0 =	seq.s32 s10, $0x1;
	s10 =	sld [smem:$0x3FA3];
	_ =	sdelay $0x3  }
0x34: {  	[smem:$0x3FA3] =	sst s10  }
0x35: {  	s10 =	sld [smem:$0x3FA2];
	_ =	sdelay $0x3  }
0x36: {  	p1 =	seq.s32 s10, $0x1;
	s10 =	sld [smem:$0x3FA3];
	_ =	sdelay $0x3  }
0x37: {  	[smem:$0x3FA3] =	sst s10  }
0x38: {  	s10 =	sld [smem:$0x3FA4]  }
0x39: {  	_ = 	snop;
	(pc) =	sbr.ind lr, $3  }
0x3a: {  	_ = 	snop  }
0x3b: {  	_ = 	snop  }
0x3c: {  	p2 =	seq.s32 s10, $0x1;
	s10 =	sld [smem:$0x3FA3]  }
0x3d: {  	_ =	shalt  }
0x3e: {  	_ =	shalt  }
0x3f: {  	_ =	shalt  }
0x40: {  	_ =	shalt  }
0x41: {  	_ =	shalt  }
0x42: {  	_ =	shalt  }
0x43: {  	_ =	shalt  }
0x44: {  	_ =	shalt  }
0x45: {  	_ =	shalt  }
0x46: {  	_ =	shalt  }
0x47: {  	_ =	shalt  }
0x48: {  	_ =	shalt  }
0x49: {  	_ =	shalt  }
0x4a: {  	_ =	shalt  }
0x4b: {  	_ =	shalt  }
0x4c: {  	_ =	shalt  }
0x4d: {  	_ =	shalt  }
0x4e: {  	_ =	shalt  }
0x4f: {  	_ =	shalt  }
0x50: {  	_ =	shalt  }
0x51: {  	_ =	shalt  }
0x52: {  	_ =	shalt  }
0x53: {  	_ =	shalt  }
0x54: {  	_ =	shalt  }
0x55: {  	_ =	shalt  }
0x56: {  	_ =	shalt  }
0x57: {  	_ =	shalt  }
0x58: {  	_ =	shalt  }
0x59: {  	_ =	shalt  }
0x5a: {  	_ =	shalt  }
0x5b: {  	_ =	shalt  }
0x5c: {  	_ =	shalt  }
0x5d: {  	_ =	shalt  }
0x5e: {  	_ =	shalt  }
0x5f: {  	_ =	shalt  }
0x60: {  	_ =	shalt  }
0x61: {  	_ =	shalt  }
0x62: {  	_ =	shalt  }
0x63: {  	_ =	shalt  }
0x64: {  	_ =	shalt  }
0x65: {  	_ =	shalt  }
0x66: {  	_ =	shalt  }
0x67: {  	_ =	shalt  }
0x68: {  	_ =	shalt  }
0x69: {  	_ =	shalt  }
0x6a: {  	_ =	shalt  }
0x6b: {  	_ =	shalt  }
0x6c: {  	_ =	shalt  }
0x6d: {  	_ =	shalt  }
0x6e: {  	_ =	shalt  }
0x6f: {  	_ =	shalt  }
0x70: {  	_ =	shalt  }
0x71: {  	_ =	shalt  }
0x72: {  	_ =	shalt  }
0x73: {  	_ =	shalt  }
0x74: {  	_ =	shalt  }
0x75: {  	_ =	shalt  }
0x76: {  	_ =	shalt  }
0x77: {  	_ =	shalt  }
0x78: {  	_ =	shalt  }
0x79: {  	_ =	shalt  }
0x7a: {  	_ =	shalt  }
0x7b: {  	_ =	shalt  }
0x7c: {  	_ =	shalt  }
0x7d: {  	_ =	shalt  }
0x7e: {  	_ =	shalt  }
0x7f: {  	_ =	shalt  }
0x80: {  	_ =	shalt  }
0x81: {  	_ =	shalt  }
0x82: {  	_ =	shalt  }
0x83: {  	_ =	shalt  }
0x84: {  	_ =	shalt  }
0x85: {  	_ =	shalt  }
0x86: {  	_ =	shalt  }
0x87: {  	_ =	shalt  }
.Lfunc_end0:
.L_simem_size_0:
called_computation.2_lowered:
.L_overlay_start_0:
0x88: {  	s2 =	sld [smem:$0x3FD9]  }
0x89: {  	s3 =	sld [smem:$0x3FFE];
	_ =	sdelay $0x1  }
0x8a: {  	s1 =	srdreg.scid  }
0x8b: {  	s0 =	sand.u32 $0x1, s1  }
0x8c: {  	s16 =	sshll.u32 s0, $0xA;
	s2 =	sadd.s32 s3, s2  }
0x8d: {  	s2 =	sadd.s32 s2, s16  }
0x8e: {  	[smem:$0x3FAF] =	sst s2  }
0x8f: {  	_ = 	snop  }
0x90: {  	(tm) =	ssettm $0x1  }
0x91: {  	s17 =	sld [smem:$0x3FFB];
	_ =	sdelay $0x3  }
0x92: {  	_ =	strace s17  }
0x93: {  	s2 =	sld [smem:$0x3FFC];
	_ =	sdelay $0x3  }
0x94: {  	_ =	strace s2  }
0x95: {  	s2 =	sld [smem:$0x3FFD];
	_ =	sdelay $0x3  }
0x96: {  	_ =	strace s2  }
0x97: {  	_ =	strace $0x8FFFFFFF  }
0x98: {  	s18 =	sld [smem:$0x3FDB];
	_ =	sdelay $0x1  }
0x99: {  	s19 =	simm.s32 $_scs_section_size  }
0x9a: {  	s4 =	simm.s32 $_size__tile_overlayer_lowered;
	s5 =	simm.s32 $_tile_overlayer_lowered  }
0x9b: {  	s22 =	simm.s32 $0x1BFF;
	s21 =	sshll.u32 s5, $0x1;
	s2 =	sadd.s32 s19, s18  }
0x9c: {  	s6 =	simm.s32 $0x0;
	s20 =	sshll.u32 s4, $0x1;
	s4 =	sadd.s32 s21, s2  }
0x9d: {  	[timem:s6], [sflag:s22] =	dma.local [hbm:s4], s20  }
0x9e: {  	_ =	swait.ge [sflag:s22], s20  }
0x9f: {  	s3 =	ssub.s32 $0x0, s20;
	[sflag:s22] =	ssyncset.done $0x0  }
0xa0: {  	[sflag:s22] =	ssyncadd.s32 s3;
	_ =	sdelay $0x1  }
0xa1: {  	s23 =	simm.s32 $0x1B8B  }
0xa2: {  	_ =	swait.ge [sflag:s23], $0x1  }
0xa3: {  	[sflag:s23] =	ssyncset.done $0x0  }
0xa4: {  	s25 =	simm.s32 $0x1B8E;
	s24 =	sld [smem:$0x3FFE];
	[sflag:s23] =	ssyncadd.s32 $0xFFFFFFFF  }
0xa5: {  	s26 =	simm.s32 $execute0_lowered;
	[smem:$0x3FD2] =	sst s25  }
0xa6: {  	s4 =	sshll.u32 s26, $0x1;
	_ =	strace $0x8000004C;
	[dreg:$0x1] =	wrdreg $0xFFFFFFFF  }
0xa7: {  	s28 =	simm.s32 $_size_execute0_lowered;
	s2 =	sadd.s32 s2, s4;
	[dreg:$0x0] =	wrdreg $0x0  }
0xa8: {  	s4 =	sshll.u32 s28, $0x1;
	[dreg:$0x2] =	wrdreg s2  }
0xa9: {  	[dreg:$0x3] =	wrdreg s4  }
0xaa: {  	[dreg:$0x4] =	wrdreg $0xC0  }
0xab: {  	_ =	task [dreg:s6], $0x5FFFF  }
0xac: {  	[dreg:$0x1] =	wrdreg $0xFFFFFFFF  }
0xad: {  	[dreg:$0x0] =	wrdreg $0x60  }
0xae: {  	[dreg:$0x2] =	wrdreg s24  }
0xaf: {  	[dreg:$0x3] =	wrdreg $0x90000  }
0xb0: {  	[dreg:$0x4] =	wrdreg $0x9  }
0xb1: {  	_ =	task.clear_ibuf [dreg:s6], $0x5FFFF;
	_ =	strace $0x9000004C  }
0xb2: {  	s29 =	simm.s32 $0x9;
	_ =	strace $0x8000004E  }
0xb3: {  	_ =	swait.ge [sflag:s29], $0x1  }
0xb4: {  	[sflag:s29] =	ssyncadd.s32 $0xFFFFFFFF  }
0xb5: {  	_ =	strace $0x9000004E  }
0xb6: {  	_ =	sfence  }
0xb7: {  	s30 =	sld [smem:$0x0];
	_ =	sdelay $0x2  }
0xb8: {  	s31 =	sshll.u32 s1, $0xD;
	s1 =	sshrl.u32 s1, $0x2  }
0xb9: {  	s3 =	sand.u32 $0x4000, s31;
	s1 =	sadd.s32 s1, s30  }
0xba: {  	s0 =	sor.u32 s3, s0;
	s1 =	sshll.u32 s1, $0x11  }
0xbb: {  	s0 =	sor.u32 s1, s0  }
0xbc: {  	s0 =	sadd.s32 $0x8F2B, s0  }
0xbd: {  	[sflag:s0] =	ssyncadd.remote.s32 $0x1  }
0xbe: {  	_ =	sfence.sel $0xFFFF  }
0xbf: {  	[dreg:$0x0] =	wrdreg $0xFFFFFFFF;
	(pc) =	sbr.abs _section_cstart, $3  }
0xc0: {  	[dreg:$0x1] =	wrdreg $0xFFFFFFFF  }
0xc1: {  	_ =	task.clear_ibuf [dreg:s6], $0x2FFFF;
	_ =	strace $0x9FFFFFFF  }
0xc2: {  	(tm) =	ssettm $0x7FFFFFFF  }
0xc3: {  	_ =	shalt  }
tec
execute0_lowered:
.L_overlay_start_1:
0x0: {  	(tag) =	ssettag $0x1  }
0x1: {  	s1 =	srdreg.scid  }
0x2: {  	s0 =	stileid.u32;
	s6 =	rddreg [dreg:$0x0]  }
0x3: {  	s2 =	rddreg [dreg:$0x1];
	s3 =	simm.s32 $0x0;
	s7 =	smul.u32 $0x2800, s0  }
0x4: {  	s14 =	simm.s32 $0x80;
	s15 =	simm.s32 $0x5000;
	s10 =	smul.u32 $0x14000, s0  }
0x5: {  	s16 =	simm.s32 $0x1;
	s5 =	sand.u32 $0x1, s1;
	s12 =	smul.u32 $0x50000, s0  }
0x6: {  	s17 =	simm.s32 $0x0;
	s1 =	rddreg [dreg:$0x2];
	s4 =	smul.u32 $0x28000, s5  }
0x7: {  	[smem:$0x7FF] =	sst s3;
	s31 =	sshll.u32 s0, $0x6;
	s8 =	smul.u32 $0x140000, s5  }
0x8: {  	_ =	strace $0x8000004D;
	s29 =	ssub.s32 $0x2, s5;
	s5 =	sadd.s32 $0x14600, s6  }
0x9: {  	s11 =	sshrl.u32 s29, $0x1;
	s30 =	sshrl.u32 s12, $0x2;
	s12 =	sor.u32 $0x1C02, s31  }
0xa: {  	s4 =	sadd.s32 s7, s4;
	s7 =	sshrl.u32 s7, $0x3;
	s8 =	sadd.s32 s10, s8  }
0xb: {  	s10 =	ssub.s32 s29, s11;
	s13 =	sadd.s32 s30, s2;
	s11 =	simm.s32 $0x2800  }
0xc: {  	s9 =	sshrl.u32 s4, $0x3;
	s4 =	sadd.s32 $0x65000, s6;
	s7 =	sadd.s32 s7, s6  }
0xd: {  	s8 =	sshrl.u32 s8, $0x3;
	s13 =	sshrl.u32 s13, $0x3;
	s9 =	sadd.s32 s9, s6  }
0xe: {  	s8 =	sadd.s32 s8, s6;
	s7 =	sadd.s32 $0x5600, s7;
	s6 =	sadd.s32 $0xA600, s9  }
0xf: {  	s8 =	sadd.s32 $0xB3200, s8;
	s9 =	smax.u32 s10, $0x1;
	s10 =	simm.s32 $0x2  }
.LBB2_1:
0x10: {  	[tilespmem:s3], [sflag:$0x2] =	stream.linear.gather [hbm4b:s6+s3], $0x2800, $0x38;
	[tilespmem:$0x1D000] =	vst v63  }
0x11: {  	_ =	swait.ge [sflag:s10], $0x2800  }
0x12: {  	[sflag:s10] =	ssyncset.done $0x0  }
0x13: {  	[sflag:s10] =	ssyncadd.s32 $0xFFFFD800  }
0x14: {  	[tilespmem:s11], [sflag:$0x2] =	stream.linear.gather [hbm4b:s7+s3], $0x2800, $0x38;
	[tilespmem:$0x1D000] =	vst v63  }
0x15: {  	_ =	swait.ge [sflag:s10], $0x2800  }
0x16: {  	[sflag:s10] =	ssyncset.done $0x0  }
0x17: {  	[sflag:s10] =	ssyncadd.s32 $0xFFFFD800  }
0x18: {  	[spmem:s13], [sflag:s12] =	dma.local [hbm:s5], $0x2800  }
0x19: {  	_ =	swait.ge [sflag:s10], $0x2800  }
0x1a: {  	[sflag:s10] =	ssyncset.done $0x0  }
0x1b: {  	[sflag:s10] =	ssyncadd.s32 $0xFFFFD800  }
0x1c: {  	s18 =	simm.s32 $0x0;
	[bflag:$0x0] =	sbarrier.arrive $0xFFFF  }
0x1d: {  	[tilespmem:s15], [sflag:$0x1] =	stream.indirect.gather [hbm4b:s4+s14], $0x80, s18, s14, $0xb8;
	[tilespmem:$0x1D000] =	vst v63  }
0x1e: {  	_ =	swait.ge [sflag:s16], $0x4000  }
0x1f: {  	[sflag:s16] =	ssyncset.done $0x0  }
0x20: {  	s31 =	simm.s32 $0x2800;
	[sflag:s16] =	ssyncadd.s32 $0xFFFFC000  }
0x21: {  	[spmem:s2] =	stream.indirect.scatter.add.f32 [tilespmem:s15], [sflag:$0x2], $0x80, s31, s14, $0xb8;
	[tilespmem:$0x1D000] =	vst v63  }
0x22: {  	_ =	swait.ge [sflag:s10], $0x4000  }
0x23: {  	s19 =	simm.s32 $0x400;
	s18 =	simm.s32 $0x200;
	[sflag:s10] =	ssyncset.done $0x0  }
.LBB2_2:
0x24: {  	s20 =	sshra.s32 s18, $0x2  }
0x25: {  	[sflag:s10] =	ssyncadd.s32 $0xFFFFC000;
	s18 =	smov.u32 s19;
	s21 =	sadd.s32 $0x200, s19  }
0x26: {  	[tilespmem:s15], [sflag:$0x1] =	stream.indirect.gather [hbm4b:s4+s14], $0x80, s20, s14, $0xb8;
	[tilespmem:$0x1D000] =	vst v63  }
0x27: {  	p0 =	sne.s32 s19, $0x9E00;
	_ =	swait.ge [sflag:s16], $0x4000  }
.Ltmp0:
0x28: {  	[sflag:s16] =	ssyncset.done $0x0;
	(pc) =	sbr.rel @p0 .LBB2_2-.Ltmp0, $4  }
0x29: {  	s19 =	sadd.s32 $0x2800, s20;
	[sflag:s16] =	ssyncadd.s32 $0xFFFFC000  }
0x2a: {  	[spmem:s2] =	stream.indirect.scatter.add.f32 [tilespmem:s15], [sflag:$0x2], $0x80, s19, s14, $0xb8;
	[tilespmem:$0x1D000] =	vst v63  }
0x2b: {  	_ =	swait.ge [sflag:s10], $0x4000  }
0x2c: {  	s19 =	smov.u32 s21;
	[sflag:s10] =	ssyncset.done $0x0  }
0x2d: {  	s18 =	sshra.s32 s18, $0x2;
	[sflag:s10] =	ssyncadd.s32 $0xFFFFC000  }
0x2e: {  	[tilespmem:s15], [sflag:$0x1] =	stream.indirect.gather [hbm4b:s4+s14], $0x80, s18, s14, $0xb8;
	[tilespmem:$0x1D000] =	vst v63  }
0x2f: {  	_ =	swait.ge [sflag:s16], $0x4000  }
0x30: {  	[sflag:s16] =	ssyncset.done $0x0  }
0x31: {  	s18 =	sadd.s32 $0x2800, s18;
	[sflag:s16] =	ssyncadd.s32 $0xFFFFC000  }
0x32: {  	[spmem:s2] =	stream.indirect.scatter.add.f32 [tilespmem:s15], [sflag:$0x2], $0x80, s18, s14, $0xb8;
	[tilespmem:$0x1D000] =	vst v63  }
0x33: {  	_ =	swait.ge [sflag:s10], $0x4000  }
0x34: {  	s17 =	sadd.s32 $0x1, s17;
	[sflag:s10] =	ssyncset.done $0x0  }
0x35: {  	p0 =	sne.s32 s17, s9;
	[sflag:s10] =	ssyncadd.s32 $0xFFFFC000  }
.Ltmp1:
0x36: {  	[bflag:$0x0] =	sbarrier.arrive $0xFFFF;
	(pc) =	sbr.rel @p0 .LBB2_1-.Ltmp1, $4  }
0x37: {  	[hbm:s8], [sflag:s12] =	dma.local [spmem:s13], $0x2800  }
0x38: {  	_ =	swait.ge [sflag:s10], $0x2800  }
0x39: {  	[sflag:s10] =	ssyncset.done $0x0  }
0x3a: {  	[sflag:s10] =	ssyncadd.s32 $0xFFFFD800  }
0x3b: {  	_ =	sfence.sel $0x180000  }
0x3c: {  	[bflag:$0x0] =	sbarrier.arrive $0xFFFF  }
0x3d: {  	p0 =	sne.s32 s0, $0x0;
	_ =	strace $0x9000004D  }
0x3e: {  	s0 =	sadd.s32 @!p0 $0x100000, s1;
	[bflag:$0x2] =	sbarrier.arrive $0xFFFF  }
0x3f: {  	[sflag:s0] =	ssyncadd.tile.s32 @!p0 $0x1;
	_ =	shalt  }
.Lfunc_end2:
_tile_overlayer_lowered:
.L_overlay_start_2:
0x40: {  	(tag) =	ssettag $0x2  }
0x41: {  	s0 =	rddreg [dreg:$0x0];
	s2 =	stileid.u32  }
0x42: {  	s1 =	rddreg [dreg:$0x1];
	p0 =	sne.s32 s2, $0x0  }
0x43: {  	s3 =	rddreg [dreg:$0x2];
	[bflag:$0x3] =	sbarrier.arrive $0xFFFF;
	s2 =	simm.s32 @!p0 $0x1C02  }
0x44: {  	[timem:s3], [sflag:s2] =	dma.local @!p0 [hbm:s0], s1  }
0x45: {  	s0 =	simm.s32 @!p0 $0x2  }
0x46: {  	_ =	swait.ge @!p0 [sflag:s0], s1  }
0x47: {  	s1 =	ssub.s32 @!p0 $0x0, s1;
	[sflag:s0] =	ssyncset.done @!p0 $0x0  }
0x48: {  	[sflag:s0] =	ssyncadd.s32 @!p0 s1  }
0x49: {  	[bflag:$0x3] =	sbarrier.arrive $0xFFFF  }
0x4a: {  	_ =	shalt  }

// kernel: kernel.26.cloned.1.call-start
scs
__scs_entry_jumppad:
0x0: {  	(pc) =	sbr.rel $0x88, $3  }
0x1: {  	(tag) =	ssettag $0x0;
	lr =	simm.s32 $0x1  }
0x2: {  	[smem:$0x3F88] =	sst lr;
	_ =	strace $0xD0000000  }
0x3: {  	_ = 	snop  }
0x4: {  	_ = 	snop  }
0x5: {  	_ = 	snop  }
0x6: {  	_ = 	snop  }
0x7: {  	_ = 	snop  }
__scs_overlays_trampoline_lowered:
0x8: {  	[smem:$0x3F97] =	sst s0  }
0x9: {  	[smem:$0x3F98] =	sst s1  }
0xa: {  	[smem:$0x3F99] =	sst s2  }
0xb: {  	[smem:$0x3F9A] =	sst s3  }
0xc: {  	[smem:$0x3F9B] =	sst s4  }
0xd: {  	[smem:$0x3F9C] =	sst s5  }
0xe: {  	[smem:$0x3F9D] =	sst s6  }
0xf: {  	[smem:$0x3F9E] =	sst s7  }
0x10: {  	[smem:$0x3F9F] =	sst s8  }
0x11: {  	[smem:$0x3FA0] =	sst s9;
	s0 =	simm.s32 @!p0 $0x0  }
0x12: {  	s1 =	sld [smem:$0x3F86];
	s0 =	simm.s32 @p0 $0x1  }
0x13: {  	[smem:$0x3FA1] =	sst s0;
	s0 =	simm.s32 @!p1 $0x0  }
0x14: {  	s2 =	sld [smem:$0x3F85];
	s0 =	simm.s32 @p1 $0x1  }
0x15: {  	[smem:$0x3FA2] =	sst s0;
	s0 =	simm.s32 @!p2 $0x0  }
0x16: {  	s3 =	sld [smem:$0x3FDB];
	s0 =	simm.s32 @p2 $0x1  }
0x17: {  	s4 =	simm.s32 $0x1BF5;
	[smem:$0x3FA4] =	sst s0  }
0x18: {  	s0 =	sld [smem:$0x3F87];
	_ =	swait.ge [sflag:s4], $0x0  }
0x19: {  	s7 =	sld [smem:$0x3F88]  }
0x1a: {  	s8 =	sadd.s32 $0xFFFFE003, lr  }
0x1b: {  	s9 =	sadd.s32 $0xFFFFFEF7, lr;
	s5 =	simm.s32 $0xFFFFFFFF;
	p2 =	slt.u32 s8, $0xFFFFF086  }
0x1c: {  	p1 =	slt.u32 s9, $0xF7A;
	s5 =	simm.s32 @!p2 $0x0  }
0x1d: {  	s5 =	simm.s32 @p1 $0x1;
	p0 =	seq.s32 s7, s2  }
0x1e: {  	s7 =	smul.u32 @!p0 $0xF7A, s2;
	p2 =	seq.s32 @!p0 s5, $0x0  }
0x1f: {  	s9 =	smul.u32 $0xF7A, s1;
	s8 =	simm.s32 @!p0 $0x1BF5;
	p2 =	por !p2, p0  }
0x20: {  	[sflag:s8] =	ssyncset.s32 @!p0 $0xFFFFF086;
	s6 =	sadd.s32 @!p0 s3, s7;
	s7 =	simm.s32 @!p0 $0x108  }
0x21: {  	s3 =	sadd.s32 s3, s9;
	s6 =	sadd.s32 @!p0 $0x88, s6;
	s7 =	simm.s32 @p2 $0x1082  }
0x22: {  	[simem:s7], [sflag:s8] =	dma.local @!p0 [hbm:s6], $0xF7A  }
0x23: {  	s9 =	sor.u32 $0xD0000000, s2;
	s6 =	simm.s32 $0x108;
	_ =	swait.ge @!p0 [sflag:s8], $0x0  }
0x24: {  	s3 =	sadd.s32 $0x88, s3;
	s6 =	simm.s32 @!p1 $0x1082;
	[sflag:s4] =	ssyncset.s32 $0xFFFFF086  }
0x25: {  	[simem:s6], [sflag:s4] =	dma.local [hbm:s3], $0xF7A  }
0x26: {  	[smem:$0x3F88] =	sst s1;
	(tag) =	ssettag s2;
	_ =	strace s9  }
0x27: {  	s1 =	sld [smem:$0x3F98]  }
0x28: {  	s2 =	sld [smem:$0x3F99]  }
0x29: {  	s4 =	sld [smem:$0x3F9B]  }
0x2a: {  	p0 =	seq.s32 s5, $0x0;
	s5 =	sld [smem:$0x3F9C]  }
0x2b: {  	s6 =	sld [smem:$0x3F9D]  }
0x2c: {  	s7 =	sld [smem:$0x3F9E]  }
0x2d: {  	s3 =	simm.s32 $0x108;
	s8 =	sld [smem:$0x3F9F]  }
0x2e: {  	s3 =	simm.s32 @!p0 $0x1082;
	s9 =	sld [smem:$0x3FA0]  }
0x2f: {  	lr =	sadd.s32 s0, s3;
	s0 =	sld [smem:$0x3F97]  }
0x30: {  	s3 =	sld [smem:$0x3F9A]  }
0x31: {  	[smem:$0x3FA3] =	sst s10  }
0x32: {  	s10 =	sld [smem:$0x3FA1];
	_ =	sdelay $0x3  }
0x33: {  	p0 =	seq.s32 s10, $0x1;
	s10 =	sld [smem:$0x3FA3];
	_ =	sdelay $0x3  }
0x34: {  	[smem:$0x3FA3] =	sst s10  }
0x35: {  	s10 =	sld [smem:$0x3FA2];
	_ =	sdelay $0x3  }
0x36: {  	p1 =	seq.s32 s10, $0x1;
	s10 =	sld [smem:$0x3FA3];
	_ =	sdelay $0x3  }
0x37: {  	[smem:$0x3FA3] =	sst s10  }
0x38: {  	s10 =	sld [smem:$0x3FA4]  }
0x39: {  	_ = 	snop;
	(pc) =	sbr.ind lr, $3  }
0x3a: {  	_ = 	snop  }
0x3b: {  	_ = 	snop  }
0x3c: {  	p2 =	seq.s32 s10, $0x1;
	s10 =	sld [smem:$0x3FA3]  }
0x3d: {  	_ =	shalt  }
0x3e: {  	_ =	shalt  }
0x3f: {  	_ =	shalt  }
0x40: {  	_ =	shalt  }
0x41: {  	_ =	shalt  }
0x42: {  	_ =	shalt  }
0x43: {  	_ =	shalt  }
0x44: {  	_ =	shalt  }
0x45: {  	_ =	shalt  }
0x46: {  	_ =	shalt  }
0x47: {  	_ =	shalt  }
0x48: {  	_ =	shalt  }
0x49: {  	_ =	shalt  }
0x4a: {  	_ =	shalt  }
0x4b: {  	_ =	shalt  }
0x4c: {  	_ =	shalt  }
0x4d: {  	_ =	shalt  }
0x4e: {  	_ =	shalt  }
0x4f: {  	_ =	shalt  }
0x50: {  	_ =	shalt  }
0x51: {  	_ =	shalt  }
0x52: {  	_ =	shalt  }
0x53: {  	_ =	shalt  }
0x54: {  	_ =	shalt  }
0x55: {  	_ =	shalt  }
0x56: {  	_ =	shalt  }
0x57: {  	_ =	shalt  }
0x58: {  	_ =	shalt  }
0x59: {  	_ =	shalt  }
0x5a: {  	_ =	shalt  }
0x5b: {  	_ =	shalt  }
0x5c: {  	_ =	shalt  }
0x5d: {  	_ =	shalt  }
0x5e: {  	_ =	shalt  }
0x5f: {  	_ =	shalt  }
0x60: {  	_ =	shalt  }
0x61: {  	_ =	shalt  }
0x62: {  	_ =	shalt  }
0x63: {  	_ =	shalt  }
0x64: {  	_ =	shalt  }
0x65: {  	_ =	shalt  }
0x66: {  	_ =	shalt  }
0x67: {  	_ =	shalt  }
0x68: {  	_ =	shalt  }
0x69: {  	_ =	shalt  }
0x6a: {  	_ =	shalt  }
0x6b: {  	_ =	shalt  }
0x6c: {  	_ =	shalt  }
0x6d: {  	_ =	shalt  }
0x6e: {  	_ =	shalt  }
0x6f: {  	_ =	shalt  }
0x70: {  	_ =	shalt  }
0x71: {  	_ =	shalt  }
0x72: {  	_ =	shalt  }
0x73: {  	_ =	shalt  }
0x74: {  	_ =	shalt  }
0x75: {  	_ =	shalt  }
0x76: {  	_ =	shalt  }
0x77: {  	_ =	shalt  }
0x78: {  	_ =	shalt  }
0x79: {  	_ =	shalt  }
0x7a: {  	_ =	shalt  }
0x7b: {  	_ =	shalt  }
0x7c: {  	_ =	shalt  }
0x7d: {  	_ =	shalt  }
0x7e: {  	_ =	shalt  }
0x7f: {  	_ =	shalt  }
0x80: {  	_ =	shalt  }
0x81: {  	_ =	shalt  }
0x82: {  	_ =	shalt  }
0x83: {  	_ =	shalt  }
0x84: {  	_ =	shalt  }
0x85: {  	_ =	shalt  }
0x86: {  	_ =	shalt  }
0x87: {  	_ =	shalt  }
.Lfunc_end0:
.L_simem_size_0:
called_computation.3_lowered:
.L_overlay_start_0:
0x88: {  	s2 =	sld [smem:$0x3FD9]  }
0x89: {  	s3 =	sld [smem:$0x3FFE];
	_ =	sdelay $0x1  }
0x8a: {  	s1 =	srdreg.scid  }
0x8b: {  	s0 =	sand.u32 $0x1, s1  }
0x8c: {  	s16 =	sshll.u32 s0, $0xA;
	s2 =	sadd.s32 s3, s2  }
0x8d: {  	s2 =	sadd.s32 s2, s16  }
0x8e: {  	[smem:$0x3FAF] =	sst s2  }
0x8f: {  	_ = 	snop  }
0x90: {  	(tm) =	ssettm $0x1  }
0x91: {  	s17 =	sld [smem:$0x3FFB];
	_ =	sdelay $0x3  }
0x92: {  	_ =	strace s17  }
0x93: {  	s2 =	sld [smem:$0x3FFC];
	_ =	sdelay $0x3  }
0x94: {  	_ =	strace s2  }
0x95: {  	s2 =	sld [smem:$0x3FFD];
	_ =	sdelay $0x3  }
0x96: {  	_ =	strace s2  }
0x97: {  	_ =	strace $0x8FFFFFFF  }
0x98: {  	s18 =	sld [smem:$0x3FDB];
	_ =	sdelay $0x1  }
0x99: {  	s19 =	simm.s32 $_scs_section_size  }
0x9a: {  	s4 =	simm.s32 $_size__tile_overlayer_lowered;
	s5 =	simm.s32 $_tile_overlayer_lowered  }
0x9b: {  	s22 =	simm.s32 $0x1BFF;
	s21 =	sshll.u32 s5, $0x1;
	s2 =	sadd.s32 s19, s18  }
0x9c: {  	s6 =	simm.s32 $0x0;
	s20 =	sshll.u32 s4, $0x1;
	s4 =	sadd.s32 s21, s2  }
0x9d: {  	[timem:s6], [sflag:s22] =	dma.local [hbm:s4], s20  }
0x9e: {  	_ =	swait.ge [sflag:s22], s20  }
0x9f: {  	s3 =	ssub.s32 $0x0, s20;
	[sflag:s22] =	ssyncset.done $0x0  }
0xa0: {  	[sflag:s22] =	ssyncadd.s32 s3;
	_ =	sdelay $0x1  }
0xa1: {  	s23 =	simm.s32 $0x1B8B  }
0xa2: {  	_ =	swait.ge [sflag:s23], $0x1  }
0xa3: {  	[sflag:s23] =	ssyncset.done $0x0  }
0xa4: {  	s25 =	simm.s32 $0x1B8E;
	s24 =	sld [smem:$0x3FFE];
	[sflag:s23] =	ssyncadd.s32 $0xFFFFFFFF  }
0xa5: {  	s26 =	simm.s32 $execute0_lowered;
	[smem:$0x3FD2] =	sst s25  }
0xa6: {  	s4 =	sshll.u32 s26, $0x1;
	_ =	strace $0x8000004F;
	[dreg:$0x1] =	wrdreg $0xFFFFFFFF  }
0xa7: {  	s28 =	simm.s32 $_size_execute0_lowered;
	s2 =	sadd.s32 s2, s4;
	[dreg:$0x0] =	wrdreg $0x0  }
0xa8: {  	s4 =	sshll.u32 s28, $0x1;
	[dreg:$0x2] =	wrdreg s2  }
0xa9: {  	[dreg:$0x3] =	wrdreg s4  }
0xaa: {  	[dreg:$0x4] =	wrdreg $0xC0  }
0xab: {  	_ =	task [dreg:s6], $0x5FFFF  }
0xac: {  	[dreg:$0x1] =	wrdreg $0xFFFFFFFF  }
0xad: {  	[dreg:$0x0] =	wrdreg $0x60  }
0xae: {  	[dreg:$0x2] =	wrdreg s24  }
0xaf: {  	[dreg:$0x3] =	wrdreg $0x90000  }
0xb0: {  	[dreg:$0x4] =	wrdreg $0x9  }
0xb1: {  	_ =	task.clear_ibuf [dreg:s6], $0x5FFFF;
	_ =	strace $0x9000004F  }
0xb2: {  	s29 =	simm.s32 $0x9;
	_ =	strace $0x80000051  }
0xb3: {  	_ =	swait.ge [sflag:s29], $0x1  }
0xb4: {  	[sflag:s29] =	ssyncadd.s32 $0xFFFFFFFF  }
0xb5: {  	_ =	strace $0x90000051  }
0xb6: {  	_ =	sfence  }
0xb7: {  	s30 =	sld [smem:$0x0];
	_ =	sdelay $0x2  }
0xb8: {  	s31 =	sshll.u32 s1, $0xD;
	s1 =	sshrl.u32 s1, $0x2  }
0xb9: {  	s3 =	sand.u32 $0x4000, s31;
	s1 =	sadd.s32 s1, s30  }
0xba: {  	s0 =	sor.u32 s3, s0;
	s1 =	sshll.u32 s1, $0x11  }
0xbb: {  	s0 =	sor.u32 s1, s0  }
0xbc: {  	s0 =	sadd.s32 $0x8F2B, s0  }
0xbd: {  	[sflag:s0] =	ssyncadd.remote.s32 $0x1  }
0xbe: {  	_ =	sfence.sel $0xFFFF  }
0xbf: {  	[dreg:$0x0] =	wrdreg $0xFFFFFFFF;
	(pc) =	sbr.abs _section_cstart, $3  }
0xc0: {  	[dreg:$0x1] =	wrdreg $0xFFFFFFFF  }
0xc1: {  	_ =	task.clear_ibuf [dreg:s6], $0x2FFFF;
	_ =	strace $0x9FFFFFFF  }
0xc2: {  	(tm) =	ssettm $0x7FFFFFFF  }
0xc3: {  	_ =	shalt  }
tec
execute0_lowered:
.L_overlay_start_1:
0x0: {  	(tag) =	ssettag $0x1  }
0x1: {  	s1 =	srdreg.scid  }
0x2: {  	s0 =	stileid.u32;
	s6 =	rddreg [dreg:$0x0]  }
0x3: {  	s2 =	rddreg [dreg:$0x1];
	s3 =	simm.s32 $0x0;
	s7 =	smul.u32 $0x2800, s0  }
0x4: {  	s14 =	simm.s32 $0x80;
	s15 =	simm.s32 $0x5000;
	s10 =	smul.u32 $0x14000, s0  }
0x5: {  	s16 =	simm.s32 $0x1;
	s5 =	sand.u32 $0x1, s1;
	s12 =	smul.u32 $0x50000, s0  }
0x6: {  	s17 =	simm.s32 $0x0;
	s1 =	rddreg [dreg:$0x2];
	s4 =	smul.u32 $0x28000, s5  }
0x7: {  	[smem:$0x7FF] =	sst s3;
	s31 =	sshll.u32 s0, $0x6;
	s8 =	smul.u32 $0x140000, s5  }
0x8: {  	_ =	strace $0x80000050;
	s29 =	ssub.s32 $0x2, s5;
	s5 =	sadd.s32 $0x14600, s6  }
0x9: {  	s11 =	sshrl.u32 s29, $0x1;
	s30 =	sshrl.u32 s12, $0x2;
	s12 =	sor.u32 $0x1C02, s31  }
0xa: {  	s4 =	sadd.s32 s7, s4;
	s7 =	sshrl.u32 s7, $0x3;
	s8 =	sadd.s32 s10, s8  }
0xb: {  	s10 =	ssub.s32 s29, s11;
	s13 =	sadd.s32 s30, s2;
	s11 =	simm.s32 $0x2800  }
0xc: {  	s9 =	sshrl.u32 s4, $0x3;
	s4 =	sadd.s32 $0x65000, s6;
	s7 =	sadd.s32 s7, s6  }
0xd: {  	s8 =	sshrl.u32 s8, $0x3;
	s13 =	sshrl.u32 s13, $0x3;
	s9 =	sadd.s32 s9, s6  }
0xe: {  	s8 =	sadd.s32 s8, s6;
	s7 =	sadd.s32 $0x5600, s7;
	s6 =	sadd.s32 $0xA600, s9  }
0xf: {  	s8 =	sadd.s32 $0xB3200, s8;
	s9 =	smax.u32 s10, $0x1;
	s10 =	simm.s32 $0x2  }
.LBB2_1:
0x10: {  	[tilespmem:s3], [sflag:$0x2] =	stream.linear.gather [hbm4b:s6+s3], $0x2800, $0x38;
	[tilespmem:$0x1D000] =	vst v63  }
0x11: {  	_ =	swait.ge [sflag:s10], $0x2800  }
0x12: {  	[sflag:s10] =	ssyncset.done $0x0  }
0x13: {  	[sflag:s10] =	ssyncadd.s32 $0xFFFFD800  }
0x14: {  	[tilespmem:s11], [sflag:$0x2] =	stream.linear.gather [hbm4b:s7+s3], $0x2800, $0x38;
	[tilespmem:$0x1D000] =	vst v63  }
0x15: {  	_ =	swait.ge [sflag:s10], $0x2800  }
0x16: {  	[sflag:s10] =	ssyncset.done $0x0  }
0x17: {  	[sflag:s10] =	ssyncadd.s32 $0xFFFFD800  }
0x18: {  	[spmem:s13], [sflag:s12] =	dma.local [hbm:s5], $0x2800  }
0x19: {  	_ =	swait.ge [sflag:s10], $0x2800  }
0x1a: {  	[sflag:s10] =	ssyncset.done $0x0  }
0x1b: {  	[sflag:s10] =	ssyncadd.s32 $0xFFFFD800  }
0x1c: {  	s18 =	simm.s32 $0x0;
	[bflag:$0x0] =	sbarrier.arrive $0xFFFF  }
0x1d: {  	[tilespmem:s15], [sflag:$0x1] =	stream.indirect.gather [hbm4b:s4+s14], $0x80, s18, s14, $0xb8;
	[tilespmem:$0x1D000] =	vst v63  }
0x1e: {  	_ =	swait.ge [sflag:s16], $0x4000  }
0x1f: {  	[sflag:s16] =	ssyncset.done $0x0  }
0x20: {  	s31 =	simm.s32 $0x2800;
	[sflag:s16] =	ssyncadd.s32 $0xFFFFC000  }
0x21: {  	[spmem:s2] =	stream.indirect.scatter.add.f32 [tilespmem:s15], [sflag:$0x2], $0x80, s31, s14, $0xb8;
	[tilespmem:$0x1D000] =	vst v63  }
0x22: {  	_ =	swait.ge [sflag:s10], $0x4000  }
0x23: {  	s19 =	simm.s32 $0x400;
	s18 =	simm.s32 $0x200;
	[sflag:s10] =	ssyncset.done $0x0  }
.LBB2_2:
0x24: {  	s20 =	sshra.s32 s18, $0x2  }
0x25: {  	[sflag:s10] =	ssyncadd.s32 $0xFFFFC000;
	s18 =	smov.u32 s19;
	s21 =	sadd.s32 $0x200, s19  }
0x26: {  	[tilespmem:s15], [sflag:$0x1] =	stream.indirect.gather [hbm4b:s4+s14], $0x80, s20, s14, $0xb8;
	[tilespmem:$0x1D000] =	vst v63  }
0x27: {  	p0 =	sne.s32 s19, $0x9E00;
	_ =	swait.ge [sflag:s16], $0x4000  }
.Ltmp0:
0x28: {  	[sflag:s16] =	ssyncset.done $0x0;
	(pc) =	sbr.rel @p0 .LBB2_2-.Ltmp0, $4  }
0x29: {  	s19 =	sadd.s32 $0x2800, s20;
	[sflag:s16] =	ssyncadd.s32 $0xFFFFC000  }
0x2a: {  	[spmem:s2] =	stream.indirect.scatter.add.f32 [tilespmem:s15], [sflag:$0x2], $0x80, s19, s14, $0xb8;
	[tilespmem:$0x1D000] =	vst v63  }
0x2b: {  	_ =	swait.ge [sflag:s10], $0x4000  }
0x2c: {  	s19 =	smov.u32 s21;
	[sflag:s10] =	ssyncset.done $0x0  }
0x2d: {  	s18 =	sshra.s32 s18, $0x2;
	[sflag:s10] =	ssyncadd.s32 $0xFFFFC000  }
0x2e: {  	[tilespmem:s15], [sflag:$0x1] =	stream.indirect.gather [hbm4b:s4+s14], $0x80, s18, s14, $0xb8;
	[tilespmem:$0x1D000] =	vst v63  }
0x2f: {  	_ =	swait.ge [sflag:s16], $0x4000  }
0x30: {  	[sflag:s16] =	ssyncset.done $0x0  }
0x31: {  	s18 =	sadd.s32 $0x2800, s18;
	[sflag:s16] =	ssyncadd.s32 $0xFFFFC000  }
0x32: {  	[spmem:s2] =	stream.indirect.scatter.add.f32 [tilespmem:s15], [sflag:$0x2], $0x80, s18, s14, $0xb8;
	[tilespmem:$0x1D000] =	vst v63  }
0x33: {  	_ =	swait.ge [sflag:s10], $0x4000  }
0x34: {  	s17 =	sadd.s32 $0x1, s17;
	[sflag:s10] =	ssyncset.done $0x0  }
0x35: {  	p0 =	sne.s32 s17, s9;
	[sflag:s10] =	ssyncadd.s32 $0xFFFFC000  }
.Ltmp1:
0x36: {  	[bflag:$0x0] =	sbarrier.arrive $0xFFFF;
	(pc) =	sbr.rel @p0 .LBB2_1-.Ltmp1, $4  }
0x37: {  	[hbm:s8], [sflag:s12] =	dma.local [spmem:s13], $0x2800  }
0x38: {  	_ =	swait.ge [sflag:s10], $0x2800  }
0x39: {  	[sflag:s10] =	ssyncset.done $0x0  }
0x3a: {  	[sflag:s10] =	ssyncadd.s32 $0xFFFFD800  }
0x3b: {  	_ =	sfence.sel $0x180000  }
0x3c: {  	[bflag:$0x0] =	sbarrier.arrive $0xFFFF  }
0x3d: {  	p0 =	sne.s32 s0, $0x0;
	_ =	strace $0x90000050  }
0x3e: {  	s0 =	sadd.s32 @!p0 $0x100000, s1;
	[bflag:$0x2] =	sbarrier.arrive $0xFFFF  }
0x3f: {  	[sflag:s0] =	ssyncadd.tile.s32 @!p0 $0x1;
	_ =	shalt  }
.Lfunc_end2:
_tile_overlayer_lowered:
.L_overlay_start_2:
0x40: {  	(tag) =	ssettag $0x2  }
0x41: {  	s0 =	rddreg [dreg:$0x0];
	s2 =	stileid.u32  }
0x42: {  	s1 =	rddreg [dreg:$0x1];
	p0 =	sne.s32 s2, $0x0  }
0x43: {  	s3 =	rddreg [dreg:$0x2];
	[bflag:$0x3] =	sbarrier.arrive $0xFFFF;
	s2 =	simm.s32 @!p0 $0x1C02  }
0x44: {  	[timem:s3], [sflag:s2] =	dma.local @!p0 [hbm:s0], s1  }
0x45: {  	s0 =	simm.s32 @!p0 $0x2  }
0x46: {  	_ =	swait.ge @!p0 [sflag:s0], s1  }
0x47: {  	s1 =	ssub.s32 @!p0 $0x0, s1;
	[sflag:s0] =	ssyncset.done @!p0 $0x0  }
0x48: {  	[sflag:s0] =	ssyncadd.s32 @!p0 s1  }
0x49: {  	[bflag:$0x3] =	sbarrier.arrive $0xFFFF  }
0x4a: {  	_ =	shalt  }

// kernel: kernel.29.cloned.1.call-start
scs
__scs_entry_jumppad:
0x0: {  	(pc) =	sbr.rel $0x88, $3  }
0x1: {  	(tag) =	ssettag $0x0;
	lr =	simm.s32 $0x1  }
0x2: {  	[smem:$0x3F88] =	sst lr;
	_ =	strace $0xD0000000  }
0x3: {  	_ = 	snop  }
0x4: {  	_ = 	snop  }
0x5: {  	_ = 	snop  }
0x6: {  	_ = 	snop  }
0x7: {  	_ = 	snop  }
__scs_overlays_trampoline_lowered:
0x8: {  	[smem:$0x3F97] =	sst s0  }
0x9: {  	[smem:$0x3F98] =	sst s1  }
0xa: {  	[smem:$0x3F99] =	sst s2  }
0xb: {  	[smem:$0x3F9A] =	sst s3  }
0xc: {  	[smem:$0x3F9B] =	sst s4  }
0xd: {  	[smem:$0x3F9C] =	sst s5  }
0xe: {  	[smem:$0x3F9D] =	sst s6  }
0xf: {  	[smem:$0x3F9E] =	sst s7  }
0x10: {  	[smem:$0x3F9F] =	sst s8  }
0x11: {  	[smem:$0x3FA0] =	sst s9;
	s0 =	simm.s32 @!p0 $0x0  }
0x12: {  	s1 =	sld [smem:$0x3F86];
	s0 =	simm.s32 @p0 $0x1  }
0x13: {  	[smem:$0x3FA1] =	sst s0;
	s0 =	simm.s32 @!p1 $0x0  }
0x14: {  	s2 =	sld [smem:$0x3F85];
	s0 =	simm.s32 @p1 $0x1  }
0x15: {  	[smem:$0x3FA2] =	sst s0;
	s0 =	simm.s32 @!p2 $0x0  }
0x16: {  	s3 =	sld [smem:$0x3FDB];
	s0 =	simm.s32 @p2 $0x1  }
0x17: {  	s4 =	simm.s32 $0x1BF5;
	[smem:$0x3FA4] =	sst s0  }
0x18: {  	s0 =	sld [smem:$0x3F87];
	_ =	swait.ge [sflag:s4], $0x0  }
0x19: {  	s7 =	sld [smem:$0x3F88]  }
0x1a: {  	s8 =	sadd.s32 $0xFFFFE003, lr  }
0x1b: {  	s9 =	sadd.s32 $0xFFFFFEF7, lr;
	s5 =	simm.s32 $0xFFFFFFFF;
	p2 =	slt.u32 s8, $0xFFFFF086  }
0x1c: {  	p1 =	slt.u32 s9, $0xF7A;
	s5 =	simm.s32 @!p2 $0x0  }
0x1d: {  	s5 =	simm.s32 @p1 $0x1;
	p0 =	seq.s32 s7, s2  }
0x1e: {  	s7 =	smul.u32 @!p0 $0xF7A, s2;
	p2 =	seq.s32 @!p0 s5, $0x0  }
0x1f: {  	s9 =	smul.u32 $0xF7A, s1;
	s8 =	simm.s32 @!p0 $0x1BF5;
	p2 =	por !p2, p0  }
0x20: {  	[sflag:s8] =	ssyncset.s32 @!p0 $0xFFFFF086;
	s6 =	sadd.s32 @!p0 s3, s7;
	s7 =	simm.s32 @!p0 $0x108  }
0x21: {  	s3 =	sadd.s32 s3, s9;
	s6 =	sadd.s32 @!p0 $0x88, s6;
	s7 =	simm.s32 @p2 $0x1082  }
0x22: {  	[simem:s7], [sflag:s8] =	dma.local @!p0 [hbm:s6], $0xF7A  }
0x23: {  	s9 =	sor.u32 $0xD0000000, s2;
	s6 =	simm.s32 $0x108;
	_ =	swait.ge @!p0 [sflag:s8], $0x0  }
0x24: {  	s3 =	sadd.s32 $0x88, s3;
	s6 =	simm.s32 @!p1 $0x1082;
	[sflag:s4] =	ssyncset.s32 $0xFFFFF086  }
0x25: {  	[simem:s6], [sflag:s4] =	dma.local [hbm:s3], $0xF7A  }
0x26: {  	[smem:$0x3F88] =	sst s1;
	(tag) =	ssettag s2;
	_ =	strace s9  }
0x27: {  	s1 =	sld [smem:$0x3F98]  }
0x28: {  	s2 =	sld [smem:$0x3F99]  }
0x29: {  	s4 =	sld [smem:$0x3F9B]  }
0x2a: {  	p0 =	seq.s32 s5, $0x0;
	s5 =	sld [smem:$0x3F9C]  }
0x2b: {  	s6 =	sld [smem:$0x3F9D]  }
0x2c: {  	s7 =	sld [smem:$0x3F9E]  }
0x2d: {  	s3 =	simm.s32 $0x108;
	s8 =	sld [smem:$0x3F9F]  }
0x2e: {  	s3 =	simm.s32 @!p0 $0x1082;
	s9 =	sld [smem:$0x3FA0]  }
0x2f: {  	lr =	sadd.s32 s0, s3;
	s0 =	sld [smem:$0x3F97]  }
0x30: {  	s3 =	sld [smem:$0x3F9A]  }
0x31: {  	[smem:$0x3FA3] =	sst s10  }
0x32: {  	s10 =	sld [smem:$0x3FA1];
	_ =	sdelay $0x3  }
0x33: {  	p0 =	seq.s32 s10, $0x1;
	s10 =	sld [smem:$0x3FA3];
	_ =	sdelay $0x3  }
0x34: {  	[smem:$0x3FA3] =	sst s10  }
0x35: {  	s10 =	sld [smem:$0x3FA2];
	_ =	sdelay $0x3  }
0x36: {  	p1 =	seq.s32 s10, $0x1;
	s10 =	sld [smem:$0x3FA3];
	_ =	sdelay $0x3  }
0x37: {  	[smem:$0x3FA3] =	sst s10  }
0x38: {  	s10 =	sld [smem:$0x3FA4]  }
0x39: {  	_ = 	snop;
	(pc) =	sbr.ind lr, $3  }
0x3a: {  	_ = 	snop  }
0x3b: {  	_ = 	snop  }
0x3c: {  	p2 =	seq.s32 s10, $0x1;
	s10 =	sld [smem:$0x3FA3]  }
0x3d: {  	_ =	shalt  }
0x3e: {  	_ =	shalt  }
0x3f: {  	_ =	shalt  }
0x40: {  	_ =	shalt  }
0x41: {  	_ =	shalt  }
0x42: {  	_ =	shalt  }
0x43: {  	_ =	shalt  }
0x44: {  	_ =	shalt  }
0x45: {  	_ =	shalt  }
0x46: {  	_ =	shalt  }
0x47: {  	_ =	shalt  }
0x48: {  	_ =	shalt  }
0x49: {  	_ =	shalt  }
0x4a: {  	_ =	shalt  }
0x4b: {  	_ =	shalt  }
0x4c: {  	_ =	shalt  }
0x4d: {  	_ =	shalt  }
0x4e: {  	_ =	shalt  }
0x4f: {  	_ =	shalt  }
0x50: {  	_ =	shalt  }
0x51: {  	_ =	shalt  }
0x52: {  	_ =	shalt  }
0x53: {  	_ =	shalt  }
0x54: {  	_ =	shalt  }
0x55: {  	_ =	shalt  }
0x56: {  	_ =	shalt  }
0x57: {  	_ =	shalt  }
0x58: {  	_ =	shalt  }
0x59: {  	_ =	shalt  }
0x5a: {  	_ =	shalt  }
0x5b: {  	_ =	shalt  }
0x5c: {  	_ =	shalt  }
0x5d: {  	_ =	shalt  }
0x5e: {  	_ =	shalt  }
0x5f: {  	_ =	shalt  }
0x60: {  	_ =	shalt  }
0x61: {  	_ =	shalt  }
0x62: {  	_ =	shalt  }
0x63: {  	_ =	shalt  }
0x64: {  	_ =	shalt  }
0x65: {  	_ =	shalt  }
0x66: {  	_ =	shalt  }
0x67: {  	_ =	shalt  }
0x68: {  	_ =	shalt  }
0x69: {  	_ =	shalt  }
0x6a: {  	_ =	shalt  }
0x6b: {  	_ =	shalt  }
0x6c: {  	_ =	shalt  }
0x6d: {  	_ =	shalt  }
0x6e: {  	_ =	shalt  }
0x6f: {  	_ =	shalt  }
0x70: {  	_ =	shalt  }
0x71: {  	_ =	shalt  }
0x72: {  	_ =	shalt  }
0x73: {  	_ =	shalt  }
0x74: {  	_ =	shalt  }
0x75: {  	_ =	shalt  }
0x76: {  	_ =	shalt  }
0x77: {  	_ =	shalt  }
0x78: {  	_ =	shalt  }
0x79: {  	_ =	shalt  }
0x7a: {  	_ =	shalt  }
0x7b: {  	_ =	shalt  }
0x7c: {  	_ =	shalt  }
0x7d: {  	_ =	shalt  }
0x7e: {  	_ =	shalt  }
0x7f: {  	_ =	shalt  }
0x80: {  	_ =	shalt  }
0x81: {  	_ =	shalt  }
0x82: {  	_ =	shalt  }
0x83: {  	_ =	shalt  }
0x84: {  	_ =	shalt  }
0x85: {  	_ =	shalt  }
0x86: {  	_ =	shalt  }
0x87: {  	_ =	shalt  }
.Lfunc_end0:
.L_simem_size_0:
called_computation.4_lowered:
.L_overlay_start_0:
0x88: {  	s2 =	sld [smem:$0x3FD9]  }
0x89: {  	s3 =	sld [smem:$0x3FFE];
	_ =	sdelay $0x1  }
0x8a: {  	s1 =	srdreg.scid  }
0x8b: {  	s0 =	sand.u32 $0x1, s1  }
0x8c: {  	s16 =	sshll.u32 s0, $0xA;
	s2 =	sadd.s32 s3, s2  }
0x8d: {  	s2 =	sadd.s32 s2, s16  }
0x8e: {  	[smem:$0x3FAF] =	sst s2  }
0x8f: {  	_ = 	snop  }
0x90: {  	(tm) =	ssettm $0x1  }
0x91: {  	s17 =	sld [smem:$0x3FFB];
	_ =	sdelay $0x3  }
0x92: {  	_ =	strace s17  }
0x93: {  	s2 =	sld [smem:$0x3FFC];
	_ =	sdelay $0x3  }
0x94: {  	_ =	strace s2  }
0x95: {  	s2 =	sld [smem:$0x3FFD];
	_ =	sdelay $0x3  }
0x96: {  	_ =	strace s2  }
0x97: {  	_ =	strace $0x8FFFFFFF  }
0x98: {  	s18 =	sld [smem:$0x3FDB];
	_ =	sdelay $0x1  }
0x99: {  	s19 =	simm.s32 $_scs_section_size  }
0x9a: {  	s4 =	simm.s32 $_size__tile_overlayer_lowered;
	s5 =	simm.s32 $_tile_overlayer_lowered  }
0x9b: {  	s22 =	simm.s32 $0x1BFF;
	s21 =	sshll.u32 s5, $0x1;
	s2 =	sadd.s32 s19, s18  }
0x9c: {  	s6 =	simm.s32 $0x0;
	s20 =	sshll.u32 s4, $0x1;
	s4 =	sadd.s32 s21, s2  }
0x9d: {  	[timem:s6], [sflag:s22] =	dma.local [hbm:s4], s20  }
0x9e: {  	_ =	swait.ge [sflag:s22], s20  }
0x9f: {  	s3 =	ssub.s32 $0x0, s20;
	[sflag:s22] =	ssyncset.done $0x0  }
0xa0: {  	[sflag:s22] =	ssyncadd.s32 s3;
	_ =	sdelay $0x1  }
0xa1: {  	s23 =	simm.s32 $0x1B8B  }
0xa2: {  	_ =	swait.ge [sflag:s23], $0x1  }
0xa3: {  	[sflag:s23] =	ssyncset.done $0x0  }
0xa4: {  	s25 =	simm.s32 $0x1B8E;
	s24 =	sld [smem:$0x3FFE];
	[sflag:s23] =	ssyncadd.s32 $0xFFFFFFFF  }
0xa5: {  	s26 =	simm.s32 $execute0_lowered;
	[smem:$0x3FD2] =	sst s25  }
0xa6: {  	s4 =	sshll.u32 s26, $0x1;
	_ =	strace $0x80000052;
	[dreg:$0x1] =	wrdreg $0xFFFFFFFF  }
0xa7: {  	s28 =	simm.s32 $_size_execute0_lowered;
	s2 =	sadd.s32 s2, s4;
	[dreg:$0x0] =	wrdreg $0x0  }
0xa8: {  	s4 =	sshll.u32 s28, $0x1;
	[dreg:$0x2] =	wrdreg s2  }
0xa9: {  	[dreg:$0x3] =	wrdreg s4  }
0xaa: {  	[dreg:$0x4] =	wrdreg $0xC0  }
0xab: {  	_ =	task [dreg:s6], $0x5FFFF  }
0xac: {  	[dreg:$0x1] =	wrdreg $0xFFFFFFFF  }
0xad: {  	[dreg:$0x0] =	wrdreg $0x60  }
0xae: {  	[dreg:$0x2] =	wrdreg s24  }
0xaf: {  	[dreg:$0x3] =	wrdreg $0x90000  }
0xb0: {  	[dreg:$0x4] =	wrdreg $0x9  }
0xb1: {  	_ =	task.clear_ibuf [dreg:s6], $0x5FFFF;
	_ =	strace $0x90000052  }
0xb2: {  	s29 =	simm.s32 $0x9;
	_ =	strace $0x80000054  }
0xb3: {  	_ =	swait.ge [sflag:s29], $0x1  }
0xb4: {  	[sflag:s29] =	ssyncadd.s32 $0xFFFFFFFF  }
0xb5: {  	_ =	strace $0x90000054  }
0xb6: {  	_ =	sfence  }
0xb7: {  	s30 =	sld [smem:$0x0];
	_ =	sdelay $0x2  }
0xb8: {  	s31 =	sshll.u32 s1, $0xD;
	s1 =	sshrl.u32 s1, $0x2  }
0xb9: {  	s3 =	sand.u32 $0x4000, s31;
	s1 =	sadd.s32 s1, s30  }
0xba: {  	s0 =	sor.u32 s3, s0;
	s1 =	sshll.u32 s1, $0x11  }
0xbb: {  	s0 =	sor.u32 s1, s0  }
0xbc: {  	s0 =	sadd.s32 $0x8F2B, s0  }
0xbd: {  	[sflag:s0] =	ssyncadd.remote.s32 $0x1  }
0xbe: {  	_ =	sfence.sel $0xFFFF  }
0xbf: {  	[dreg:$0x0] =	wrdreg $0xFFFFFFFF;
	(pc) =	sbr.abs _section_cstart, $3  }
0xc0: {  	[dreg:$0x1] =	wrdreg $0xFFFFFFFF  }
0xc1: {  	_ =	task.clear_ibuf [dreg:s6], $0x2FFFF;
	_ =	strace $0x9FFFFFFF  }
0xc2: {  	(tm) =	ssettm $0x7FFFFFFF  }
0xc3: {  	_ =	shalt  }
tec
execute0_lowered:
.L_overlay_start_1:
0x0: {  	(tag) =	ssettag $0x1  }
0x1: {  	s1 =	srdreg.scid  }
0x2: {  	s0 =	stileid.u32;
	s6 =	rddreg [dreg:$0x0]  }
0x3: {  	s2 =	rddreg [dreg:$0x1];
	s3 =	simm.s32 $0x0;
	s7 =	smul.u32 $0x2800, s0  }
0x4: {  	s14 =	simm.s32 $0x80;
	s15 =	simm.s32 $0x5000;
	s10 =	smul.u32 $0x14000, s0  }
0x5: {  	s16 =	simm.s32 $0x1;
	s5 =	sand.u32 $0x1, s1;
	s12 =	smul.u32 $0x50000, s0  }
0x6: {  	s17 =	simm.s32 $0x0;
	s1 =	rddreg [dreg:$0x2];
	s4 =	smul.u32 $0x28000, s5  }
0x7: {  	[smem:$0x7FF] =	sst s3;
	s31 =	sshll.u32 s0, $0x6;
	s8 =	smul.u32 $0x140000, s5  }
0x8: {  	_ =	strace $0x80000053;
	s29 =	ssub.s32 $0x2, s5;
	s5 =	sadd.s32 $0x14600, s6  }
0x9: {  	s11 =	sshrl.u32 s29, $0x1;
	s30 =	sshrl.u32 s12, $0x2;
	s12 =	sor.u32 $0x1C02, s31  }
0xa: {  	s4 =	sadd.s32 s7, s4;
	s7 =	sshrl.u32 s7, $0x3;
	s8 =	sadd.s32 s10, s8  }
0xb: {  	s10 =	ssub.s32 s29, s11;
	s13 =	sadd.s32 s30, s2;
	s11 =	simm.s32 $0x2800  }
0xc: {  	s9 =	sshrl.u32 s4, $0x3;
	s4 =	sadd.s32 $0x65000, s6;
	s7 =	sadd.s32 s7, s6  }
0xd: {  	s8 =	sshrl.u32 s8, $0x3;
	s13 =	sshrl.u32 s13, $0x3;
	s9 =	sadd.s32 s9, s6  }
0xe: {  	s8 =	sadd.s32 s8, s6;
	s7 =	sadd.s32 $0x5600, s7;
	s6 =	sadd.s32 $0xA600, s9  }
0xf: {  	s8 =	sadd.s32 $0xB3200, s8;
	s9 =	smax.u32 s10, $0x1;
	s10 =	simm.s32 $0x2  }
.LBB2_1:
0x10: {  	[tilespmem:s3], [sflag:$0x2] =	stream.linear.gather [hbm4b:s6+s3], $0x2800, $0x38;
	[tilespmem:$0x1D000] =	vst v63  }
0x11: {  	_ =	swait.ge [sflag:s10], $0x2800  }
0x12: {  	[sflag:s10] =	ssyncset.done $0x0  }
0x13: {  	[sflag:s10] =	ssyncadd.s32 $0xFFFFD800  }
0x14: {  	[tilespmem:s11], [sflag:$0x2] =	stream.linear.gather [hbm4b:s7+s3], $0x2800, $0x38;
	[tilespmem:$0x1D000] =	vst v63  }
0x15: {  	_ =	swait.ge [sflag:s10], $0x2800  }
0x16: {  	[sflag:s10] =	ssyncset.done $0x0  }
0x17: {  	[sflag:s10] =	ssyncadd.s32 $0xFFFFD800  }
0x18: {  	[spmem:s13], [sflag:s12] =	dma.local [hbm:s5], $0x2800  }
0x19: {  	_ =	swait.ge [sflag:s10], $0x2800  }
0x1a: {  	[sflag:s10] =	ssyncset.done $0x0  }
0x1b: {  	[sflag:s10] =	ssyncadd.s32 $0xFFFFD800  }
0x1c: {  	s18 =	simm.s32 $0x0;
	[bflag:$0x0] =	sbarrier.arrive $0xFFFF  }
0x1d: {  	[tilespmem:s15], [sflag:$0x1] =	stream.indirect.gather [hbm4b:s4+s14], $0x80, s18, s14, $0xb8;
	[tilespmem:$0x1D000] =	vst v63  }
0x1e: {  	_ =	swait.ge [sflag:s16], $0x4000  }
0x1f: {  	[sflag:s16] =	ssyncset.done $0x0  }
0x20: {  	s31 =	simm.s32 $0x2800;
	[sflag:s16] =	ssyncadd.s32 $0xFFFFC000  }
0x21: {  	[spmem:s2] =	stream.indirect.scatter.add.f32 [tilespmem:s15], [sflag:$0x2], $0x80, s31, s14, $0xb8;
	[tilespmem:$0x1D000] =	vst v63  }
0x22: {  	_ =	swait.ge [sflag:s10], $0x4000  }
0x23: {  	s19 =	simm.s32 $0x400;
	s18 =	simm.s32 $0x200;
	[sflag:s10] =	ssyncset.done $0x0  }
.LBB2_2:
0x24: {  	s20 =	sshra.s32 s18, $0x2  }
0x25: {  	[sflag:s10] =	ssyncadd.s32 $0xFFFFC000;
	s18 =	smov.u32 s19;
	s21 =	sadd.s32 $0x200, s19  }
0x26: {  	[tilespmem:s15], [sflag:$0x1] =	stream.indirect.gather [hbm4b:s4+s14], $0x80, s20, s14, $0xb8;
	[tilespmem:$0x1D000] =	vst v63  }
0x27: {  	p0 =	sne.s32 s19, $0x9E00;
	_ =	swait.ge [sflag:s16], $0x4000  }
.Ltmp0:
0x28: {  	[sflag:s16] =	ssyncset.done $0x0;
	(pc) =	sbr.rel @p0 .LBB2_2-.Ltmp0, $4  }
0x29: {  	s19 =	sadd.s32 $0x2800, s20;
	[sflag:s16] =	ssyncadd.s32 $0xFFFFC000  }
0x2a: {  	[spmem:s2] =	stream.indirect.scatter.add.f32 [tilespmem:s15], [sflag:$0x2], $0x80, s19, s14, $0xb8;
	[tilespmem:$0x1D000] =	vst v63  }
0x2b: {  	_ =	swait.ge [sflag:s10], $0x4000  }
0x2c: {  	s19 =	smov.u32 s21;
	[sflag:s10] =	ssyncset.done $0x0  }
0x2d: {  	s18 =	sshra.s32 s18, $0x2;
	[sflag:s10] =	ssyncadd.s32 $0xFFFFC000  }
0x2e: {  	[tilespmem:s15], [sflag:$0x1] =	stream.indirect.gather [hbm4b:s4+s14], $0x80, s18, s14, $0xb8;
	[tilespmem:$0x1D000] =	vst v63  }
0x2f: {  	_ =	swait.ge [sflag:s16], $0x4000  }
0x30: {  	[sflag:s16] =	ssyncset.done $0x0  }
0x31: {  	s18 =	sadd.s32 $0x2800, s18;
	[sflag:s16] =	ssyncadd.s32 $0xFFFFC000  }
0x32: {  	[spmem:s2] =	stream.indirect.scatter.add.f32 [tilespmem:s15], [sflag:$0x2], $0x80, s18, s14, $0xb8;
	[tilespmem:$0x1D000] =	vst v63  }
0x33: {  	_ =	swait.ge [sflag:s10], $0x4000  }
0x34: {  	s17 =	sadd.s32 $0x1, s17;
	[sflag:s10] =	ssyncset.done $0x0  }
0x35: {  	p0 =	sne.s32 s17, s9;
	[sflag:s10] =	ssyncadd.s32 $0xFFFFC000  }
.Ltmp1:
0x36: {  	[bflag:$0x0] =	sbarrier.arrive $0xFFFF;
	(pc) =	sbr.rel @p0 .LBB2_1-.Ltmp1, $4  }
0x37: {  	[hbm:s8], [sflag:s12] =	dma.local [spmem:s13], $0x2800  }
0x38: {  	_ =	swait.ge [sflag:s10], $0x2800  }
0x39: {  	[sflag:s10] =	ssyncset.done $0x0  }
0x3a: {  	[sflag:s10] =	ssyncadd.s32 $0xFFFFD800  }
0x3b: {  	_ =	sfence.sel $0x180000  }
0x3c: {  	[bflag:$0x0] =	sbarrier.arrive $0xFFFF  }
0x3d: {  	p0 =	sne.s32 s0, $0x0;
	_ =	strace $0x90000053  }
0x3e: {  	s0 =	sadd.s32 @!p0 $0x100000, s1;
	[bflag:$0x2] =	sbarrier.arrive $0xFFFF  }
0x3f: {  	[sflag:s0] =	ssyncadd.tile.s32 @!p0 $0x1;
	_ =	shalt  }
.Lfunc_end2:
_tile_overlayer_lowered:
.L_overlay_start_2:
0x40: {  	(tag) =	ssettag $0x2  }
0x41: {  	s0 =	rddreg [dreg:$0x0];
	s2 =	stileid.u32  }
0x42: {  	s1 =	rddreg [dreg:$0x1];
	p0 =	sne.s32 s2, $0x0  }
0x43: {  	s3 =	rddreg [dreg:$0x2];
	[bflag:$0x3] =	sbarrier.arrive $0xFFFF;
	s2 =	simm.s32 @!p0 $0x1C02  }
0x44: {  	[timem:s3], [sflag:s2] =	dma.local @!p0 [hbm:s0], s1  }
0x45: {  	s0 =	simm.s32 @!p0 $0x2  }
0x46: {  	_ =	swait.ge @!p0 [sflag:s0], s1  }
0x47: {  	s1 =	ssub.s32 @!p0 $0x0, s1;
	[sflag:s0] =	ssyncset.done @!p0 $0x0  }
0x48: {  	[sflag:s0] =	ssyncadd.s32 @!p0 s1  }
0x49: {  	[bflag:$0x3] =	sbarrier.arrive $0xFFFF  }
0x4a: {  	_ =	shalt  }

</sc_bundles>
